<compile_context>
chip_gen: v7x
topology: tpu7x:2x2x1
jax: 0.10.2.dev20260603
libtpu: 0.0.44.dev20260713+nightly
codegen_flags: <defaults>
</compile_context>

<pallas_src>
import functools

import jax
import jax.numpy as jnp
from jax import lax
from jax.experimental import pallas as pl
from jax.experimental.pallas import tpu as pltpu
from jax.experimental.pallas import tpu_sc as plsc

_ALPHA = 4.0
_B, _L, _D = 8, 2048, 256
_TOTAL = _L * 4

_NC, _NS = 2, 16
_NW = _NC * _NS
_ROWS_PER_W = _B * _TOTAL // _NW
_WPB = _TOTAL // _ROWS_PER_W
_CHUNK = 128
_NCHUNK = _ROWS_PER_W // _CHUNK
_LANES = 16


def _predictor_body(x_ref, w1cat, w2cat, wpr, wps, out_ref):
    zrow = jnp.zeros((1, _D), jnp.float32)

    def conv(h, wcat):
        z = jnp.dot(h.astype(jnp.bfloat16), wcat[...],
                    preferred_element_type=jnp.float32)
        za, zb, zc = z[:, :_D], z[:, _D:2 * _D], z[:, 2 * _D:]
        top = jnp.concatenate([zrow, za[:-1]], axis=0)
        bot = jnp.concatenate([zc[1:], zrow], axis=0)
        return top + zb + bot

    def stats(h):
        m = jnp.mean(h, axis=-1, keepdims=True)
        v = jnp.mean((h - m) ** 2, axis=-1, keepdims=True)
        return m, lax.rsqrt(v + 1e-5)

    for b in range(_B):
        h = jax.nn.relu(conv(x_ref[b], w1cat))
        m, inv = stats(h)
        h = jax.nn.relu(conv((h - m) * inv, w2cat))
        m, inv = stats(h)
        r = jnp.sum(h * wpr[...], axis=-1, keepdims=True)
        out_ref[b, 0] = ((r - m * wps[...]) * inv)[:, 0]


def _predictor(x, w1cat, w2cat, wpr, wps):
    return pl.pallas_call(
        _predictor_body,
        out_shape=jax.ShapeDtypeStruct((_B, 1, _L), jnp.float32),
    )(x, w1cat, w2cat, wpr, wps)


def _expand_body(x_hbm, td_hbm, msl_hbm, out_hbm, td_v, msl_v, starts_v,
                 idx_v, rows0_v, rows1_v, rows2_v, gsem0, gsem1, wsem0,
                 wsem1):
    cid = lax.axis_index("c")
    sid = lax.axis_index("s")
    wid = sid * _NC + cid
    b = wid // _WPB
    t0 = (wid % _WPB) * _ROWS_PER_W
    row0 = wid * _ROWS_PER_W

    pltpu.sync_copy(td_hbm.at[b], td_v)
    pltpu.sync_copy(msl_hbm.at[b], msl_v)

    def cum_step(i, carry):
        sl = pl.ds(i * _LANES, _LANES)
        reps = (td_v[sl] * _ALPHA * msl_v[sl] + 0.5).astype(jnp.int32)
        inc = plsc.cumsum(reps)
        starts_v[sl] = inc - reps + carry
        return carry + jnp.max(inc)

    lax.fori_loop(0, _L // _LANES, cum_step, jnp.int32(0))

    lane = lax.iota(jnp.int32, _LANES)

    def search_step(k, state):
        pos, t = state
        step = lax.shift_right_logical(jnp.int32(2 * _L), k)
        cand = pos + step
        probe = jnp.minimum(cand - 1, _L - 1)
        val = plsc.load_gather(starts_v, [probe])
        take = (cand <= _L) & (val <= t)
        return jnp.where(take, cand, pos), t

    def bsearch(j, _):
        t = t0 + j * _LANES + lane
        pos = jnp.zeros((_LANES,), jnp.int32)
        pos, _t = lax.fori_loop(1, 13, search_step, (pos, t))
        idx = jnp.clip(pos - 1, 0, _L - 1) + b * _L
        idx_v[j // (_CHUNK // _LANES),
              pl.ds((j % (_CHUNK // _LANES)) * _LANES, _LANES)] = idx
        return 0

    lax.fori_loop(0, _ROWS_PER_W // _LANES, bsearch, 0)

    bufs = (rows0_v, rows1_v, rows2_v)
    gsem = (gsem0, gsem1)
    wsem = (wsem0, wsem1)

    def gat(c):
        return pltpu.async_copy(x_hbm.at[idx_v.at[c]], bufs[c % 3],
                                gsem[c % 2])

    def wrt(c):
        return pltpu.async_copy(bufs[c % 3],
                                out_hbm.at[pl.ds(row0 + c * _CHUNK, _CHUNK)],
                                wsem[c % 2])

    gcp = [None] * _NCHUNK
    wcp = [None] * _NCHUNK
    gcp[0] = gat(0)
    gcp[1] = gat(1)
    for c in range(_NCHUNK):
        gcp[c].wait()
        wcp[c] = wrt(c)
        if c + 2 < _NCHUNK:
            if c >= 1:
                wcp[c - 1].wait()
            gcp[c + 2] = gat(c + 2)
    wcp[_NCHUNK - 2].wait()
    wcp[_NCHUNK - 1].wait()


@functools.cache
def _expand():
    mesh = plsc.VectorSubcoreMesh(core_axis_name="c", subcore_axis_name="s",
                                  num_cores=_NC, num_subcores=_NS)
    return pl.kernel(
        _expand_body,
        out_type=jax.ShapeDtypeStruct((_B * _TOTAL, _D), jnp.float32),
        mesh=mesh,
        compiler_params=pltpu.CompilerParams(needs_layout_passes=False),
        scratch_types=[
            pltpu.VMEM((_L,), jnp.float32),
            pltpu.VMEM((_L,), jnp.float32),
            pltpu.VMEM((_L,), jnp.int32),
            pltpu.VMEM((_NCHUNK, _CHUNK), jnp.int32),
            pltpu.VMEM((_CHUNK, _D), jnp.float32),
            pltpu.VMEM((_CHUNK, _D), jnp.float32),
            pltpu.VMEM((_CHUNK, _D), jnp.float32),
            pltpu.SemaphoreType.DMA,
            pltpu.SemaphoreType.DMA,
            pltpu.SemaphoreType.DMA,
            pltpu.SemaphoreType.DMA,
        ],
    )


def kernel(x, teacher_durations, mel_spec_lengths, W1, b1, g1, be1,
           W2, b2, g2, be2, Wp, bp):
    w1cat = jnp.concatenate([W1[:, :, 0].T, W1[:, :, 1].T, W1[:, :, 2].T],
                            axis=1).astype(jnp.bfloat16)
    w2cat = jnp.concatenate([W2[:, :, 0].T, W2[:, :, 1].T, W2[:, :, 2].T],
                            axis=1).astype(jnp.bfloat16)
    wps = jnp.sum(Wp).reshape(1, 1)
    out_flat = _expand()(x.reshape(_B * _L, _D), teacher_durations,
                         mel_spec_lengths)
    log_pred = _predictor(x, w1cat, w2cat, Wp.reshape(1, _D), wps)
    return out_flat.reshape(_B, _TOTAL, _D), log_pred.reshape(_B, _L)

# --- scband reference (transcript-rebuilt; emitter-appended) ---
"""Pipeline reference for scband-length-regulator-65077344469577 (READ-ONLY COPY).

The authoritative reference and input builder live on the scoring server;
editing this copy changes nothing except your own understanding.
"""

import jax, jax.numpy as jnp
import numpy as np

ALPHA = 4.0
B, L, D = 8, 2048, 256
TOTAL = L * 4


def _layernorm(h, g, b, eps=1e-5):
    m = jnp.mean(h, axis=-1, keepdims=True)
    v = jnp.var(h, axis=-1, keepdims=True)
    return (h - m) / jnp.sqrt(v + eps) * g + b


def _conv1d(x, W, b):
    # x: [B, L, D] -> conv over L with SAME padding, kernel 3
    xt = jnp.transpose(x, (0, 2, 1))  # [B, D, L]
    y = jax.lax.conv_general_dilated(xt, W, window_strides=(1,), padding='SAME', dimension_numbers=('NCH', 'OIH', 'NCH'))
    y = y + b[None, :, None]
    return jnp.transpose(y, (0, 2, 1))  # [B, L, D]


def _duration_predictor(x, W1, b1, g1, be1, W2, b2, g2, be2, Wp, bp):
    h = jax.nn.relu(_conv1d(x, W1, b1))
    h = _layernorm(h, g1, be1)
    h = jax.nn.relu(_conv1d(h, W2, b2))
    h = _layernorm(h, g2, be2)
    log_pred = (h @ Wp + bp)[..., 0]  # [B, L]
    return log_pred


def setup_inputs(seed: int = 0):
    key = jax.random.key(seed)
    ks = jax.random.split(key, 6)
    x = jax.random.normal(ks[0], (B, L, D), dtype=jnp.float32)
    teacher_durations = jnp.ones((B, L), dtype=jnp.float32)
    mel_spec_lengths = jnp.ones((B, L), dtype=jnp.float32)
    W1 = jax.random.normal(ks[1], (D, D, 3), dtype=jnp.float32) * 0.02
    b1 = jnp.zeros((D,), dtype=jnp.float32)
    g1 = jnp.ones((D,), dtype=jnp.float32)
    be1 = jnp.zeros((D,), dtype=jnp.float32)
    W2 = jax.random.normal(ks[2], (D, D, 3), dtype=jnp.float32) * 0.02
    b2 = jnp.zeros((D,), dtype=jnp.float32)
    g2 = jnp.ones((D,), dtype=jnp.float32)
    be2 = jnp.zeros((D,), dtype=jnp.float32)
    Wp = jax.random.normal(ks[3], (D, 1), dtype=jnp.float32) * 0.02
    bp = jnp.zeros((1,), dtype=jnp.float32)
    return {"x": x, "teacher_durations": teacher_durations, "mel_spec_lengths": mel_spec_lengths,
            "W1": W1, "b1": b1, "g1": g1, "be1": be1,
            "W2": W2, "b2": b2, "g2": g2, "be2": be2,
            "Wp": Wp, "bp": bp}


def reference(x, teacher_durations, mel_spec_lengths, W1, b1, g1, be1, W2, b2, g2, be2, Wp, bp):
    log_pred = _duration_predictor(x, W1, b1, g1, be1, W2, b2, g2, be2, Wp, bp)
    # teacher-forcing branch: pred_num_timeframes = round(td * alpha * msl).int()
    pred_num_timeframes = jnp.round(jax.lax.stop_gradient(teacher_durations * ALPHA * mel_spec_lengths)).astype(jnp.int32).reshape(x.shape[0], -1)
    out = jnp.stack([jnp.repeat(x[i], pred_num_timeframes[i], axis=0, total_repeat_length=TOTAL) for i in range(x.shape[0])], axis=0)
    return (out, log_pred)

if __name__ == "__main__":
    import jax
    _d = setup_inputs()
    print(jax.jit(kernel)(*tuple(_d.values())))

</pallas_src>

<mosaic_0001>
#map = affine_map<(d0, d1) -> (0, 0)>
module attributes {stable_mosaic.version = 14 : i64} {
  func.func @_expand_body(%arg0: i32, %arg1: i32, %arg2: memref<16384x256xf32, #tpu.memory_space<hbm>>, %arg3: memref<8x2048xf32, #tpu.memory_space<hbm>>, %arg4: memref<8x2048xf32, #tpu.memory_space<hbm>>, %arg5: memref<65536x256xf32, #tpu.memory_space<hbm>>, %arg6: memref<2048xf32, #tpu.memory_space<vmem>>, %arg7: memref<2048xf32, #tpu.memory_space<vmem>>, %arg8: memref<2048xi32, #tpu.memory_space<vmem>>, %arg9: memref<16x128xi32, #tpu.memory_space<vmem>>, %arg10: memref<128x256xf32, #tpu.memory_space<vmem>>, %arg11: memref<128x256xf32, #tpu.memory_space<vmem>>, %arg12: memref<128x256xf32, #tpu.memory_space<vmem>>, %arg13: memref<!tpu.dma_semaphore, #tpu.memory_space<semaphore_mem>>, %arg14: memref<!tpu.dma_semaphore, #tpu.memory_space<semaphore_mem>>, %arg15: memref<!tpu.dma_semaphore, #tpu.memory_space<semaphore_mem>>, %arg16: memref<!tpu.dma_semaphore, #tpu.memory_space<semaphore_mem>>) attributes {dimension_semantics = [#tpu.dimension_semantics<core_parallel>, #tpu.dimension_semantics<subcore_parallel>], iteration_bounds = array<i64: 2, 16>, scalar_prefetch = 0 : i64, scratch_operands = 11 : i64, tpu.core_type = #tpu.core_type<sc_vector_subcore>, window_params = [{transform_indices = #map}, {transform_indices = #map}, {transform_indices = #map}, {transform_indices = #map}]} {
    %mul3A = arith.constant 2 : i32
    %mul3A_0 = arith.muli %arg1, %mul3A : i32
    %add3A = arith.addi %mul3A_0, %arg0 : i32
    %jit3A = arith.constant 4 : i32
    %div3A = arith.divsi %add3A, %jit3A : i32
    %sign3A = arith.constant 0 : i32
    %sign3A_1 = arith.cmpi sgt, %add3A, %sign3A : i32
    %sign3A_2 = arith.extui %sign3A_1 : i1 to i32
    %sign3A_3 = arith.constant 0 : i32
    %sign3A_4 = arith.cmpi slt, %add3A, %sign3A_3 : i32
    %sign3A_5 = arith.extui %sign3A_4 : i1 to i32
    %sign3A_6 = arith.subi %sign3A_2, %sign3A_5 : i32
    %sign3A_7 = arith.constant 0 : i32
    %sign3A_8 = arith.cmpi sgt, %jit3A, %sign3A_7 : i32
    %sign3A_9 = arith.extui %sign3A_8 : i1 to i32
    %sign3A_10 = arith.constant 0 : i32
    %sign3A_11 = arith.cmpi slt, %jit3A, %sign3A_10 : i32
    %sign3A_12 = arith.extui %sign3A_11 : i1 to i32
    %sign3A_13 = arith.subi %sign3A_9, %sign3A_12 : i32
    %ne3A = arith.cmpi ne, %sign3A_6, %sign3A_13 : i32
    %rem3A = arith.remsi %add3A, %jit3A : i32
    %ne3A_14 = arith.constant 0 : i32
    %ne3A_15 = arith.cmpi ne, %rem3A, %ne3A_14 : i32
    %and3A = arith.andi %ne3A, %ne3A_15 : i1
    %sub3A = arith.constant 1 : i32
    %sub3A_16 = arith.subi %div3A, %sub3A : i32
    %select_n3A = arith.select %and3A, %sub3A_16, %div3A : i32
    %jit3A_17 = arith.constant 4 : i32
    %eq3A = arith.constant 0 : i32
    %eq3A_18 = arith.cmpi eq, %jit3A_17, %eq3A : i32
    %jit3A_19 = arith.constant 1 : i32
    %select_n3A_20 = arith.select %eq3A_18, %jit3A_19, %jit3A_17 : i32
    %rem3A_21 = arith.remsi %add3A, %select_n3A_20 : i32
    %ne3A_22 = arith.constant 0 : i32
    %ne3A_23 = arith.cmpi ne, %rem3A_21, %ne3A_22 : i32
    %lt3A = arith.constant 0 : i32
    %lt3A_24 = arith.cmpi slt, %rem3A_21, %lt3A : i32
    %lt3A_25 = arith.constant 0 : i32
    %lt3A_26 = arith.cmpi slt, %select_n3A_20, %lt3A_25 : i32
    %ne3A_27 = arith.xori %lt3A_24, %lt3A_26 : i1
    %and3A_28 = arith.andi %ne3A_27, %ne3A_23 : i1
    %add3A_29 = arith.addi %rem3A_21, %select_n3A_20 : i32
    %select_n3A_30 = arith.select %and3A_28, %add3A_29, %rem3A_21 : i32
    %mul3A_31 = arith.constant 2048 : i32
    %mul3A_32 = arith.muli %select_n3A_30, %mul3A_31 : i32
    %mul3A_33 = arith.constant 2048 : i32
    %mul3A_34 = arith.muli %add3A, %mul3A_33 : i32
    "tpu.region"() ({
      %run_scoped3A = tpu.sem_alloc : memref<!tpu.dma_semaphore, #tpu.memory_space<semaphore_mem>>
      %dma_start3A_426 = arith.constant 0 : i32
      %dma_start3A_427 = tpu.memref_slice %arg3[%select_n3A, %dma_start3A_426] : memref<8x2048xf32, #tpu.memory_space<hbm>> -> memref<1x2048xf32, #tpu.memory_space<hbm>>
      %dma_start3A_428 = tpu.memref_squeeze %dma_start3A_427 : memref<1x2048xf32, #tpu.memory_space<hbm>> -> memref<2048xf32, #tpu.memory_space<hbm>>
      %dma_start3A_429 = arith.constant 0 : i32
      %dma_start3A_430 = tpu.memref_slice %arg3[%select_n3A, %dma_start3A_429] : memref<8x2048xf32, #tpu.memory_space<hbm>> -> memref<1x2048xf32, #tpu.memory_space<hbm>>
      %dma_start3A_431 = tpu.memref_squeeze %dma_start3A_430 : memref<1x2048xf32, #tpu.memory_space<hbm>> -> memref<2048xf32, #tpu.memory_space<hbm>>
      tpu.enqueue_dma source(%dma_start3A_431 : memref<2048xf32, #tpu.memory_space<hbm>>) target(%arg6 : memref<2048xf32, #tpu.memory_space<vmem>>) target_semaphore(%run_scoped3A : memref<!tpu.dma_semaphore, #tpu.memory_space<semaphore_mem>>)
      %dma_wait3A_432 = arith.constant 0 : i32
      %dma_wait3A_433 = tpu.memref_slice %arg3[%select_n3A, %dma_wait3A_432] : memref<8x2048xf32, #tpu.memory_space<hbm>> -> memref<1x2048xf32, #tpu.memory_space<hbm>>
      %dma_wait3A_434 = tpu.memref_squeeze %dma_wait3A_433 : memref<1x2048xf32, #tpu.memory_space<hbm>> -> memref<2048xf32, #tpu.memory_space<hbm>>
      %dma_wait3A_435 = arith.constant 0 : i32
      %dma_wait3A_436 = tpu.memref_slice %arg3[%select_n3A, %dma_wait3A_435] : memref<8x2048xf32, #tpu.memory_space<hbm>> -> memref<1x2048xf32, #tpu.memory_space<hbm>>
      %dma_wait3A_437 = tpu.memref_squeeze %dma_wait3A_436 : memref<1x2048xf32, #tpu.memory_space<hbm>> -> memref<2048xf32, #tpu.memory_space<hbm>>
      tpu.wait_dma2 semaphore(%run_scoped3A : memref<!tpu.dma_semaphore, #tpu.memory_space<semaphore_mem>>) src(%dma_wait3A_437 : memref<2048xf32, #tpu.memory_space<hbm>>) dst(%arg6 : memref<2048xf32, #tpu.memory_space<vmem>>)
      tpu.yield
    }) : () -> ()
    "tpu.region"() ({
      %run_scoped3A = tpu.sem_alloc : memref<!tpu.dma_semaphore, #tpu.memory_space<semaphore_mem>>
      %dma_start3A_426 = arith.constant 0 : i32
      %dma_start3A_427 = tpu.memref_slice %arg4[%select_n3A, %dma_start3A_426] : memref<8x2048xf32, #tpu.memory_space<hbm>> -> memref<1x2048xf32, #tpu.memory_space<hbm>>
      %dma_start3A_428 = tpu.memref_squeeze %dma_start3A_427 : memref<1x2048xf32, #tpu.memory_space<hbm>> -> memref<2048xf32, #tpu.memory_space<hbm>>
      %dma_start3A_429 = arith.constant 0 : i32
      %dma_start3A_430 = tpu.memref_slice %arg4[%select_n3A, %dma_start3A_429] : memref<8x2048xf32, #tpu.memory_space<hbm>> -> memref<1x2048xf32, #tpu.memory_space<hbm>>
      %dma_start3A_431 = tpu.memref_squeeze %dma_start3A_430 : memref<1x2048xf32, #tpu.memory_space<hbm>> -> memref<2048xf32, #tpu.memory_space<hbm>>
      tpu.enqueue_dma source(%dma_start3A_431 : memref<2048xf32, #tpu.memory_space<hbm>>) target(%arg7 : memref<2048xf32, #tpu.memory_space<vmem>>) target_semaphore(%run_scoped3A : memref<!tpu.dma_semaphore, #tpu.memory_space<semaphore_mem>>)
      %dma_wait3A_432 = arith.constant 0 : i32
      %dma_wait3A_433 = tpu.memref_slice %arg4[%select_n3A, %dma_wait3A_432] : memref<8x2048xf32, #tpu.memory_space<hbm>> -> memref<1x2048xf32, #tpu.memory_space<hbm>>
      %dma_wait3A_434 = tpu.memref_squeeze %dma_wait3A_433 : memref<1x2048xf32, #tpu.memory_space<hbm>> -> memref<2048xf32, #tpu.memory_space<hbm>>
      %dma_wait3A_435 = arith.constant 0 : i32
      %dma_wait3A_436 = tpu.memref_slice %arg4[%select_n3A, %dma_wait3A_435] : memref<8x2048xf32, #tpu.memory_space<hbm>> -> memref<1x2048xf32, #tpu.memory_space<hbm>>
      %dma_wait3A_437 = tpu.memref_squeeze %dma_wait3A_436 : memref<1x2048xf32, #tpu.memory_space<hbm>> -> memref<2048xf32, #tpu.memory_space<hbm>>
      tpu.wait_dma2 semaphore(%run_scoped3A : memref<!tpu.dma_semaphore, #tpu.memory_space<semaphore_mem>>) src(%dma_wait3A_437 : memref<2048xf32, #tpu.memory_space<hbm>>) dst(%arg7 : memref<2048xf32, #tpu.memory_space<vmem>>)
      tpu.yield
    }) : () -> ()
    %scan3A = arith.constant 0 : i32
    %scan3A_35 = arith.constant 0 : i32
    %scan3A_36 = arith.constant 128 : i32
    %scan3A_37 = arith.addi %scan3A_35, %scan3A_36 : i32
    %scan3A_38 = arith.constant 1 : i32
    %scan3A_39 = scf.for %scan3A_426 = %scan3A_35 to %scan3A_37 step %scan3A_38 iter_args(%scan3A_427 = %scan3A) -> (i32)  : i32 {
      %mul3A_428 = arith.constant 16 : i32
      %mul3A_429 = arith.muli %scan3A_426, %mul3A_428 : i32
      %get3A = arith.index_cast %mul3A_429 : i32 to index
      %get3A_430 = tpu.vector_load %arg6[%get3A] {strides = array<i32>} : memref<2048xf32, #tpu.memory_space<vmem>>, vector<16xf32>,
      %mul3A_431 = arith.constant 4.000000e+00 : f32
      %mul3A_432 = vector.broadcast %mul3A_431 : f32 to vector<16xf32>
      %mul3A_433 = arith.mulf %get3A_430, %mul3A_432 : vector<16xf32>
      %get3A_434 = arith.index_cast %mul3A_429 : i32 to index
      %get3A_435 = tpu.vector_load %arg7[%get3A_434] {strides = array<i32>} : memref<2048xf32, #tpu.memory_space<vmem>>, vector<16xf32>,
      %mul3A_436 = arith.mulf %mul3A_433, %get3A_435 : vector<16xf32>
      %add3A_437 = arith.constant 5.000000e-01 : f32
      %add3A_438 = vector.broadcast %add3A_437 : f32 to vector<16xf32>
      %add3A_439 = arith.addf %mul3A_436, %add3A_438 : vector<16xf32>
      %convert_element_type3A = arith.fptosi %add3A_439 : vector<16xf32> to vector<16xi32>
      %broadcast_in_dim3A = arith.constant true
      %broadcast_in_dim3A_440 = vector.broadcast %broadcast_in_dim3A : i1 to vector<16xi1>
      %masked_cumsum3A = tpu.scan <sum>, %convert_element_type3A masked %broadcast_in_dim3A_440 : vector<16xi32>, vector<16xi1> -> vector<16xi32>
      %sub3A_441 = arith.subi %masked_cumsum3A, %convert_element_type3A : vector<16xi32>
      %add3A_442 = vector.broadcast %scan3A_427 : i32 to vector<16xi32>
      %add3A_443 = arith.addi %sub3A_441, %add3A_442 : vector<16xi32>
      %swap3A = arith.index_cast %mul3A_429 : i32 to index
      %swap3A_444 = tpu.vector_load %arg8[%swap3A] {strides = array<i32>} : memref<2048xi32, #tpu.memory_space<vmem>>, vector<16xi32>,
      tpu.vector_store %arg8[%swap3A], %add3A_443 {strides = array<i32>} : memref<2048xi32, #tpu.memory_space<vmem>>, vector<16xi32>,
      %reduce_max3A = arith.constant true
      %reduce_max3A_445 = vector.broadcast %reduce_max3A : i1 to vector<16xi1>
      %reduce_max3A_446 = arith.constant -2147483648 : i32
      %reduce_max3A_447 = vector.broadcast %reduce_max3A_446 : i32 to vector<16xi32>
      %reduce_max3A_448 = arith.xori %masked_cumsum3A, %reduce_max3A_447 : vector<16xi32>
      %reduce_max3A_449 = tpu.scan <max>, %reduce_max3A_448 masked %reduce_max3A_445 : vector<16xi32>, vector<16xi1> -> vector<16xi32>
      %reduce_max3A_450 = arith.xori %reduce_max3A_449, %reduce_max3A_447 : vector<16xi32>
      %reduce_max3A_451 = vector.extract %reduce_max3A_450[15] : i32 from vector<16xi32>
      %add3A_452 = arith.addi %scan3A_427, %reduce_max3A_451 : i32
      scf.yield %add3A_452 : i32
    }
    %scan3A_40 = arith.constant 128 : i32
    %iota3A = tpu.iota {dimensions = array<i32: 0>} : vector<16xi32>
    %scan3A_41 = arith.constant 0 : i32
    %scan3A_42 = arith.constant 0 : i32
    %scan3A_43 = arith.constant 128 : i32
    %scan3A_44 = arith.addi %scan3A_42, %scan3A_43 : i32
    %scan3A_45 = arith.constant 1 : i32
    %scan3A_46 = scf.for %scan3A_426 = %scan3A_42 to %scan3A_44 step %scan3A_45 iter_args(%scan3A_427 = %scan3A_41) -> (i32)  : i32 {
      %mul3A_428 = arith.constant 16 : i32
      %mul3A_429 = arith.muli %scan3A_426, %mul3A_428 : i32
      %add3A_430 = arith.addi %mul3A_32, %mul3A_429 : i32
      %add3A_431 = vector.broadcast %add3A_430 : i32 to vector<16xi32>
      %add3A_432 = arith.addi %add3A_431, %iota3A : vector<16xi32>
      %broadcast_in_dim3A = arith.constant 0 : i32
      %broadcast_in_dim3A_433 = vector.broadcast %broadcast_in_dim3A : i32 to vector<16xi32>
      %scan3A_434 = arith.constant 1 : i32
      %scan3A_435 = arith.constant 12 : i32
      %scan3A_436 = arith.addi %scan3A_434, %scan3A_435 : i32
      %scan3A_437 = arith.constant 1 : i32
      %scan3A_438 = scf.for %scan3A_496 = %scan3A_434 to %scan3A_436 step %scan3A_437 iter_args(%scan3A_497 = %broadcast_in_dim3A_433) -> (vector<16xi32>)  : i32 {
        %shift_right_logical3A = arith.constant 4096 : i32
        %shift_right_logical3A_498 = arith.shrui %shift_right_logical3A, %scan3A_496 : i32
        %add3A_499 = vector.broadcast %shift_right_logical3A_498 : i32 to vector<16xi32>
        %add3A_500 = arith.addi %scan3A_497, %add3A_499 : vector<16xi32>
        %sub3A_501 = arith.constant 1 : i32
        %sub3A_502 = vector.broadcast %sub3A_501 : i32 to vector<16xi32>
        %sub3A_503 = arith.subi %add3A_500, %sub3A_502 : vector<16xi32>
        %min3A_504 = arith.constant 2047 : i32
        %min3A_505 = vector.broadcast %min3A_504 : i32 to vector<16xi32>
        %min3A_506 = arith.minsi %sub3A_503, %min3A_505 : vector<16xi32>
        %gather3A = tpu.vector_load_idx %arg8[%min3A_506] : memref<2048xi32, #tpu.memory_space<vmem>>[vector<16xi32>], vector<16xi32>,
        %le3A = arith.constant 2048 : i32
        %le3A_507 = vector.broadcast %le3A : i32 to vector<16xi32>
        %le3A_508 = arith.cmpi sle, %add3A_500, %le3A_507 : vector<16xi32>
        %le3A_509 = arith.cmpi sle, %gather3A, %add3A_432 : vector<16xi32>
        %and3A_510 = arith.andi %le3A_508, %le3A_509 : vector<16xi1>
        %select_n3A_511 = arith.select %and3A_510, %add3A_500, %scan3A_497 : vector<16xi1>, vector<16xi32>
        scf.yield %select_n3A_511 : vector<16xi32>
      }
      %scan3A_439 = arith.constant 12 : i32
      %sub3A_440 = arith.constant 1 : i32
      %sub3A_441 = vector.broadcast %sub3A_440 : i32 to vector<16xi32>
      %sub3A_442 = arith.subi %scan3A_438, %sub3A_441 : vector<16xi32>
      %jit3A_443 = arith.constant 0 : i32
      %jit3A_444 = arith.constant 2047 : i32
      %max3A = vector.broadcast %jit3A_443 : i32 to vector<16xi32>
      %max3A_445 = arith.maxsi %max3A, %sub3A_442 : vector<16xi32>
      %min3A = vector.broadcast %jit3A_444 : i32 to vector<16xi32>
      %min3A_446 = arith.minsi %min3A, %max3A_445 : vector<16xi32>
      %mul3A_447 = arith.constant 2048 : i32
      %mul3A_448 = arith.muli %select_n3A, %mul3A_447 : i32
      %add3A_449 = vector.broadcast %mul3A_448 : i32 to vector<16xi32>
      %add3A_450 = arith.addi %min3A_446, %add3A_449 : vector<16xi32>
      %jit3A_451 = arith.constant 8 : i32
      %div3A_452 = arith.divsi %scan3A_426, %jit3A_451 : i32
      %sign3A_453 = arith.constant 0 : i32
      %sign3A_454 = arith.cmpi sgt, %scan3A_426, %sign3A_453 : i32
      %sign3A_455 = arith.extui %sign3A_454 : i1 to i32
      %sign3A_456 = arith.constant 0 : i32
      %sign3A_457 = arith.cmpi slt, %scan3A_426, %sign3A_456 : i32
      %sign3A_458 = arith.extui %sign3A_457 : i1 to i32
      %sign3A_459 = arith.subi %sign3A_455, %sign3A_458 : i32
      %sign3A_460 = arith.constant 0 : i32
      %sign3A_461 = arith.cmpi sgt, %jit3A_451, %sign3A_460 : i32
      %sign3A_462 = arith.extui %sign3A_461 : i1 to i32
      %sign3A_463 = arith.constant 0 : i32
      %sign3A_464 = arith.cmpi slt, %jit3A_451, %sign3A_463 : i32
      %sign3A_465 = arith.extui %sign3A_464 : i1 to i32
      %sign3A_466 = arith.subi %sign3A_462, %sign3A_465 : i32
      %ne3A_467 = arith.cmpi ne, %sign3A_459, %sign3A_466 : i32
      %rem3A_468 = arith.remsi %scan3A_426, %jit3A_451 : i32
      %ne3A_469 = arith.constant 0 : i32
      %ne3A_470 = arith.cmpi ne, %rem3A_468, %ne3A_469 : i32
      %and3A_471 = arith.andi %ne3A_467, %ne3A_470 : i1
      %sub3A_472 = arith.constant 1 : i32
      %sub3A_473 = arith.subi %div3A_452, %sub3A_472 : i32
      %select_n3A_474 = arith.select %and3A_471, %sub3A_473, %div3A_452 : i32
      %jit3A_475 = arith.constant 8 : i32
      %eq3A_476 = arith.constant 0 : i32
      %eq3A_477 = arith.cmpi eq, %jit3A_475, %eq3A_476 : i32
      %jit3A_478 = arith.constant 1 : i32
      %select_n3A_479 = arith.select %eq3A_477, %jit3A_478, %jit3A_475 : i32
      %rem3A_480 = arith.remsi %scan3A_426, %select_n3A_479 : i32
      %ne3A_481 = arith.constant 0 : i32
      %ne3A_482 = arith.cmpi ne, %rem3A_480, %ne3A_481 : i32
      %lt3A_483 = arith.constant 0 : i32
      %lt3A_484 = arith.cmpi slt, %rem3A_480, %lt3A_483 : i32
      %lt3A_485 = arith.constant 0 : i32
      %lt3A_486 = arith.cmpi slt, %select_n3A_479, %lt3A_485 : i32
      %ne3A_487 = arith.xori %lt3A_484, %lt3A_486 : i1
      %and3A_488 = arith.andi %ne3A_487, %ne3A_482 : i1
      %add3A_489 = arith.addi %rem3A_480, %select_n3A_479 : i32
      %select_n3A_490 = arith.select %and3A_488, %add3A_489, %rem3A_480 : i32
      %mul3A_491 = arith.constant 16 : i32
      %mul3A_492 = arith.muli %select_n3A_490, %mul3A_491 : i32
      %swap3A = arith.index_cast %select_n3A_474 : i32 to index
      %swap3A_493 = arith.index_cast %mul3A_492 : i32 to index
      %swap3A_494 = tpu.vector_load %arg9[%swap3A, %swap3A_493] {strides = array<i32>} : memref<16x128xi32, #tpu.memory_space<vmem>>, vector<16xi32>,
      tpu.vector_store %arg9[%swap3A, %swap3A_493], %add3A_450 {strides = array<i32>} : memref<16x128xi32, #tpu.memory_space<vmem>>, vector<16xi32>,
      %scan3A_495 = arith.constant 0 : i32
      scf.yield %scan3A_495 : i32
    }
    %scan3A_47 = arith.constant 128 : i32
    %dma_start3A = arith.constant 0 : i32
    %dma_start3A_48 = arith.constant 0 : i32
    %dma_start3A_49 = tpu.memref_slice %arg9[%dma_start3A, %dma_start3A_48] : memref<16x128xi32, #tpu.memory_space<vmem>> -> memref<1x128xi32, #tpu.memory_space<vmem>>
    %dma_start3A_50 = tpu.memref_squeeze %dma_start3A_49 : memref<1x128xi32, #tpu.memory_space<vmem>> -> memref<128xi32, #tpu.memory_space<vmem>>
    %dma_start3A_51 = arith.constant 0 : i32
    %dma_start3A_52 = arith.constant 0 : i32
    %dma_start3A_53 = tpu.memref_slice %arg2[%dma_start3A_51, %dma_start3A_52] : memref<16384x256xf32, #tpu.memory_space<hbm>> -> memref<16384x256xf32, #tpu.memory_space<hbm>>
    tpu.enqueue_indirect_dma source(%dma_start3A_53 : memref<16384x256xf32, #tpu.memory_space<hbm>>) target(%arg10 : memref<128x256xf32, #tpu.memory_space<vmem>>) offsets(%dma_start3A_50 : memref<128xi32, #tpu.memory_space<vmem>>) semaphore(%arg13 : memref<!tpu.dma_semaphore, #tpu.memory_space<semaphore_mem>>)
    %dma_start3A_54 = arith.constant 1 : i32
    %dma_start3A_55 = arith.constant 0 : i32
    %dma_start3A_56 = tpu.memref_slice %arg9[%dma_start3A_54, %dma_start3A_55] : memref<16x128xi32, #tpu.memory_space<vmem>> -> memref<1x128xi32, #tpu.memory_space<vmem>>
    %dma_start3A_57 = tpu.memref_squeeze %dma_start3A_56 : memref<1x128xi32, #tpu.memory_space<vmem>> -> memref<128xi32, #tpu.memory_space<vmem>>
    %dma_start3A_58 = arith.constant 0 : i32
    %dma_start3A_59 = arith.constant 0 : i32
    %dma_start3A_60 = tpu.memref_slice %arg2[%dma_start3A_58, %dma_start3A_59] : memref<16384x256xf32, #tpu.memory_space<hbm>> -> memref<16384x256xf32, #tpu.memory_space<hbm>>
    tpu.enqueue_indirect_dma source(%dma_start3A_60 : memref<16384x256xf32, #tpu.memory_space<hbm>>) target(%arg11 : memref<128x256xf32, #tpu.memory_space<vmem>>) offsets(%dma_start3A_57 : memref<128xi32, #tpu.memory_space<vmem>>) semaphore(%arg14 : memref<!tpu.dma_semaphore, #tpu.memory_space<semaphore_mem>>)
    %dma_wait3A = arith.constant 0 : i32
    %dma_wait3A_61 = arith.constant 0 : i32
    %dma_wait3A_62 = tpu.memref_slice %arg9[%dma_wait3A, %dma_wait3A_61] : memref<16x128xi32, #tpu.memory_space<vmem>> -> memref<1x128xi32, #tpu.memory_space<vmem>>
    %dma_wait3A_63 = tpu.memref_squeeze %dma_wait3A_62 : memref<1x128xi32, #tpu.memory_space<vmem>> -> memref<128xi32, #tpu.memory_space<vmem>>
    %dma_wait3A_64 = arith.constant 0 : i32
    %dma_wait3A_65 = arith.constant 0 : i32
    %dma_wait3A_66 = tpu.memref_slice %arg2[%dma_wait3A_64, %dma_wait3A_65] : memref<16384x256xf32, #tpu.memory_space<hbm>> -> memref<16384x256xf32, #tpu.memory_space<hbm>>
    tpu.wait_indirect_dma semaphore(%arg13 : memref<!tpu.dma_semaphore, #tpu.memory_space<semaphore_mem>>) src(%dma_wait3A_66 : memref<16384x256xf32, #tpu.memory_space<hbm>>) dst(%arg10 : memref<128x256xf32, #tpu.memory_space<vmem>>)
    %add3A_67 = arith.constant 0 : i32
    %add3A_68 = arith.addi %mul3A_34, %add3A_67 : i32
    %dma_start3A_69 = arith.constant 0 : i32
    %dma_start3A_70 = tpu.memref_slice %arg5[%add3A_68, %dma_start3A_69] : memref<65536x256xf32, #tpu.memory_space<hbm>> -> memref<128x256xf32, #tpu.memory_space<hbm>>
    %dma_start3A_71 = arith.constant 0 : i32
    %dma_start3A_72 = tpu.memref_slice %arg5[%add3A_68, %dma_start3A_71] : memref<65536x256xf32, #tpu.memory_space<hbm>> -> memref<128x256xf32, #tpu.memory_space<hbm>>
    tpu.enqueue_dma source(%arg10 : memref<128x256xf32, #tpu.memory_space<vmem>>) target(%dma_start3A_72 : memref<128x256xf32, #tpu.memory_space<hbm>>) target_semaphore(%arg15 : memref<!tpu.dma_semaphore, #tpu.memory_space<semaphore_mem>>)
    %dma_start3A_73 = arith.constant 2 : i32
    %dma_start3A_74 = arith.constant 0 : i32
    %dma_start3A_75 = tpu.memref_slice %arg9[%dma_start3A_73, %dma_start3A_74] : memref<16x128xi32, #tpu.memory_space<vmem>> -> memref<1x128xi32, #tpu.memory_space<vmem>>
    %dma_start3A_76 = tpu.memref_squeeze %dma_start3A_75 : memref<1x128xi32, #tpu.memory_space<vmem>> -> memref<128xi32, #tpu.memory_space<vmem>>
    %dma_start3A_77 = arith.constant 0 : i32
    %dma_start3A_78 = arith.constant 0 : i32
    %dma_start3A_79 = tpu.memref_slice %arg2[%dma_start3A_77, %dma_start3A_78] : memref<16384x256xf32, #tpu.memory_space<hbm>> -> memref<16384x256xf32, #tpu.memory_space<hbm>>
    tpu.enqueue_indirect_dma source(%dma_start3A_79 : memref<16384x256xf32, #tpu.memory_space<hbm>>) target(%arg12 : memref<128x256xf32, #tpu.memory_space<vmem>>) offsets(%dma_start3A_76 : memref<128xi32, #tpu.memory_space<vmem>>) semaphore(%arg13 : memref<!tpu.dma_semaphore, #tpu.memory_space<semaphore_mem>>)
    %dma_wait3A_80 = arith.constant 1 : i32
    %dma_wait3A_81 = arith.constant 0 : i32
    %dma_wait3A_82 = tpu.memref_slice %arg9[%dma_wait3A_80, %dma_wait3A_81] : memref<16x128xi32, #tpu.memory_space<vmem>> -> memref<1x128xi32, #tpu.memory_space<vmem>>
    %dma_wait3A_83 = tpu.memref_squeeze %dma_wait3A_82 : memref<1x128xi32, #tpu.memory_space<vmem>> -> memref<128xi32, #tpu.memory_space<vmem>>
    %dma_wait3A_84 = arith.constant 0 : i32
    %dma_wait3A_85 = arith.constant 0 : i32
    %dma_wait3A_86 = tpu.memref_slice %arg2[%dma_wait3A_84, %dma_wait3A_85] : memref<16384x256xf32, #tpu.memory_space<hbm>> -> memref<16384x256xf32, #tpu.memory_space<hbm>>
    tpu.wait_indirect_dma semaphore(%arg14 : memref<!tpu.dma_semaphore, #tpu.memory_space<semaphore_mem>>) src(%dma_wait3A_86 : memref<16384x256xf32, #tpu.memory_space<hbm>>) dst(%arg11 : memref<128x256xf32, #tpu.memory_space<vmem>>)
    %add3A_87 = arith.constant 128 : i32
    %add3A_88 = arith.addi %mul3A_34, %add3A_87 : i32
    %dma_start3A_89 = arith.constant 0 : i32
    %dma_start3A_90 = tpu.memref_slice %arg5[%add3A_88, %dma_start3A_89] : memref<65536x256xf32, #tpu.memory_space<hbm>> -> memref<128x256xf32, #tpu.memory_space<hbm>>
    %dma_start3A_91 = arith.constant 0 : i32
    %dma_start3A_92 = tpu.memref_slice %arg5[%add3A_88, %dma_start3A_91] : memref<65536x256xf32, #tpu.memory_space<hbm>> -> memref<128x256xf32, #tpu.memory_space<hbm>>
    tpu.enqueue_dma source(%arg11 : memref<128x256xf32, #tpu.memory_space<vmem>>) target(%dma_start3A_92 : memref<128x256xf32, #tpu.memory_space<hbm>>) target_semaphore(%arg16 : memref<!tpu.dma_semaphore, #tpu.memory_space<semaphore_mem>>)
    %dma_wait3A_93 = arith.constant 0 : i32
    %dma_wait3A_94 = tpu.memref_slice %arg5[%add3A_68, %dma_wait3A_93] : memref<65536x256xf32, #tpu.memory_space<hbm>> -> memref<128x256xf32, #tpu.memory_space<hbm>>
    %dma_wait3A_95 = arith.constant 0 : i32
    %dma_wait3A_96 = tpu.memref_slice %arg5[%add3A_68, %dma_wait3A_95] : memref<65536x256xf32, #tpu.memory_space<hbm>> -> memref<128x256xf32, #tpu.memory_space<hbm>>
    tpu.wait_dma2 semaphore(%arg15 : memref<!tpu.dma_semaphore, #tpu.memory_space<semaphore_mem>>) src(%arg10 : memref<128x256xf32, #tpu.memory_space<vmem>>) dst(%dma_wait3A_96 : memref<128x256xf32, #tpu.memory_space<hbm>>)
    %dma_start3A_97 = arith.constant 3 : i32
    %dma_start3A_98 = arith.constant 0 : i32
    %dma_start3A_99 = tpu.memref_slice %arg9[%dma_start3A_97, %dma_start3A_98] : memref<16x128xi32, #tpu.memory_space<vmem>> -> memref<1x128xi32, #tpu.memory_space<vmem>>
    %dma_start3A_100 = tpu.memref_squeeze %dma_start3A_99 : memref<1x128xi32, #tpu.memory_space<vmem>> -> memref<128xi32, #tpu.memory_space<vmem>>
    %dma_start3A_101 = arith.constant 0 : i32
    %dma_start3A_102 = arith.constant 0 : i32
    %dma_start3A_103 = tpu.memref_slice %arg2[%dma_start3A_101, %dma_start3A_102] : memref<16384x256xf32, #tpu.memory_space<hbm>> -> memref<16384x256xf32, #tpu.memory_space<hbm>>
    tpu.enqueue_indirect_dma source(%dma_start3A_103 : memref<16384x256xf32, #tpu.memory_space<hbm>>) target(%arg10 : memref<128x256xf32, #tpu.memory_space<vmem>>) offsets(%dma_start3A_100 : memref<128xi32, #tpu.memory_space<vmem>>) semaphore(%arg14 : memref<!tpu.dma_semaphore, #tpu.memory_space<semaphore_mem>>)
    %dma_wait3A_104 = arith.constant 2 : i32
    %dma_wait3A_105 = arith.constant 0 : i32
    %dma_wait3A_106 = tpu.memref_slice %arg9[%dma_wait3A_104, %dma_wait3A_105] : memref<16x128xi32, #tpu.memory_space<vmem>> -> memref<1x128xi32, #tpu.memory_space<vmem>>
    %dma_wait3A_107 = tpu.memref_squeeze %dma_wait3A_106 : memref<1x128xi32, #tpu.memory_space<vmem>> -> memref<128xi32, #tpu.memory_space<vmem>>
    %dma_wait3A_108 = arith.constant 0 : i32
    %dma_wait3A_109 = arith.constant 0 : i32
    %dma_wait3A_110 = tpu.memref_slice %arg2[%dma_wait3A_108, %dma_wait3A_109] : memref<16384x256xf32, #tpu.memory_space<hbm>> -> memref<16384x256xf32, #tpu.memory_space<hbm>>
    tpu.wait_indirect_dma semaphore(%arg13 : memref<!tpu.dma_semaphore, #tpu.memory_space<semaphore_mem>>) src(%dma_wait3A_110 : memref<16384x256xf32, #tpu.memory_space<hbm>>) dst(%arg12 : memref<128x256xf32, #tpu.memory_space<vmem>>)
    %add3A_111 = arith.constant 256 : i32
    %add3A_112 = arith.addi %mul3A_34, %add3A_111 : i32
    %dma_start3A_113 = arith.constant 0 : i32
    %dma_start3A_114 = tpu.memref_slice %arg5[%add3A_112, %dma_start3A_113] : memref<65536x256xf32, #tpu.memory_space<hbm>> -> memref<128x256xf32, #tpu.memory_space<hbm>>
    %dma_start3A_115 = arith.constant 0 : i32
    %dma_start3A_116 = tpu.memref_slice %arg5[%add3A_112, %dma_start3A_115] : memref<65536x256xf32, #tpu.memory_space<hbm>> -> memref<128x256xf32, #tpu.memory_space<hbm>>
    tpu.enqueue_dma source(%arg12 : memref<128x256xf32, #tpu.memory_space<vmem>>) target(%dma_start3A_116 : memref<128x256xf32, #tpu.memory_space<hbm>>) target_semaphore(%arg15 : memref<!tpu.dma_semaphore, #tpu.memory_space<semaphore_mem>>)
    %dma_wait3A_117 = arith.constant 0 : i32
    %dma_wait3A_118 = tpu.memref_slice %arg5[%add3A_88, %dma_wait3A_117] : memref<65536x256xf32, #tpu.memory_space<hbm>> -> memref<128x256xf32, #tpu.memory_space<hbm>>
    %dma_wait3A_119 = arith.constant 0 : i32
    %dma_wait3A_120 = tpu.memref_slice %arg5[%add3A_88, %dma_wait3A_119] : memref<65536x256xf32, #tpu.memory_space<hbm>> -> memref<128x256xf32, #tpu.memory_space<hbm>>
    tpu.wait_dma2 semaphore(%arg16 : memref<!tpu.dma_semaphore, #tpu.memory_space<semaphore_mem>>) src(%arg11 : memref<128x256xf32, #tpu.memory_space<vmem>>) dst(%dma_wait3A_120 : memref<128x256xf32, #tpu.memory_space<hbm>>)
    %dma_start3A_121 = arith.constant 4 : i32
    %dma_start3A_122 = arith.constant 0 : i32
    %dma_start3A_123 = tpu.memref_slice %arg9[%dma_start3A_121, %dma_start3A_122] : memref<16x128xi32, #tpu.memory_space<vmem>> -> memref<1x128xi32, #tpu.memory_space<vmem>>
    %dma_start3A_124 = tpu.memref_squeeze %dma_start3A_123 : memref<1x128xi32, #tpu.memory_space<vmem>> -> memref<128xi32, #tpu.memory_space<vmem>>
    %dma_start3A_125 = arith.constant 0 : i32
    %dma_start3A_126 = arith.constant 0 : i32
    %dma_start3A_127 = tpu.memref_slice %arg2[%dma_start3A_125, %dma_start3A_126] : memref<16384x256xf32, #tpu.memory_space<hbm>> -> memref<16384x256xf32, #tpu.memory_space<hbm>>
    tpu.enqueue_indirect_dma source(%dma_start3A_127 : memref<16384x256xf32, #tpu.memory_space<hbm>>) target(%arg11 : memref<128x256xf32, #tpu.memory_space<vmem>>) offsets(%dma_start3A_124 : memref<128xi32, #tpu.memory_space<vmem>>) semaphore(%arg13 : memref<!tpu.dma_semaphore, #tpu.memory_space<semaphore_mem>>)
    %dma_wait3A_128 = arith.constant 3 : i32
    %dma_wait3A_129 = arith.constant 0 : i32
    %dma_wait3A_130 = tpu.memref_slice %arg9[%dma_wait3A_128, %dma_wait3A_129] : memref<16x128xi32, #tpu.memory_space<vmem>> -> memref<1x128xi32, #tpu.memory_space<vmem>>
    %dma_wait3A_131 = tpu.memref_squeeze %dma_wait3A_130 : memref<1x128xi32, #tpu.memory_space<vmem>> -> memref<128xi32, #tpu.memory_space<vmem>>
    %dma_wait3A_132 = arith.constant 0 : i32
    %dma_wait3A_133 = arith.constant 0 : i32
    %dma_wait3A_134 = tpu.memref_slice %arg2[%dma_wait3A_132, %dma_wait3A_133] : memref<16384x256xf32, #tpu.memory_space<hbm>> -> memref<16384x256xf32, #tpu.memory_space<hbm>>
    tpu.wait_indirect_dma semaphore(%arg14 : memref<!tpu.dma_semaphore, #tpu.memory_space<semaphore_mem>>) src(%dma_wait3A_134 : memref<16384x256xf32, #tpu.memory_space<hbm>>) dst(%arg10 : memref<128x256xf32, #tpu.memory_space<vmem>>)
    %add3A_135 = arith.constant 384 : i32
    %add3A_136 = arith.addi %mul3A_34, %add3A_135 : i32
    %dma_start3A_137 = arith.constant 0 : i32
    %dma_start3A_138 = tpu.memref_slice %arg5[%add3A_136, %dma_start3A_137] : memref<65536x256xf32, #tpu.memory_space<hbm>> -> memref<128x256xf32, #tpu.memory_space<hbm>>
    %dma_start3A_139 = arith.constant 0 : i32
    %dma_start3A_140 = tpu.memref_slice %arg5[%add3A_136, %dma_start3A_139] : memref<65536x256xf32, #tpu.memory_space<hbm>> -> memref<128x256xf32, #tpu.memory_space<hbm>>
    tpu.enqueue_dma source(%arg10 : memref<128x256xf32, #tpu.memory_space<vmem>>) target(%dma_start3A_140 : memref<128x256xf32, #tpu.memory_space<hbm>>) target_semaphore(%arg16 : memref<!tpu.dma_semaphore, #tpu.memory_space<semaphore_mem>>)
    %dma_wait3A_141 = arith.constant 0 : i32
    %dma_wait3A_142 = tpu.memref_slice %arg5[%add3A_112, %dma_wait3A_141] : memref<65536x256xf32, #tpu.memory_space<hbm>> -> memref<128x256xf32, #tpu.memory_space<hbm>>
    %dma_wait3A_143 = arith.constant 0 : i32
    %dma_wait3A_144 = tpu.memref_slice %arg5[%add3A_112, %dma_wait3A_143] : memref<65536x256xf32, #tpu.memory_space<hbm>> -> memref<128x256xf32, #tpu.memory_space<hbm>>
    tpu.wait_dma2 semaphore(%arg15 : memref<!tpu.dma_semaphore, #tpu.memory_space<semaphore_mem>>) src(%arg12 : memref<128x256xf32, #tpu.memory_space<vmem>>) dst(%dma_wait3A_144 : memref<128x256xf32, #tpu.memory_space<hbm>>)
    %dma_start3A_145 = arith.constant 5 : i32
    %dma_start3A_146 = arith.constant 0 : i32
    %dma_start3A_147 = tpu.memref_slice %arg9[%dma_start3A_145, %dma_start3A_146] : memref<16x128xi32, #tpu.memory_space<vmem>> -> memref<1x128xi32, #tpu.memory_space<vmem>>
    %dma_start3A_148 = tpu.memref_squeeze %dma_start3A_147 : memref<1x128xi32, #tpu.memory_space<vmem>> -> memref<128xi32, #tpu.memory_space<vmem>>
    %dma_start3A_149 = arith.constant 0 : i32
    %dma_start3A_150 = arith.constant 0 : i32
    %dma_start3A_151 = tpu.memref_slice %arg2[%dma_start3A_149, %dma_start3A_150] : memref<16384x256xf32, #tpu.memory_space<hbm>> -> memref<16384x256xf32, #tpu.memory_space<hbm>>
    tpu.enqueue_indirect_dma source(%dma_start3A_151 : memref<16384x256xf32, #tpu.memory_space<hbm>>) target(%arg12 : memref<128x256xf32, #tpu.memory_space<vmem>>) offsets(%dma_start3A_148 : memref<128xi32, #tpu.memory_space<vmem>>) semaphore(%arg14 : memref<!tpu.dma_semaphore, #tpu.memory_space<semaphore_mem>>)
    %dma_wait3A_152 = arith.constant 4 : i32
    %dma_wait3A_153 = arith.constant 0 : i32
    %dma_wait3A_154 = tpu.memref_slice %arg9[%dma_wait3A_152, %dma_wait3A_153] : memref<16x128xi32, #tpu.memory_space<vmem>> -> memref<1x128xi32, #tpu.memory_space<vmem>>
    %dma_wait3A_155 = tpu.memref_squeeze %dma_wait3A_154 : memref<1x128xi32, #tpu.memory_space<vmem>> -> memref<128xi32, #tpu.memory_space<vmem>>
    %dma_wait3A_156 = arith.constant 0 : i32
    %dma_wait3A_157 = arith.constant 0 : i32
    %dma_wait3A_158 = tpu.memref_slice %arg2[%dma_wait3A_156, %dma_wait3A_157] : memref<16384x256xf32, #tpu.memory_space<hbm>> -> memref<16384x256xf32, #tpu.memory_space<hbm>>
    tpu.wait_indirect_dma semaphore(%arg13 : memref<!tpu.dma_semaphore, #tpu.memory_space<semaphore_mem>>) src(%dma_wait3A_158 : memref<16384x256xf32, #tpu.memory_space<hbm>>) dst(%arg11 : memref<128x256xf32, #tpu.memory_space<vmem>>)
    %add3A_159 = arith.constant 512 : i32
    %add3A_160 = arith.addi %mul3A_34, %add3A_159 : i32
    %dma_start3A_161 = arith.constant 0 : i32
    %dma_start3A_162 = tpu.memref_slice %arg5[%add3A_160, %dma_start3A_161] : memref<65536x256xf32, #tpu.memory_space<hbm>> -> memref<128x256xf32, #tpu.memory_space<hbm>>
    %dma_start3A_163 = arith.constant 0 : i32
    %dma_start3A_164 = tpu.memref_slice %arg5[%add3A_160, %dma_start3A_163] : memref<65536x256xf32, #tpu.memory_space<hbm>> -> memref<128x256xf32, #tpu.memory_space<hbm>>
    tpu.enqueue_dma source(%arg11 : memref<128x256xf32, #tpu.memory_space<vmem>>) target(%dma_start3A_164 : memref<128x256xf32, #tpu.memory_space<hbm>>) target_semaphore(%arg15 : memref<!tpu.dma_semaphore, #tpu.memory_space<semaphore_mem>>)
    %dma_wait3A_165 = arith.constant 0 : i32
    %dma_wait3A_166 = tpu.memref_slice %arg5[%add3A_136, %dma_wait3A_165] : memref<65536x256xf32, #tpu.memory_space<hbm>> -> memref<128x256xf32, #tpu.memory_space<hbm>>
    %dma_wait3A_167 = arith.constant 0 : i32
    %dma_wait3A_168 = tpu.memref_slice %arg5[%add3A_136, %dma_wait3A_167] : memref<65536x256xf32, #tpu.memory_space<hbm>> -> memref<128x256xf32, #tpu.memory_space<hbm>>
    tpu.wait_dma2 semaphore(%arg16 : memref<!tpu.dma_semaphore, #tpu.memory_space<semaphore_mem>>) src(%arg10 : memref<128x256xf32, #tpu.memory_space<vmem>>) dst(%dma_wait3A_168 : memref<128x256xf32, #tpu.memory_space<hbm>>)
    %dma_start3A_169 = arith.constant 6 : i32
    %dma_start3A_170 = arith.constant 0 : i32
    %dma_start3A_171 = tpu.memref_slice %arg9[%dma_start3A_169, %dma_start3A_170] : memref<16x128xi32, #tpu.memory_space<vmem>> -> memref<1x128xi32, #tpu.memory_space<vmem>>
    %dma_start3A_172 = tpu.memref_squeeze %dma_start3A_171 : memref<1x128xi32, #tpu.memory_space<vmem>> -> memref<128xi32, #tpu.memory_space<vmem>>
    %dma_start3A_173 = arith.constant 0 : i32
    %dma_start3A_174 = arith.constant 0 : i32
    %dma_start3A_175 = tpu.memref_slice %arg2[%dma_start3A_173, %dma_start3A_174] : memref<16384x256xf32, #tpu.memory_space<hbm>> -> memref<16384x256xf32, #tpu.memory_space<hbm>>
    tpu.enqueue_indirect_dma source(%dma_start3A_175 : memref<16384x256xf32, #tpu.memory_space<hbm>>) target(%arg10 : memref<128x256xf32, #tpu.memory_space<vmem>>) offsets(%dma_start3A_172 : memref<128xi32, #tpu.memory_space<vmem>>) semaphore(%arg13 : memref<!tpu.dma_semaphore, #tpu.memory_space<semaphore_mem>>)
    %dma_wait3A_176 = arith.constant 5 : i32
    %dma_wait3A_177 = arith.constant 0 : i32
    %dma_wait3A_178 = tpu.memref_slice %arg9[%dma_wait3A_176, %dma_wait3A_177] : memref<16x128xi32, #tpu.memory_space<vmem>> -> memref<1x128xi32, #tpu.memory_space<vmem>>
    %dma_wait3A_179 = tpu.memref_squeeze %dma_wait3A_178 : memref<1x128xi32, #tpu.memory_space<vmem>> -> memref<128xi32, #tpu.memory_space<vmem>>
    %dma_wait3A_180 = arith.constant 0 : i32
    %dma_wait3A_181 = arith.constant 0 : i32
    %dma_wait3A_182 = tpu.memref_slice %arg2[%dma_wait3A_180, %dma_wait3A_181] : memref<16384x256xf32, #tpu.memory_space<hbm>> -> memref<16384x256xf32, #tpu.memory_space<hbm>>
    tpu.wait_indirect_dma semaphore(%arg14 : memref<!tpu.dma_semaphore, #tpu.memory_space<semaphore_mem>>) src(%dma_wait3A_182 : memref<16384x256xf32, #tpu.memory_space<hbm>>) dst(%arg12 : memref<128x256xf32, #tpu.memory_space<vmem>>)
    %add3A_183 = arith.constant 640 : i32
    %add3A_184 = arith.addi %mul3A_34, %add3A_183 : i32
    %dma_start3A_185 = arith.constant 0 : i32
    %dma_start3A_186 = tpu.memref_slice %arg5[%add3A_184, %dma_start3A_185] : memref<65536x256xf32, #tpu.memory_space<hbm>> -> memref<128x256xf32, #tpu.memory_space<hbm>>
    %dma_start3A_187 = arith.constant 0 : i32
    %dma_start3A_188 = tpu.memref_slice %arg5[%add3A_184, %dma_start3A_187] : memref<65536x256xf32, #tpu.memory_space<hbm>> -> memref<128x256xf32, #tpu.memory_space<hbm>>
    tpu.enqueue_dma source(%arg12 : memref<128x256xf32, #tpu.memory_space<vmem>>) target(%dma_start3A_188 : memref<128x256xf32, #tpu.memory_space<hbm>>) target_semaphore(%arg16 : memref<!tpu.dma_semaphore, #tpu.memory_space<semaphore_mem>>)
    %dma_wait3A_189 = arith.constant 0 : i32
    %dma_wait3A_190 = tpu.memref_slice %arg5[%add3A_160, %dma_wait3A_189] : memref<65536x256xf32, #tpu.memory_space<hbm>> -> memref<128x256xf32, #tpu.memory_space<hbm>>
    %dma_wait3A_191 = arith.constant 0 : i32
    %dma_wait3A_192 = tpu.memref_slice %arg5[%add3A_160, %dma_wait3A_191] : memref<65536x256xf32, #tpu.memory_space<hbm>> -> memref<128x256xf32, #tpu.memory_space<hbm>>
    tpu.wait_dma2 semaphore(%arg15 : memref<!tpu.dma_semaphore, #tpu.memory_space<semaphore_mem>>) src(%arg11 : memref<128x256xf32, #tpu.memory_space<vmem>>) dst(%dma_wait3A_192 : memref<128x256xf32, #tpu.memory_space<hbm>>)
    %dma_start3A_193 = arith.constant 7 : i32
    %dma_start3A_194 = arith.constant 0 : i32
    %dma_start3A_195 = tpu.memref_slice %arg9[%dma_start3A_193, %dma_start3A_194] : memref<16x128xi32, #tpu.memory_space<vmem>> -> memref<1x128xi32, #tpu.memory_space<vmem>>
    %dma_start3A_196 = tpu.memref_squeeze %dma_start3A_195 : memref<1x128xi32, #tpu.memory_space<vmem>> -> memref<128xi32, #tpu.memory_space<vmem>>
    %dma_start3A_197 = arith.constant 0 : i32
    %dma_start3A_198 = arith.constant 0 : i32
    %dma_start3A_199 = tpu.memref_slice %arg2[%dma_start3A_197, %dma_start3A_198] : memref<16384x256xf32, #tpu.memory_space<hbm>> -> memref<16384x256xf32, #tpu.memory_space<hbm>>
    tpu.enqueue_indirect_dma source(%dma_start3A_199 : memref<16384x256xf32, #tpu.memory_space<hbm>>) target(%arg11 : memref<128x256xf32, #tpu.memory_space<vmem>>) offsets(%dma_start3A_196 : memref<128xi32, #tpu.memory_space<vmem>>) semaphore(%arg14 : memref<!tpu.dma_semaphore, #tpu.memory_space<semaphore_mem>>)
    %dma_wait3A_200 = arith.constant 6 : i32
    %dma_wait3A_201 = arith.constant 0 : i32
    %dma_wait3A_202 = tpu.memref_slice %arg9[%dma_wait3A_200, %dma_wait3A_201] : memref<16x128xi32, #tpu.memory_space<vmem>> -> memref<1x128xi32, #tpu.memory_space<vmem>>
    %dma_wait3A_203 = tpu.memref_squeeze %dma_wait3A_202 : memref<1x128xi32, #tpu.memory_space<vmem>> -> memref<128xi32, #tpu.memory_space<vmem>>
    %dma_wait3A_204 = arith.constant 0 : i32
    %dma_wait3A_205 = arith.constant 0 : i32
    %dma_wait3A_206 = tpu.memref_slice %arg2[%dma_wait3A_204, %dma_wait3A_205] : memref<16384x256xf32, #tpu.memory_space<hbm>> -> memref<16384x256xf32, #tpu.memory_space<hbm>>
    tpu.wait_indirect_dma semaphore(%arg13 : memref<!tpu.dma_semaphore, #tpu.memory_space<semaphore_mem>>) src(%dma_wait3A_206 : memref<16384x256xf32, #tpu.memory_space<hbm>>) dst(%arg10 : memref<128x256xf32, #tpu.memory_space<vmem>>)
    %add3A_207 = arith.constant 768 : i32
    %add3A_208 = arith.addi %mul3A_34, %add3A_207 : i32
    %dma_start3A_209 = arith.constant 0 : i32
    %dma_start3A_210 = tpu.memref_slice %arg5[%add3A_208, %dma_start3A_209] : memref<65536x256xf32, #tpu.memory_space<hbm>> -> memref<128x256xf32, #tpu.memory_space<hbm>>
    %dma_start3A_211 = arith.constant 0 : i32
    %dma_start3A_212 = tpu.memref_slice %arg5[%add3A_208, %dma_start3A_211] : memref<65536x256xf32, #tpu.memory_space<hbm>> -> memref<128x256xf32, #tpu.memory_space<hbm>>
    tpu.enqueue_dma source(%arg10 : memref<128x256xf32, #tpu.memory_space<vmem>>) target(%dma_start3A_212 : memref<128x256xf32, #tpu.memory_space<hbm>>) target_semaphore(%arg15 : memref<!tpu.dma_semaphore, #tpu.memory_space<semaphore_mem>>)
    %dma_wait3A_213 = arith.constant 0 : i32
    %dma_wait3A_214 = tpu.memref_slice %arg5[%add3A_184, %dma_wait3A_213] : memref<65536x256xf32, #tpu.memory_space<hbm>> -> memref<128x256xf32, #tpu.memory_space<hbm>>
    %dma_wait3A_215 = arith.constant 0 : i32
    %dma_wait3A_216 = tpu.memref_slice %arg5[%add3A_184, %dma_wait3A_215] : memref<65536x256xf32, #tpu.memory_space<hbm>> -> memref<128x256xf32, #tpu.memory_space<hbm>>
    tpu.wait_dma2 semaphore(%arg16 : memref<!tpu.dma_semaphore, #tpu.memory_space<semaphore_mem>>) src(%arg12 : memref<128x256xf32, #tpu.memory_space<vmem>>) dst(%dma_wait3A_216 : memref<128x256xf32, #tpu.memory_space<hbm>>)
    %dma_start3A_217 = arith.constant 8 : i32
    %dma_start3A_218 = arith.constant 0 : i32
    %dma_start3A_219 = tpu.memref_slice %arg9[%dma_start3A_217, %dma_start3A_218] : memref<16x128xi32, #tpu.memory_space<vmem>> -> memref<1x128xi32, #tpu.memory_space<vmem>>
    %dma_start3A_220 = tpu.memref_squeeze %dma_start3A_219 : memref<1x128xi32, #tpu.memory_space<vmem>> -> memref<128xi32, #tpu.memory_space<vmem>>
    %dma_start3A_221 = arith.constant 0 : i32
    %dma_start3A_222 = arith.constant 0 : i32
    %dma_start3A_223 = tpu.memref_slice %arg2[%dma_start3A_221, %dma_start3A_222] : memref<16384x256xf32, #tpu.memory_space<hbm>> -> memref<16384x256xf32, #tpu.memory_space<hbm>>
    tpu.enqueue_indirect_dma source(%dma_start3A_223 : memref<16384x256xf32, #tpu.memory_space<hbm>>) target(%arg12 : memref<128x256xf32, #tpu.memory_space<vmem>>) offsets(%dma_start3A_220 : memref<128xi32, #tpu.memory_space<vmem>>) semaphore(%arg13 : memref<!tpu.dma_semaphore, #tpu.memory_space<semaphore_mem>>)
    %dma_wait3A_224 = arith.constant 7 : i32
    %dma_wait3A_225 = arith.constant 0 : i32
    %dma_wait3A_226 = tpu.memref_slice %arg9[%dma_wait3A_224, %dma_wait3A_225] : memref<16x128xi32, #tpu.memory_space<vmem>> -> memref<1x128xi32, #tpu.memory_space<vmem>>
    %dma_wait3A_227 = tpu.memref_squeeze %dma_wait3A_226 : memref<1x128xi32, #tpu.memory_space<vmem>> -> memref<128xi32, #tpu.memory_space<vmem>>
    %dma_wait3A_228 = arith.constant 0 : i32
    %dma_wait3A_229 = arith.constant 0 : i32
    %dma_wait3A_230 = tpu.memref_slice %arg2[%dma_wait3A_228, %dma_wait3A_229] : memref<16384x256xf32, #tpu.memory_space<hbm>> -> memref<16384x256xf32, #tpu.memory_space<hbm>>
    tpu.wait_indirect_dma semaphore(%arg14 : memref<!tpu.dma_semaphore, #tpu.memory_space<semaphore_mem>>) src(%dma_wait3A_230 : memref<16384x256xf32, #tpu.memory_space<hbm>>) dst(%arg11 : memref<128x256xf32, #tpu.memory_space<vmem>>)
    %add3A_231 = arith.constant 896 : i32
    %add3A_232 = arith.addi %mul3A_34, %add3A_231 : i32
    %dma_start3A_233 = arith.constant 0 : i32
    %dma_start3A_234 = tpu.memref_slice %arg5[%add3A_232, %dma_start3A_233] : memref<65536x256xf32, #tpu.memory_space<hbm>> -> memref<128x256xf32, #tpu.memory_space<hbm>>
    %dma_start3A_235 = arith.constant 0 : i32
    %dma_start3A_236 = tpu.memref_slice %arg5[%add3A_232, %dma_start3A_235] : memref<65536x256xf32, #tpu.memory_space<hbm>> -> memref<128x256xf32, #tpu.memory_space<hbm>>
    tpu.enqueue_dma source(%arg11 : memref<128x256xf32, #tpu.memory_space<vmem>>) target(%dma_start3A_236 : memref<128x256xf32, #tpu.memory_space<hbm>>) target_semaphore(%arg16 : memref<!tpu.dma_semaphore, #tpu.memory_space<semaphore_mem>>)
    %dma_wait3A_237 = arith.constant 0 : i32
    %dma_wait3A_238 = tpu.memref_slice %arg5[%add3A_208, %dma_wait3A_237] : memref<65536x256xf32, #tpu.memory_space<hbm>> -> memref<128x256xf32, #tpu.memory_space<hbm>>
    %dma_wait3A_239 = arith.constant 0 : i32
    %dma_wait3A_240 = tpu.memref_slice %arg5[%add3A_208, %dma_wait3A_239] : memref<65536x256xf32, #tpu.memory_space<hbm>> -> memref<128x256xf32, #tpu.memory_space<hbm>>
    tpu.wait_dma2 semaphore(%arg15 : memref<!tpu.dma_semaphore, #tpu.memory_space<semaphore_mem>>) src(%arg10 : memref<128x256xf32, #tpu.memory_space<vmem>>) dst(%dma_wait3A_240 : memref<128x256xf32, #tpu.memory_space<hbm>>)
    %dma_start3A_241 = arith.constant 9 : i32
    %dma_start3A_242 = arith.constant 0 : i32
    %dma_start3A_243 = tpu.memref_slice %arg9[%dma_start3A_241, %dma_start3A_242] : memref<16x128xi32, #tpu.memory_space<vmem>> -> memref<1x128xi32, #tpu.memory_space<vmem>>
    %dma_start3A_244 = tpu.memref_squeeze %dma_start3A_243 : memref<1x128xi32, #tpu.memory_space<vmem>> -> memref<128xi32, #tpu.memory_space<vmem>>
    %dma_start3A_245 = arith.constant 0 : i32
    %dma_start3A_246 = arith.constant 0 : i32
    %dma_start3A_247 = tpu.memref_slice %arg2[%dma_start3A_245, %dma_start3A_246] : memref<16384x256xf32, #tpu.memory_space<hbm>> -> memref<16384x256xf32, #tpu.memory_space<hbm>>
    tpu.enqueue_indirect_dma source(%dma_start3A_247 : memref<16384x256xf32, #tpu.memory_space<hbm>>) target(%arg10 : memref<128x256xf32, #tpu.memory_space<vmem>>) offsets(%dma_start3A_244 : memref<128xi32, #tpu.memory_space<vmem>>) semaphore(%arg14 : memref<!tpu.dma_semaphore, #tpu.memory_space<semaphore_mem>>)
    %dma_wait3A_248 = arith.constant 8 : i32
    %dma_wait3A_249 = arith.constant 0 : i32
    %dma_wait3A_250 = tpu.memref_slice %arg9[%dma_wait3A_248, %dma_wait3A_249] : memref<16x128xi32, #tpu.memory_space<vmem>> -> memref<1x128xi32, #tpu.memory_space<vmem>>
    %dma_wait3A_251 = tpu.memref_squeeze %dma_wait3A_250 : memref<1x128xi32, #tpu.memory_space<vmem>> -> memref<128xi32, #tpu.memory_space<vmem>>
    %dma_wait3A_252 = arith.constant 0 : i32
    %dma_wait3A_253 = arith.constant 0 : i32
    %dma_wait3A_254 = tpu.memref_slice %arg2[%dma_wait3A_252, %dma_wait3A_253] : memref<16384x256xf32, #tpu.memory_space<hbm>> -> memref<16384x256xf32, #tpu.memory_space<hbm>>
    tpu.wait_indirect_dma semaphore(%arg13 : memref<!tpu.dma_semaphore, #tpu.memory_space<semaphore_mem>>) src(%dma_wait3A_254 : memref<16384x256xf32, #tpu.memory_space<hbm>>) dst(%arg12 : memref<128x256xf32, #tpu.memory_space<vmem>>)
    %add3A_255 = arith.constant 1024 : i32
    %add3A_256 = arith.addi %mul3A_34, %add3A_255 : i32
    %dma_start3A_257 = arith.constant 0 : i32
    %dma_start3A_258 = tpu.memref_slice %arg5[%add3A_256, %dma_start3A_257] : memref<65536x256xf32, #tpu.memory_space<hbm>> -> memref<128x256xf32, #tpu.memory_space<hbm>>
    %dma_start3A_259 = arith.constant 0 : i32
    %dma_start3A_260 = tpu.memref_slice %arg5[%add3A_256, %dma_start3A_259] : memref<65536x256xf32, #tpu.memory_space<hbm>> -> memref<128x256xf32, #tpu.memory_space<hbm>>
    tpu.enqueue_dma source(%arg12 : memref<128x256xf32, #tpu.memory_space<vmem>>) target(%dma_start3A_260 : memref<128x256xf32, #tpu.memory_space<hbm>>) target_semaphore(%arg15 : memref<!tpu.dma_semaphore, #tpu.memory_space<semaphore_mem>>)
    %dma_wait3A_261 = arith.constant 0 : i32
    %dma_wait3A_262 = tpu.memref_slice %arg5[%add3A_232, %dma_wait3A_261] : memref<65536x256xf32, #tpu.memory_space<hbm>> -> memref<128x256xf32, #tpu.memory_space<hbm>>
    %dma_wait3A_263 = arith.constant 0 : i32
    %dma_wait3A_264 = tpu.memref_slice %arg5[%add3A_232, %dma_wait3A_263] : memref<65536x256xf32, #tpu.memory_space<hbm>> -> memref<128x256xf32, #tpu.memory_space<hbm>>
    tpu.wait_dma2 semaphore(%arg16 : memref<!tpu.dma_semaphore, #tpu.memory_space<semaphore_mem>>) src(%arg11 : memref<128x256xf32, #tpu.memory_space<vmem>>) dst(%dma_wait3A_264 : memref<128x256xf32, #tpu.memory_space<hbm>>)
    %dma_start3A_265 = arith.constant 10 : i32
    %dma_start3A_266 = arith.constant 0 : i32
    %dma_start3A_267 = tpu.memref_slice %arg9[%dma_start3A_265, %dma_start3A_266] : memref<16x128xi32, #tpu.memory_space<vmem>> -> memref<1x128xi32, #tpu.memory_space<vmem>>
    %dma_start3A_268 = tpu.memref_squeeze %dma_start3A_267 : memref<1x128xi32, #tpu.memory_space<vmem>> -> memref<128xi32, #tpu.memory_space<vmem>>
    %dma_start3A_269 = arith.constant 0 : i32
    %dma_start3A_270 = arith.constant 0 : i32
    %dma_start3A_271 = tpu.memref_slice %arg2[%dma_start3A_269, %dma_start3A_270] : memref<16384x256xf32, #tpu.memory_space<hbm>> -> memref<16384x256xf32, #tpu.memory_space<hbm>>
    tpu.enqueue_indirect_dma source(%dma_start3A_271 : memref<16384x256xf32, #tpu.memory_space<hbm>>) target(%arg11 : memref<128x256xf32, #tpu.memory_space<vmem>>) offsets(%dma_start3A_268 : memref<128xi32, #tpu.memory_space<vmem>>) semaphore(%arg13 : memref<!tpu.dma_semaphore, #tpu.memory_space<semaphore_mem>>)
    %dma_wait3A_272 = arith.constant 9 : i32
    %dma_wait3A_273 = arith.constant 0 : i32
    %dma_wait3A_274 = tpu.memref_slice %arg9[%dma_wait3A_272, %dma_wait3A_273] : memref<16x128xi32, #tpu.memory_space<vmem>> -> memref<1x128xi32, #tpu.memory_space<vmem>>
    %dma_wait3A_275 = tpu.memref_squeeze %dma_wait3A_274 : memref<1x128xi32, #tpu.memory_space<vmem>> -> memref<128xi32, #tpu.memory_space<vmem>>
    %dma_wait3A_276 = arith.constant 0 : i32
    %dma_wait3A_277 = arith.constant 0 : i32
    %dma_wait3A_278 = tpu.memref_slice %arg2[%dma_wait3A_276, %dma_wait3A_277] : memref<16384x256xf32, #tpu.memory_space<hbm>> -> memref<16384x256xf32, #tpu.memory_space<hbm>>
    tpu.wait_indirect_dma semaphore(%arg14 : memref<!tpu.dma_semaphore, #tpu.memory_space<semaphore_mem>>) src(%dma_wait3A_278 : memref<16384x256xf32, #tpu.memory_space<hbm>>) dst(%arg10 : memref<128x256xf32, #tpu.memory_space<vmem>>)
    %add3A_279 = arith.constant 1152 : i32
    %add3A_280 = arith.addi %mul3A_34, %add3A_279 : i32
    %dma_start3A_281 = arith.constant 0 : i32
    %dma_start3A_282 = tpu.memref_slice %arg5[%add3A_280, %dma_start3A_281] : memref<65536x256xf32, #tpu.memory_space<hbm>> -> memref<128x256xf32, #tpu.memory_space<hbm>>
    %dma_start3A_283 = arith.constant 0 : i32
    %dma_start3A_284 = tpu.memref_slice %arg5[%add3A_280, %dma_start3A_283] : memref<65536x256xf32, #tpu.memory_space<hbm>> -> memref<128x256xf32, #tpu.memory_space<hbm>>
    tpu.enqueue_dma source(%arg10 : memref<128x256xf32, #tpu.memory_space<vmem>>) target(%dma_start3A_284 : memref<128x256xf32, #tpu.memory_space<hbm>>) target_semaphore(%arg16 : memref<!tpu.dma_semaphore, #tpu.memory_space<semaphore_mem>>)
    %dma_wait3A_285 = arith.constant 0 : i32
    %dma_wait3A_286 = tpu.memref_slice %arg5[%add3A_256, %dma_wait3A_285] : memref<65536x256xf32, #tpu.memory_space<hbm>> -> memref<128x256xf32, #tpu.memory_space<hbm>>
    %dma_wait3A_287 = arith.constant 0 : i32
    %dma_wait3A_288 = tpu.memref_slice %arg5[%add3A_256, %dma_wait3A_287] : memref<65536x256xf32, #tpu.memory_space<hbm>> -> memref<128x256xf32, #tpu.memory_space<hbm>>
    tpu.wait_dma2 semaphore(%arg15 : memref<!tpu.dma_semaphore, #tpu.memory_space<semaphore_mem>>) src(%arg12 : memref<128x256xf32, #tpu.memory_space<vmem>>) dst(%dma_wait3A_288 : memref<128x256xf32, #tpu.memory_space<hbm>>)
    %dma_start3A_289 = arith.constant 11 : i32
    %dma_start3A_290 = arith.constant 0 : i32
    %dma_start3A_291 = tpu.memref_slice %arg9[%dma_start3A_289, %dma_start3A_290] : memref<16x128xi32, #tpu.memory_space<vmem>> -> memref<1x128xi32, #tpu.memory_space<vmem>>
    %dma_start3A_292 = tpu.memref_squeeze %dma_start3A_291 : memref<1x128xi32, #tpu.memory_space<vmem>> -> memref<128xi32, #tpu.memory_space<vmem>>
    %dma_start3A_293 = arith.constant 0 : i32
    %dma_start3A_294 = arith.constant 0 : i32
    %dma_start3A_295 = tpu.memref_slice %arg2[%dma_start3A_293, %dma_start3A_294] : memref<16384x256xf32, #tpu.memory_space<hbm>> -> memref<16384x256xf32, #tpu.memory_space<hbm>>
    tpu.enqueue_indirect_dma source(%dma_start3A_295 : memref<16384x256xf32, #tpu.memory_space<hbm>>) target(%arg12 : memref<128x256xf32, #tpu.memory_space<vmem>>) offsets(%dma_start3A_292 : memref<128xi32, #tpu.memory_space<vmem>>) semaphore(%arg14 : memref<!tpu.dma_semaphore, #tpu.memory_space<semaphore_mem>>)
    %dma_wait3A_296 = arith.constant 10 : i32
    %dma_wait3A_297 = arith.constant 0 : i32
    %dma_wait3A_298 = tpu.memref_slice %arg9[%dma_wait3A_296, %dma_wait3A_297] : memref<16x128xi32, #tpu.memory_space<vmem>> -> memref<1x128xi32, #tpu.memory_space<vmem>>
    %dma_wait3A_299 = tpu.memref_squeeze %dma_wait3A_298 : memref<1x128xi32, #tpu.memory_space<vmem>> -> memref<128xi32, #tpu.memory_space<vmem>>
    %dma_wait3A_300 = arith.constant 0 : i32
    %dma_wait3A_301 = arith.constant 0 : i32
    %dma_wait3A_302 = tpu.memref_slice %arg2[%dma_wait3A_300, %dma_wait3A_301] : memref<16384x256xf32, #tpu.memory_space<hbm>> -> memref<16384x256xf32, #tpu.memory_space<hbm>>
    tpu.wait_indirect_dma semaphore(%arg13 : memref<!tpu.dma_semaphore, #tpu.memory_space<semaphore_mem>>) src(%dma_wait3A_302 : memref<16384x256xf32, #tpu.memory_space<hbm>>) dst(%arg11 : memref<128x256xf32, #tpu.memory_space<vmem>>)
    %add3A_303 = arith.constant 1280 : i32
    %add3A_304 = arith.addi %mul3A_34, %add3A_303 : i32
    %dma_start3A_305 = arith.constant 0 : i32
    %dma_start3A_306 = tpu.memref_slice %arg5[%add3A_304, %dma_start3A_305] : memref<65536x256xf32, #tpu.memory_space<hbm>> -> memref<128x256xf32, #tpu.memory_space<hbm>>
    %dma_start3A_307 = arith.constant 0 : i32
    %dma_start3A_308 = tpu.memref_slice %arg5[%add3A_304, %dma_start3A_307] : memref<65536x256xf32, #tpu.memory_space<hbm>> -> memref<128x256xf32, #tpu.memory_space<hbm>>
    tpu.enqueue_dma source(%arg11 : memref<128x256xf32, #tpu.memory_space<vmem>>) target(%dma_start3A_308 : memref<128x256xf32, #tpu.memory_space<hbm>>) target_semaphore(%arg15 : memref<!tpu.dma_semaphore, #tpu.memory_space<semaphore_mem>>)
    %dma_wait3A_309 = arith.constant 0 : i32
    %dma_wait3A_310 = tpu.memref_slice %arg5[%add3A_280, %dma_wait3A_309] : memref<65536x256xf32, #tpu.memory_space<hbm>> -> memref<128x256xf32, #tpu.memory_space<hbm>>
    %dma_wait3A_311 = arith.constant 0 : i32
    %dma_wait3A_312 = tpu.memref_slice %arg5[%add3A_280, %dma_wait3A_311] : memref<65536x256xf32, #tpu.memory_space<hbm>> -> memref<128x256xf32, #tpu.memory_space<hbm>>
    tpu.wait_dma2 semaphore(%arg16 : memref<!tpu.dma_semaphore, #tpu.memory_space<semaphore_mem>>) src(%arg10 : memref<128x256xf32, #tpu.memory_space<vmem>>) dst(%dma_wait3A_312 : memref<128x256xf32, #tpu.memory_space<hbm>>)
    %dma_start3A_313 = arith.constant 12 : i32
    %dma_start3A_314 = arith.constant 0 : i32
    %dma_start3A_315 = tpu.memref_slice %arg9[%dma_start3A_313, %dma_start3A_314] : memref<16x128xi32, #tpu.memory_space<vmem>> -> memref<1x128xi32, #tpu.memory_space<vmem>>
    %dma_start3A_316 = tpu.memref_squeeze %dma_start3A_315 : memref<1x128xi32, #tpu.memory_space<vmem>> -> memref<128xi32, #tpu.memory_space<vmem>>
    %dma_start3A_317 = arith.constant 0 : i32
    %dma_start3A_318 = arith.constant 0 : i32
    %dma_start3A_319 = tpu.memref_slice %arg2[%dma_start3A_317, %dma_start3A_318] : memref<16384x256xf32, #tpu.memory_space<hbm>> -> memref<16384x256xf32, #tpu.memory_space<hbm>>
    tpu.enqueue_indirect_dma source(%dma_start3A_319 : memref<16384x256xf32, #tpu.memory_space<hbm>>) target(%arg10 : memref<128x256xf32, #tpu.memory_space<vmem>>) offsets(%dma_start3A_316 : memref<128xi32, #tpu.memory_space<vmem>>) semaphore(%arg13 : memref<!tpu.dma_semaphore, #tpu.memory_space<semaphore_mem>>)
    %dma_wait3A_320 = arith.constant 11 : i32
    %dma_wait3A_321 = arith.constant 0 : i32
    %dma_wait3A_322 = tpu.memref_slice %arg9[%dma_wait3A_320, %dma_wait3A_321] : memref<16x128xi32, #tpu.memory_space<vmem>> -> memref<1x128xi32, #tpu.memory_space<vmem>>
    %dma_wait3A_323 = tpu.memref_squeeze %dma_wait3A_322 : memref<1x128xi32, #tpu.memory_space<vmem>> -> memref<128xi32, #tpu.memory_space<vmem>>
    %dma_wait3A_324 = arith.constant 0 : i32
    %dma_wait3A_325 = arith.constant 0 : i32
    %dma_wait3A_326 = tpu.memref_slice %arg2[%dma_wait3A_324, %dma_wait3A_325] : memref<16384x256xf32, #tpu.memory_space<hbm>> -> memref<16384x256xf32, #tpu.memory_space<hbm>>
    tpu.wait_indirect_dma semaphore(%arg14 : memref<!tpu.dma_semaphore, #tpu.memory_space<semaphore_mem>>) src(%dma_wait3A_326 : memref<16384x256xf32, #tpu.memory_space<hbm>>) dst(%arg12 : memref<128x256xf32, #tpu.memory_space<vmem>>)
    %add3A_327 = arith.constant 1408 : i32
    %add3A_328 = arith.addi %mul3A_34, %add3A_327 : i32
    %dma_start3A_329 = arith.constant 0 : i32
    %dma_start3A_330 = tpu.memref_slice %arg5[%add3A_328, %dma_start3A_329] : memref<65536x256xf32, #tpu.memory_space<hbm>> -> memref<128x256xf32, #tpu.memory_space<hbm>>
    %dma_start3A_331 = arith.constant 0 : i32
    %dma_start3A_332 = tpu.memref_slice %arg5[%add3A_328, %dma_start3A_331] : memref<65536x256xf32, #tpu.memory_space<hbm>> -> memref<128x256xf32, #tpu.memory_space<hbm>>
    tpu.enqueue_dma source(%arg12 : memref<128x256xf32, #tpu.memory_space<vmem>>) target(%dma_start3A_332 : memref<128x256xf32, #tpu.memory_space<hbm>>) target_semaphore(%arg16 : memref<!tpu.dma_semaphore, #tpu.memory_space<semaphore_mem>>)
    %dma_wait3A_333 = arith.constant 0 : i32
    %dma_wait3A_334 = tpu.memref_slice %arg5[%add3A_304, %dma_wait3A_333] : memref<65536x256xf32, #tpu.memory_space<hbm>> -> memref<128x256xf32, #tpu.memory_space<hbm>>
    %dma_wait3A_335 = arith.constant 0 : i32
    %dma_wait3A_336 = tpu.memref_slice %arg5[%add3A_304, %dma_wait3A_335] : memref<65536x256xf32, #tpu.memory_space<hbm>> -> memref<128x256xf32, #tpu.memory_space<hbm>>
    tpu.wait_dma2 semaphore(%arg15 : memref<!tpu.dma_semaphore, #tpu.memory_space<semaphore_mem>>) src(%arg11 : memref<128x256xf32, #tpu.memory_space<vmem>>) dst(%dma_wait3A_336 : memref<128x256xf32, #tpu.memory_space<hbm>>)
    %dma_start3A_337 = arith.constant 13 : i32
    %dma_start3A_338 = arith.constant 0 : i32
    %dma_start3A_339 = tpu.memref_slice %arg9[%dma_start3A_337, %dma_start3A_338] : memref<16x128xi32, #tpu.memory_space<vmem>> -> memref<1x128xi32, #tpu.memory_space<vmem>>
    %dma_start3A_340 = tpu.memref_squeeze %dma_start3A_339 : memref<1x128xi32, #tpu.memory_space<vmem>> -> memref<128xi32, #tpu.memory_space<vmem>>
    %dma_start3A_341 = arith.constant 0 : i32
    %dma_start3A_342 = arith.constant 0 : i32
    %dma_start3A_343 = tpu.memref_slice %arg2[%dma_start3A_341, %dma_start3A_342] : memref<16384x256xf32, #tpu.memory_space<hbm>> -> memref<16384x256xf32, #tpu.memory_space<hbm>>
    tpu.enqueue_indirect_dma source(%dma_start3A_343 : memref<16384x256xf32, #tpu.memory_space<hbm>>) target(%arg11 : memref<128x256xf32, #tpu.memory_space<vmem>>) offsets(%dma_start3A_340 : memref<128xi32, #tpu.memory_space<vmem>>) semaphore(%arg14 : memref<!tpu.dma_semaphore, #tpu.memory_space<semaphore_mem>>)
    %dma_wait3A_344 = arith.constant 12 : i32
    %dma_wait3A_345 = arith.constant 0 : i32
    %dma_wait3A_346 = tpu.memref_slice %arg9[%dma_wait3A_344, %dma_wait3A_345] : memref<16x128xi32, #tpu.memory_space<vmem>> -> memref<1x128xi32, #tpu.memory_space<vmem>>
    %dma_wait3A_347 = tpu.memref_squeeze %dma_wait3A_346 : memref<1x128xi32, #tpu.memory_space<vmem>> -> memref<128xi32, #tpu.memory_space<vmem>>
    %dma_wait3A_348 = arith.constant 0 : i32
    %dma_wait3A_349 = arith.constant 0 : i32
    %dma_wait3A_350 = tpu.memref_slice %arg2[%dma_wait3A_348, %dma_wait3A_349] : memref<16384x256xf32, #tpu.memory_space<hbm>> -> memref<16384x256xf32, #tpu.memory_space<hbm>>
    tpu.wait_indirect_dma semaphore(%arg13 : memref<!tpu.dma_semaphore, #tpu.memory_space<semaphore_mem>>) src(%dma_wait3A_350 : memref<16384x256xf32, #tpu.memory_space<hbm>>) dst(%arg10 : memref<128x256xf32, #tpu.memory_space<vmem>>)
    %add3A_351 = arith.constant 1536 : i32
    %add3A_352 = arith.addi %mul3A_34, %add3A_351 : i32
    %dma_start3A_353 = arith.constant 0 : i32
    %dma_start3A_354 = tpu.memref_slice %arg5[%add3A_352, %dma_start3A_353] : memref<65536x256xf32, #tpu.memory_space<hbm>> -> memref<128x256xf32, #tpu.memory_space<hbm>>
    %dma_start3A_355 = arith.constant 0 : i32
    %dma_start3A_356 = tpu.memref_slice %arg5[%add3A_352, %dma_start3A_355] : memref<65536x256xf32, #tpu.memory_space<hbm>> -> memref<128x256xf32, #tpu.memory_space<hbm>>
    tpu.enqueue_dma source(%arg10 : memref<128x256xf32, #tpu.memory_space<vmem>>) target(%dma_start3A_356 : memref<128x256xf32, #tpu.memory_space<hbm>>) target_semaphore(%arg15 : memref<!tpu.dma_semaphore, #tpu.memory_space<semaphore_mem>>)
    %dma_wait3A_357 = arith.constant 0 : i32
    %dma_wait3A_358 = tpu.memref_slice %arg5[%add3A_328, %dma_wait3A_357] : memref<65536x256xf32, #tpu.memory_space<hbm>> -> memref<128x256xf32, #tpu.memory_space<hbm>>
    %dma_wait3A_359 = arith.constant 0 : i32
    %dma_wait3A_360 = tpu.memref_slice %arg5[%add3A_328, %dma_wait3A_359] : memref<65536x256xf32, #tpu.memory_space<hbm>> -> memref<128x256xf32, #tpu.memory_space<hbm>>
    tpu.wait_dma2 semaphore(%arg16 : memref<!tpu.dma_semaphore, #tpu.memory_space<semaphore_mem>>) src(%arg12 : memref<128x256xf32, #tpu.memory_space<vmem>>) dst(%dma_wait3A_360 : memref<128x256xf32, #tpu.memory_space<hbm>>)
    %dma_start3A_361 = arith.constant 14 : i32
    %dma_start3A_362 = arith.constant 0 : i32
    %dma_start3A_363 = tpu.memref_slice %arg9[%dma_start3A_361, %dma_start3A_362] : memref<16x128xi32, #tpu.memory_space<vmem>> -> memref<1x128xi32, #tpu.memory_space<vmem>>
    %dma_start3A_364 = tpu.memref_squeeze %dma_start3A_363 : memref<1x128xi32, #tpu.memory_space<vmem>> -> memref<128xi32, #tpu.memory_space<vmem>>
    %dma_start3A_365 = arith.constant 0 : i32
    %dma_start3A_366 = arith.constant 0 : i32
    %dma_start3A_367 = tpu.memref_slice %arg2[%dma_start3A_365, %dma_start3A_366] : memref<16384x256xf32, #tpu.memory_space<hbm>> -> memref<16384x256xf32, #tpu.memory_space<hbm>>
    tpu.enqueue_indirect_dma source(%dma_start3A_367 : memref<16384x256xf32, #tpu.memory_space<hbm>>) target(%arg12 : memref<128x256xf32, #tpu.memory_space<vmem>>) offsets(%dma_start3A_364 : memref<128xi32, #tpu.memory_space<vmem>>) semaphore(%arg13 : memref<!tpu.dma_semaphore, #tpu.memory_space<semaphore_mem>>)
    %dma_wait3A_368 = arith.constant 13 : i32
    %dma_wait3A_369 = arith.constant 0 : i32
    %dma_wait3A_370 = tpu.memref_slice %arg9[%dma_wait3A_368, %dma_wait3A_369] : memref<16x128xi32, #tpu.memory_space<vmem>> -> memref<1x128xi32, #tpu.memory_space<vmem>>
    %dma_wait3A_371 = tpu.memref_squeeze %dma_wait3A_370 : memref<1x128xi32, #tpu.memory_space<vmem>> -> memref<128xi32, #tpu.memory_space<vmem>>
    %dma_wait3A_372 = arith.constant 0 : i32
    %dma_wait3A_373 = arith.constant 0 : i32
    %dma_wait3A_374 = tpu.memref_slice %arg2[%dma_wait3A_372, %dma_wait3A_373] : memref<16384x256xf32, #tpu.memory_space<hbm>> -> memref<16384x256xf32, #tpu.memory_space<hbm>>
    tpu.wait_indirect_dma semaphore(%arg14 : memref<!tpu.dma_semaphore, #tpu.memory_space<semaphore_mem>>) src(%dma_wait3A_374 : memref<16384x256xf32, #tpu.memory_space<hbm>>) dst(%arg11 : memref<128x256xf32, #tpu.memory_space<vmem>>)
    %add3A_375 = arith.constant 1664 : i32
    %add3A_376 = arith.addi %mul3A_34, %add3A_375 : i32
    %dma_start3A_377 = arith.constant 0 : i32
    %dma_start3A_378 = tpu.memref_slice %arg5[%add3A_376, %dma_start3A_377] : memref<65536x256xf32, #tpu.memory_space<hbm>> -> memref<128x256xf32, #tpu.memory_space<hbm>>
    %dma_start3A_379 = arith.constant 0 : i32
    %dma_start3A_380 = tpu.memref_slice %arg5[%add3A_376, %dma_start3A_379] : memref<65536x256xf32, #tpu.memory_space<hbm>> -> memref<128x256xf32, #tpu.memory_space<hbm>>
    tpu.enqueue_dma source(%arg11 : memref<128x256xf32, #tpu.memory_space<vmem>>) target(%dma_start3A_380 : memref<128x256xf32, #tpu.memory_space<hbm>>) target_semaphore(%arg16 : memref<!tpu.dma_semaphore, #tpu.memory_space<semaphore_mem>>)
    %dma_wait3A_381 = arith.constant 0 : i32
    %dma_wait3A_382 = tpu.memref_slice %arg5[%add3A_352, %dma_wait3A_381] : memref<65536x256xf32, #tpu.memory_space<hbm>> -> memref<128x256xf32, #tpu.memory_space<hbm>>
    %dma_wait3A_383 = arith.constant 0 : i32
    %dma_wait3A_384 = tpu.memref_slice %arg5[%add3A_352, %dma_wait3A_383] : memref<65536x256xf32, #tpu.memory_space<hbm>> -> memref<128x256xf32, #tpu.memory_space<hbm>>
    tpu.wait_dma2 semaphore(%arg15 : memref<!tpu.dma_semaphore, #tpu.memory_space<semaphore_mem>>) src(%arg10 : memref<128x256xf32, #tpu.memory_space<vmem>>) dst(%dma_wait3A_384 : memref<128x256xf32, #tpu.memory_space<hbm>>)
    %dma_start3A_385 = arith.constant 15 : i32
    %dma_start3A_386 = arith.constant 0 : i32
    %dma_start3A_387 = tpu.memref_slice %arg9[%dma_start3A_385, %dma_start3A_386] : memref<16x128xi32, #tpu.memory_space<vmem>> -> memref<1x128xi32, #tpu.memory_space<vmem>>
    %dma_start3A_388 = tpu.memref_squeeze %dma_start3A_387 : memref<1x128xi32, #tpu.memory_space<vmem>> -> memref<128xi32, #tpu.memory_space<vmem>>
    %dma_start3A_389 = arith.constant 0 : i32
    %dma_start3A_390 = arith.constant 0 : i32
    %dma_start3A_391 = tpu.memref_slice %arg2[%dma_start3A_389, %dma_start3A_390] : memref<16384x256xf32, #tpu.memory_space<hbm>> -> memref<16384x256xf32, #tpu.memory_space<hbm>>
    tpu.enqueue_indirect_dma source(%dma_start3A_391 : memref<16384x256xf32, #tpu.memory_space<hbm>>) target(%arg10 : memref<128x256xf32, #tpu.memory_space<vmem>>) offsets(%dma_start3A_388 : memref<128xi32, #tpu.memory_space<vmem>>) semaphore(%arg14 : memref<!tpu.dma_semaphore, #tpu.memory_space<semaphore_mem>>)
    %dma_wait3A_392 = arith.constant 14 : i32
    %dma_wait3A_393 = arith.constant 0 : i32
    %dma_wait3A_394 = tpu.memref_slice %arg9[%dma_wait3A_392, %dma_wait3A_393] : memref<16x128xi32, #tpu.memory_space<vmem>> -> memref<1x128xi32, #tpu.memory_space<vmem>>
    %dma_wait3A_395 = tpu.memref_squeeze %dma_wait3A_394 : memref<1x128xi32, #tpu.memory_space<vmem>> -> memref<128xi32, #tpu.memory_space<vmem>>
    %dma_wait3A_396 = arith.constant 0 : i32
    %dma_wait3A_397 = arith.constant 0 : i32
    %dma_wait3A_398 = tpu.memref_slice %arg2[%dma_wait3A_396, %dma_wait3A_397] : memref<16384x256xf32, #tpu.memory_space<hbm>> -> memref<16384x256xf32, #tpu.memory_space<hbm>>
    tpu.wait_indirect_dma semaphore(%arg13 : memref<!tpu.dma_semaphore, #tpu.memory_space<semaphore_mem>>) src(%dma_wait3A_398 : memref<16384x256xf32, #tpu.memory_space<hbm>>) dst(%arg12 : memref<128x256xf32, #tpu.memory_space<vmem>>)
    %add3A_399 = arith.constant 1792 : i32
    %add3A_400 = arith.addi %mul3A_34, %add3A_399 : i32
    %dma_start3A_401 = arith.constant 0 : i32
    %dma_start3A_402 = tpu.memref_slice %arg5[%add3A_400, %dma_start3A_401] : memref<65536x256xf32, #tpu.memory_space<hbm>> -> memref<128x256xf32, #tpu.memory_space<hbm>>
    %dma_start3A_403 = arith.constant 0 : i32
    %dma_start3A_404 = tpu.memref_slice %arg5[%add3A_400, %dma_start3A_403] : memref<65536x256xf32, #tpu.memory_space<hbm>> -> memref<128x256xf32, #tpu.memory_space<hbm>>
    tpu.enqueue_dma source(%arg12 : memref<128x256xf32, #tpu.memory_space<vmem>>) target(%dma_start3A_404 : memref<128x256xf32, #tpu.memory_space<hbm>>) target_semaphore(%arg15 : memref<!tpu.dma_semaphore, #tpu.memory_space<semaphore_mem>>)
    %dma_wait3A_405 = arith.constant 15 : i32
    %dma_wait3A_406 = arith.constant 0 : i32
    %dma_wait3A_407 = tpu.memref_slice %arg9[%dma_wait3A_405, %dma_wait3A_406] : memref<16x128xi32, #tpu.memory_space<vmem>> -> memref<1x128xi32, #tpu.memory_space<vmem>>
    %dma_wait3A_408 = tpu.memref_squeeze %dma_wait3A_407 : memref<1x128xi32, #tpu.memory_space<vmem>> -> memref<128xi32, #tpu.memory_space<vmem>>
    %dma_wait3A_409 = arith.constant 0 : i32
    %dma_wait3A_410 = arith.constant 0 : i32
    %dma_wait3A_411 = tpu.memref_slice %arg2[%dma_wait3A_409, %dma_wait3A_410] : memref<16384x256xf32, #tpu.memory_space<hbm>> -> memref<16384x256xf32, #tpu.memory_space<hbm>>
    tpu.wait_indirect_dma semaphore(%arg14 : memref<!tpu.dma_semaphore, #tpu.memory_space<semaphore_mem>>) src(%dma_wait3A_411 : memref<16384x256xf32, #tpu.memory_space<hbm>>) dst(%arg10 : memref<128x256xf32, #tpu.memory_space<vmem>>)
    %add3A_412 = arith.constant 1920 : i32
    %add3A_413 = arith.addi %mul3A_34, %add3A_412 : i32
    %dma_start3A_414 = arith.constant 0 : i32
    %dma_start3A_415 = tpu.memref_slice %arg5[%add3A_413, %dma_start3A_414] : memref<65536x256xf32, #tpu.memory_space<hbm>> -> memref<128x256xf32, #tpu.memory_space<hbm>>
    %dma_start3A_416 = arith.constant 0 : i32
    %dma_start3A_417 = tpu.memref_slice %arg5[%add3A_413, %dma_start3A_416] : memref<65536x256xf32, #tpu.memory_space<hbm>> -> memref<128x256xf32, #tpu.memory_space<hbm>>
    tpu.enqueue_dma source(%arg10 : memref<128x256xf32, #tpu.memory_space<vmem>>) target(%dma_start3A_417 : memref<128x256xf32, #tpu.memory_space<hbm>>) target_semaphore(%arg16 : memref<!tpu.dma_semaphore, #tpu.memory_space<semaphore_mem>>)
    %dma_wait3A_418 = arith.constant 0 : i32
    %dma_wait3A_419 = tpu.memref_slice %arg5[%add3A_400, %dma_wait3A_418] : memref<65536x256xf32, #tpu.memory_space<hbm>> -> memref<128x256xf32, #tpu.memory_space<hbm>>
    %dma_wait3A_420 = arith.constant 0 : i32
    %dma_wait3A_421 = tpu.memref_slice %arg5[%add3A_400, %dma_wait3A_420] : memref<65536x256xf32, #tpu.memory_space<hbm>> -> memref<128x256xf32, #tpu.memory_space<hbm>>
    tpu.wait_dma2 semaphore(%arg15 : memref<!tpu.dma_semaphore, #tpu.memory_space<semaphore_mem>>) src(%arg12 : memref<128x256xf32, #tpu.memory_space<vmem>>) dst(%dma_wait3A_421 : memref<128x256xf32, #tpu.memory_space<hbm>>)
    %dma_wait3A_422 = arith.constant 0 : i32
    %dma_wait3A_423 = tpu.memref_slice %arg5[%add3A_413, %dma_wait3A_422] : memref<65536x256xf32, #tpu.memory_space<hbm>> -> memref<128x256xf32, #tpu.memory_space<hbm>>
    %dma_wait3A_424 = arith.constant 0 : i32
    %dma_wait3A_425 = tpu.memref_slice %arg5[%add3A_413, %dma_wait3A_424] : memref<65536x256xf32, #tpu.memory_space<hbm>> -> memref<128x256xf32, #tpu.memory_space<hbm>>
    tpu.wait_dma2 semaphore(%arg16 : memref<!tpu.dma_semaphore, #tpu.memory_space<semaphore_mem>>) src(%arg10 : memref<128x256xf32, #tpu.memory_space<vmem>>) dst(%dma_wait3A_425 : memref<128x256xf32, #tpu.memory_space<hbm>>)
    return
  }
}

module attributes {stable_mosaic.version = 14 : i64} {
  func.func @_predictor_body(%arg0: memref<8x2048x256xf32, #tpu.memory_space<vmem>>, %arg1: memref<256x768xbf16, #tpu.memory_space<vmem>>, %arg2: memref<256x768xbf16, #tpu.memory_space<vmem>>, %arg3: memref<1x256xf32, #tpu.memory_space<vmem>>, %arg4: memref<1x1xf32, #tpu.memory_space<vmem>>, %arg5: memref<8x1x2048xf32, #tpu.memory_space<vmem>>) attributes {dimension_semantics = [], scalar_prefetch = 0 : i64, scratch_operands = 0 : i64, tpu.core_type = #tpu.core_type<tc>} {
    %broadcast_in_dim3A = arith.constant 0.000000e+00 : f32
    %broadcast_in_dim3A_0 = vector.broadcast %broadcast_in_dim3A : f32 to vector<1x256xf32>
    %get3A = arith.constant 0 : index
    %get3A_1 = arith.constant 0 : index
    %get3A_2 = arith.constant 0 : index
    %get3A_3 = vector.load %arg0[%get3A, %get3A_1, %get3A_2] : memref<8x2048x256xf32, #tpu.memory_space<vmem>>, vector<1x2048x256xf32>
    %get3A_4 = vector.shape_cast %get3A_3 : vector<1x2048x256xf32> to vector<2048x256xf32>
    %convert_element_type3A = arith.truncf %get3A_4 : vector<2048x256xf32> to vector<2048x256xbf16>
    %get3A_5 = arith.constant 0 : index
    %get3A_6 = arith.constant 0 : index
    %get3A_7 = vector.load %arg1[%get3A_5, %get3A_6] : memref<256x768xbf16, #tpu.memory_space<vmem>>, vector<256x768xbf16>
    %dot_general3A = arith.constant dense<0.000000e+00> : vector<2048x768xf32>
    %dot_general3A_8 = tpu.matmul %convert_element_type3A, %get3A_7, %dot_general3A {dimension_numbers = #tpu.dot_dimension_numbers<[1], [0], [0], [1], [0, 0, 1, 1], [], []>, transpose_lhs_hint = false} : vector<2048x256xbf16>, vector<256x768xbf16>, vector<2048x768xf32> -> vector<2048x768xf32>
    %slice3A = vector.extract_strided_slice %dot_general3A_8 {offsets = [0, 0], sizes = [2048, 256], strides = [1, 1]} : vector<2048x768xf32> to vector<2048x256xf32>
    %slice3A_9 = vector.extract_strided_slice %dot_general3A_8 {offsets = [0, 256], sizes = [2048, 256], strides = [1, 1]} : vector<2048x768xf32> to vector<2048x256xf32>
    %slice3A_10 = vector.extract_strided_slice %dot_general3A_8 {offsets = [0, 512], sizes = [2048, 256], strides = [1, 1]} : vector<2048x768xf32> to vector<2048x256xf32>
    %slice3A_11 = vector.extract_strided_slice %slice3A {offsets = [0, 0], sizes = [2047, 256], strides = [1, 1]} : vector<2048x256xf32> to vector<2047x256xf32>
    %concatenate3A = tpu.concatenate %broadcast_in_dim3A_0, %slice3A_11 in 0 : vector<1x256xf32>, vector<2047x256xf32> -> vector<2048x256xf32>
    %slice3A_12 = vector.extract_strided_slice %slice3A_10 {offsets = [1, 0], sizes = [2047, 256], strides = [1, 1]} : vector<2048x256xf32> to vector<2047x256xf32>
    %concatenate3A_13 = tpu.concatenate %slice3A_12, %broadcast_in_dim3A_0 in 0 : vector<2047x256xf32>, vector<1x256xf32> -> vector<2048x256xf32>
    %add3A = arith.addf %concatenate3A, %slice3A_9 : vector<2048x256xf32>
    %add3A_14 = arith.addf %add3A, %concatenate3A_13 : vector<2048x256xf32>
    %max3A = arith.constant 0.000000e+00 : f32
    %max3A_15 = vector.broadcast %max3A : f32 to vector<2048x256xf32>
    %max3A_16 = arith.maximumf %add3A_14, %max3A_15 : vector<2048x256xf32>
    %reduce_sum3A = arith.constant dense<0.000000e+00> : vector<2048xf32>
    %reduce_sum3A_17 = vector.multi_reduction <add>, %max3A_16, %reduce_sum3A [1] : vector<2048x256xf32> to vector<2048xf32>
    %broadcast_in_dim3A_18 = vector.shape_cast %reduce_sum3A_17 : vector<2048xf32> to vector<2048x1xf32>
    %div3A = arith.constant 2.560000e+02 : f32
    %div3A_19 = vector.broadcast %div3A : f32 to vector<2048x1xf32>
    %div3A_20 = arith.divf %broadcast_in_dim3A_18, %div3A_19 : vector<2048x1xf32>
    %sub3A = vector.broadcast %div3A_20 : vector<2048x1xf32> to vector<2048x256xf32>
    %sub3A_21 = arith.subf %max3A_16, %sub3A : vector<2048x256xf32>
    %integer_pow3A = arith.mulf %sub3A_21, %sub3A_21 : vector<2048x256xf32>
    %reduce_sum3A_22 = arith.constant dense<0.000000e+00> : vector<2048xf32>
    %reduce_sum3A_23 = vector.multi_reduction <add>, %integer_pow3A, %reduce_sum3A_22 [1] : vector<2048x256xf32> to vector<2048xf32>
    %broadcast_in_dim3A_24 = vector.shape_cast %reduce_sum3A_23 : vector<2048xf32> to vector<2048x1xf32>
    %div3A_25 = arith.constant 2.560000e+02 : f32
    %div3A_26 = vector.broadcast %div3A_25 : f32 to vector<2048x1xf32>
    %div3A_27 = arith.divf %broadcast_in_dim3A_24, %div3A_26 : vector<2048x1xf32>
    %add3A_28 = arith.constant 9.99999974E-6 : f32
    %add3A_29 = vector.broadcast %add3A_28 : f32 to vector<2048x1xf32>
    %add3A_30 = arith.addf %div3A_27, %add3A_29 : vector<2048x1xf32>
    %rsqrt3A = math.rsqrt %add3A_30 : vector<2048x1xf32>
    %sub3A_31 = vector.broadcast %div3A_20 : vector<2048x1xf32> to vector<2048x256xf32>
    %sub3A_32 = arith.subf %max3A_16, %sub3A_31 : vector<2048x256xf32>
    %mul3A = vector.broadcast %rsqrt3A : vector<2048x1xf32> to vector<2048x256xf32>
    %mul3A_33 = arith.mulf %sub3A_32, %mul3A : vector<2048x256xf32>
    %convert_element_type3A_34 = arith.truncf %mul3A_33 : vector<2048x256xf32> to vector<2048x256xbf16>
    %get3A_35 = arith.constant 0 : index
    %get3A_36 = arith.constant 0 : index
    %get3A_37 = vector.load %arg2[%get3A_35, %get3A_36] : memref<256x768xbf16, #tpu.memory_space<vmem>>, vector<256x768xbf16>
    %dot_general3A_38 = arith.constant dense<0.000000e+00> : vector<2048x768xf32>
    %dot_general3A_39 = tpu.matmul %convert_element_type3A_34, %get3A_37, %dot_general3A_38 {dimension_numbers = #tpu.dot_dimension_numbers<[1], [0], [0], [1], [0, 0, 1, 1], [], []>, transpose_lhs_hint = false} : vector<2048x256xbf16>, vector<256x768xbf16>, vector<2048x768xf32> -> vector<2048x768xf32>
    %slice3A_40 = vector.extract_strided_slice %dot_general3A_39 {offsets = [0, 0], sizes = [2048, 256], strides = [1, 1]} : vector<2048x768xf32> to vector<2048x256xf32>
    %slice3A_41 = vector.extract_strided_slice %dot_general3A_39 {offsets = [0, 256], sizes = [2048, 256], strides = [1, 1]} : vector<2048x768xf32> to vector<2048x256xf32>
    %slice3A_42 = vector.extract_strided_slice %dot_general3A_39 {offsets = [0, 512], sizes = [2048, 256], strides = [1, 1]} : vector<2048x768xf32> to vector<2048x256xf32>
    %slice3A_43 = vector.extract_strided_slice %slice3A_40 {offsets = [0, 0], sizes = [2047, 256], strides = [1, 1]} : vector<2048x256xf32> to vector<2047x256xf32>
    %concatenate3A_44 = tpu.concatenate %broadcast_in_dim3A_0, %slice3A_43 in 0 : vector<1x256xf32>, vector<2047x256xf32> -> vector<2048x256xf32>
    %slice3A_45 = vector.extract_strided_slice %slice3A_42 {offsets = [1, 0], sizes = [2047, 256], strides = [1, 1]} : vector<2048x256xf32> to vector<2047x256xf32>
    %concatenate3A_46 = tpu.concatenate %slice3A_45, %broadcast_in_dim3A_0 in 0 : vector<2047x256xf32>, vector<1x256xf32> -> vector<2048x256xf32>
    %add3A_47 = arith.addf %concatenate3A_44, %slice3A_41 : vector<2048x256xf32>
    %add3A_48 = arith.addf %add3A_47, %concatenate3A_46 : vector<2048x256xf32>
    %max3A_49 = arith.constant 0.000000e+00 : f32
    %max3A_50 = vector.broadcast %max3A_49 : f32 to vector<2048x256xf32>
    %max3A_51 = arith.maximumf %add3A_48, %max3A_50 : vector<2048x256xf32>
    %reduce_sum3A_52 = arith.constant dense<0.000000e+00> : vector<2048xf32>
    %reduce_sum3A_53 = vector.multi_reduction <add>, %max3A_51, %reduce_sum3A_52 [1] : vector<2048x256xf32> to vector<2048xf32>
    %broadcast_in_dim3A_54 = vector.shape_cast %reduce_sum3A_53 : vector<2048xf32> to vector<2048x1xf32>
    %div3A_55 = arith.constant 2.560000e+02 : f32
    %div3A_56 = vector.broadcast %div3A_55 : f32 to vector<2048x1xf32>
    %div3A_57 = arith.divf %broadcast_in_dim3A_54, %div3A_56 : vector<2048x1xf32>
    %sub3A_58 = vector.broadcast %div3A_57 : vector<2048x1xf32> to vector<2048x256xf32>
    %sub3A_59 = arith.subf %max3A_51, %sub3A_58 : vector<2048x256xf32>
    %integer_pow3A_60 = arith.mulf %sub3A_59, %sub3A_59 : vector<2048x256xf32>
    %reduce_sum3A_61 = arith.constant dense<0.000000e+00> : vector<2048xf32>
    %reduce_sum3A_62 = vector.multi_reduction <add>, %integer_pow3A_60, %reduce_sum3A_61 [1] : vector<2048x256xf32> to vector<2048xf32>
    %broadcast_in_dim3A_63 = vector.shape_cast %reduce_sum3A_62 : vector<2048xf32> to vector<2048x1xf32>
    %div3A_64 = arith.constant 2.560000e+02 : f32
    %div3A_65 = vector.broadcast %div3A_64 : f32 to vector<2048x1xf32>
    %div3A_66 = arith.divf %broadcast_in_dim3A_63, %div3A_65 : vector<2048x1xf32>
    %add3A_67 = arith.constant 9.99999974E-6 : f32
    %add3A_68 = vector.broadcast %add3A_67 : f32 to vector<2048x1xf32>
    %add3A_69 = arith.addf %div3A_66, %add3A_68 : vector<2048x1xf32>
    %rsqrt3A_70 = math.rsqrt %add3A_69 : vector<2048x1xf32>
    %get3A_71 = arith.constant 0 : index
    %get3A_72 = arith.constant 0 : index
    %get3A_73 = vector.load %arg3[%get3A_71, %get3A_72] : memref<1x256xf32, #tpu.memory_space<vmem>>, vector<1x256xf32>
    %mul3A_74 = vector.broadcast %get3A_73 : vector<1x256xf32> to vector<2048x256xf32>
    %mul3A_75 = arith.mulf %max3A_51, %mul3A_74 : vector<2048x256xf32>
    %reduce_sum3A_76 = arith.constant dense<0.000000e+00> : vector<2048xf32>
    %reduce_sum3A_77 = vector.multi_reduction <add>, %mul3A_75, %reduce_sum3A_76 [1] : vector<2048x256xf32> to vector<2048xf32>
    %broadcast_in_dim3A_78 = vector.shape_cast %reduce_sum3A_77 : vector<2048xf32> to vector<2048x1xf32>
    %get3A_79 = arith.constant 0 : index
    %get3A_80 = arith.constant 0 : index
    %get3A_81 = vector.load %arg4[%get3A_79, %get3A_80] : memref<1x1xf32, #tpu.memory_space<vmem>>, vector<1x1xf32>
    %mul3A_82 = vector.broadcast %get3A_81 : vector<1x1xf32> to vector<2048x1xf32>
    %mul3A_83 = arith.mulf %div3A_57, %mul3A_82 : vector<2048x1xf32>
    %sub3A_84 = arith.subf %broadcast_in_dim3A_78, %mul3A_83 : vector<2048x1xf32>
    %mul3A_85 = arith.mulf %sub3A_84, %rsqrt3A_70 : vector<2048x1xf32>
    %squeeze3A = vector.shape_cast %mul3A_85 : vector<2048x1xf32> to vector<2048xf32>
    %swap3A = arith.constant 0 : index
    %swap3A_86 = arith.constant 0 : index
    %swap3A_87 = arith.constant 0 : index
    %swap3A_88 = vector.load %arg5[%swap3A, %swap3A_86, %swap3A_87] : memref<8x1x2048xf32, #tpu.memory_space<vmem>>, vector<1x1x2048xf32>
    %swap3A_89 = vector.shape_cast %swap3A_88 : vector<1x1x2048xf32> to vector<2048xf32>
    %swap3A_90 = vector.shape_cast %squeeze3A : vector<2048xf32> to vector<1x1x2048xf32>
    tpu.vector_store %arg5[%swap3A, %swap3A_86, %swap3A_87], %swap3A_90 {strides = array<i32>} : memref<8x1x2048xf32, #tpu.memory_space<vmem>>, vector<1x1x2048xf32>,
    %get3A_91 = arith.constant 1 : index
    %get3A_92 = arith.constant 0 : index
    %get3A_93 = arith.constant 0 : index
    %get3A_94 = vector.load %arg0[%get3A_91, %get3A_92, %get3A_93] : memref<8x2048x256xf32, #tpu.memory_space<vmem>>, vector<1x2048x256xf32>
    %get3A_95 = vector.shape_cast %get3A_94 : vector<1x2048x256xf32> to vector<2048x256xf32>
    %convert_element_type3A_96 = arith.truncf %get3A_95 : vector<2048x256xf32> to vector<2048x256xbf16>
    %get3A_97 = arith.constant 0 : index
    %get3A_98 = arith.constant 0 : index
    %get3A_99 = vector.load %arg1[%get3A_97, %get3A_98] : memref<256x768xbf16, #tpu.memory_space<vmem>>, vector<256x768xbf16>
    %dot_general3A_100 = arith.constant dense<0.000000e+00> : vector<2048x768xf32>
    %dot_general3A_101 = tpu.matmul %convert_element_type3A_96, %get3A_99, %dot_general3A_100 {dimension_numbers = #tpu.dot_dimension_numbers<[1], [0], [0], [1], [0, 0, 1, 1], [], []>, transpose_lhs_hint = false} : vector<2048x256xbf16>, vector<256x768xbf16>, vector<2048x768xf32> -> vector<2048x768xf32>
    %slice3A_102 = vector.extract_strided_slice %dot_general3A_101 {offsets = [0, 0], sizes = [2048, 256], strides = [1, 1]} : vector<2048x768xf32> to vector<2048x256xf32>
    %slice3A_103 = vector.extract_strided_slice %dot_general3A_101 {offsets = [0, 256], sizes = [2048, 256], strides = [1, 1]} : vector<2048x768xf32> to vector<2048x256xf32>
    %slice3A_104 = vector.extract_strided_slice %dot_general3A_101 {offsets = [0, 512], sizes = [2048, 256], strides = [1, 1]} : vector<2048x768xf32> to vector<2048x256xf32>
    %slice3A_105 = vector.extract_strided_slice %slice3A_102 {offsets = [0, 0], sizes = [2047, 256], strides = [1, 1]} : vector<2048x256xf32> to vector<2047x256xf32>
    %concatenate3A_106 = tpu.concatenate %broadcast_in_dim3A_0, %slice3A_105 in 0 : vector<1x256xf32>, vector<2047x256xf32> -> vector<2048x256xf32>
    %slice3A_107 = vector.extract_strided_slice %slice3A_104 {offsets = [1, 0], sizes = [2047, 256], strides = [1, 1]} : vector<2048x256xf32> to vector<2047x256xf32>
    %concatenate3A_108 = tpu.concatenate %slice3A_107, %broadcast_in_dim3A_0 in 0 : vector<2047x256xf32>, vector<1x256xf32> -> vector<2048x256xf32>
    %add3A_109 = arith.addf %concatenate3A_106, %slice3A_103 : vector<2048x256xf32>
    %add3A_110 = arith.addf %add3A_109, %concatenate3A_108 : vector<2048x256xf32>
    %max3A_111 = arith.constant 0.000000e+00 : f32
    %max3A_112 = vector.broadcast %max3A_111 : f32 to vector<2048x256xf32>
    %max3A_113 = arith.maximumf %add3A_110, %max3A_112 : vector<2048x256xf32>
    %reduce_sum3A_114 = arith.constant dense<0.000000e+00> : vector<2048xf32>
    %reduce_sum3A_115 = vector.multi_reduction <add>, %max3A_113, %reduce_sum3A_114 [1] : vector<2048x256xf32> to vector<2048xf32>
    %broadcast_in_dim3A_116 = vector.shape_cast %reduce_sum3A_115 : vector<2048xf32> to vector<2048x1xf32>
    %div3A_117 = arith.constant 2.560000e+02 : f32
    %div3A_118 = vector.broadcast %div3A_117 : f32 to vector<2048x1xf32>
    %div3A_119 = arith.divf %broadcast_in_dim3A_116, %div3A_118 : vector<2048x1xf32>
    %sub3A_120 = vector.broadcast %div3A_119 : vector<2048x1xf32> to vector<2048x256xf32>
    %sub3A_121 = arith.subf %max3A_113, %sub3A_120 : vector<2048x256xf32>
    %integer_pow3A_122 = arith.mulf %sub3A_121, %sub3A_121 : vector<2048x256xf32>
    %reduce_sum3A_123 = arith.constant dense<0.000000e+00> : vector<2048xf32>
    %reduce_sum3A_124 = vector.multi_reduction <add>, %integer_pow3A_122, %reduce_sum3A_123 [1] : vector<2048x256xf32> to vector<2048xf32>
    %broadcast_in_dim3A_125 = vector.shape_cast %reduce_sum3A_124 : vector<2048xf32> to vector<2048x1xf32>
    %div3A_126 = arith.constant 2.560000e+02 : f32
    %div3A_127 = vector.broadcast %div3A_126 : f32 to vector<2048x1xf32>
    %div3A_128 = arith.divf %broadcast_in_dim3A_125, %div3A_127 : vector<2048x1xf32>
    %add3A_129 = arith.constant 9.99999974E-6 : f32
    %add3A_130 = vector.broadcast %add3A_129 : f32 to vector<2048x1xf32>
    %add3A_131 = arith.addf %div3A_128, %add3A_130 : vector<2048x1xf32>
    %rsqrt3A_132 = math.rsqrt %add3A_131 : vector<2048x1xf32>
    %sub3A_133 = vector.broadcast %div3A_119 : vector<2048x1xf32> to vector<2048x256xf32>
    %sub3A_134 = arith.subf %max3A_113, %sub3A_133 : vector<2048x256xf32>
    %mul3A_135 = vector.broadcast %rsqrt3A_132 : vector<2048x1xf32> to vector<2048x256xf32>
    %mul3A_136 = arith.mulf %sub3A_134, %mul3A_135 : vector<2048x256xf32>
    %convert_element_type3A_137 = arith.truncf %mul3A_136 : vector<2048x256xf32> to vector<2048x256xbf16>
    %get3A_138 = arith.constant 0 : index
    %get3A_139 = arith.constant 0 : index
    %get3A_140 = vector.load %arg2[%get3A_138, %get3A_139] : memref<256x768xbf16, #tpu.memory_space<vmem>>, vector<256x768xbf16>
    %dot_general3A_141 = arith.constant dense<0.000000e+00> : vector<2048x768xf32>
    %dot_general3A_142 = tpu.matmul %convert_element_type3A_137, %get3A_140, %dot_general3A_141 {dimension_numbers = #tpu.dot_dimension_numbers<[1], [0], [0], [1], [0, 0, 1, 1], [], []>, transpose_lhs_hint = false} : vector<2048x256xbf16>, vector<256x768xbf16>, vector<2048x768xf32> -> vector<2048x768xf32>
    %slice3A_143 = vector.extract_strided_slice %dot_general3A_142 {offsets = [0, 0], sizes = [2048, 256], strides = [1, 1]} : vector<2048x768xf32> to vector<2048x256xf32>
    %slice3A_144 = vector.extract_strided_slice %dot_general3A_142 {offsets = [0, 256], sizes = [2048, 256], strides = [1, 1]} : vector<2048x768xf32> to vector<2048x256xf32>
    %slice3A_145 = vector.extract_strided_slice %dot_general3A_142 {offsets = [0, 512], sizes = [2048, 256], strides = [1, 1]} : vector<2048x768xf32> to vector<2048x256xf32>
    %slice3A_146 = vector.extract_strided_slice %slice3A_143 {offsets = [0, 0], sizes = [2047, 256], strides = [1, 1]} : vector<2048x256xf32> to vector<2047x256xf32>
    %concatenate3A_147 = tpu.concatenate %broadcast_in_dim3A_0, %slice3A_146 in 0 : vector<1x256xf32>, vector<2047x256xf32> -> vector<2048x256xf32>
    %slice3A_148 = vector.extract_strided_slice %slice3A_145 {offsets = [1, 0], sizes = [2047, 256], strides = [1, 1]} : vector<2048x256xf32> to vector<2047x256xf32>
    %concatenate3A_149 = tpu.concatenate %slice3A_148, %broadcast_in_dim3A_0 in 0 : vector<2047x256xf32>, vector<1x256xf32> -> vector<2048x256xf32>
    %add3A_150 = arith.addf %concatenate3A_147, %slice3A_144 : vector<2048x256xf32>
    %add3A_151 = arith.addf %add3A_150, %concatenate3A_149 : vector<2048x256xf32>
    %max3A_152 = arith.constant 0.000000e+00 : f32
    %max3A_153 = vector.broadcast %max3A_152 : f32 to vector<2048x256xf32>
    %max3A_154 = arith.maximumf %add3A_151, %max3A_153 : vector<2048x256xf32>
    %reduce_sum3A_155 = arith.constant dense<0.000000e+00> : vector<2048xf32>
    %reduce_sum3A_156 = vector.multi_reduction <add>, %max3A_154, %reduce_sum3A_155 [1] : vector<2048x256xf32> to vector<2048xf32>
    %broadcast_in_dim3A_157 = vector.shape_cast %reduce_sum3A_156 : vector<2048xf32> to vector<2048x1xf32>
    %div3A_158 = arith.constant 2.560000e+02 : f32
    %div3A_159 = vector.broadcast %div3A_158 : f32 to vector<2048x1xf32>
    %div3A_160 = arith.divf %broadcast_in_dim3A_157, %div3A_159 : vector<2048x1xf32>
    %sub3A_161 = vector.broadcast %div3A_160 : vector<2048x1xf32> to vector<2048x256xf32>
    %sub3A_162 = arith.subf %max3A_154, %sub3A_161 : vector<2048x256xf32>
    %integer_pow3A_163 = arith.mulf %sub3A_162, %sub3A_162 : vector<2048x256xf32>
    %reduce_sum3A_164 = arith.constant dense<0.000000e+00> : vector<2048xf32>
    %reduce_sum3A_165 = vector.multi_reduction <add>, %integer_pow3A_163, %reduce_sum3A_164 [1] : vector<2048x256xf32> to vector<2048xf32>
    %broadcast_in_dim3A_166 = vector.shape_cast %reduce_sum3A_165 : vector<2048xf32> to vector<2048x1xf32>
    %div3A_167 = arith.constant 2.560000e+02 : f32
    %div3A_168 = vector.broadcast %div3A_167 : f32 to vector<2048x1xf32>
    %div3A_169 = arith.divf %broadcast_in_dim3A_166, %div3A_168 : vector<2048x1xf32>
    %add3A_170 = arith.constant 9.99999974E-6 : f32
    %add3A_171 = vector.broadcast %add3A_170 : f32 to vector<2048x1xf32>
    %add3A_172 = arith.addf %div3A_169, %add3A_171 : vector<2048x1xf32>
    %rsqrt3A_173 = math.rsqrt %add3A_172 : vector<2048x1xf32>
    %get3A_174 = arith.constant 0 : index
    %get3A_175 = arith.constant 0 : index
    %get3A_176 = vector.load %arg3[%get3A_174, %get3A_175] : memref<1x256xf32, #tpu.memory_space<vmem>>, vector<1x256xf32>
    %mul3A_177 = vector.broadcast %get3A_176 : vector<1x256xf32> to vector<2048x256xf32>
    %mul3A_178 = arith.mulf %max3A_154, %mul3A_177 : vector<2048x256xf32>
    %reduce_sum3A_179 = arith.constant dense<0.000000e+00> : vector<2048xf32>
    %reduce_sum3A_180 = vector.multi_reduction <add>, %mul3A_178, %reduce_sum3A_179 [1] : vector<2048x256xf32> to vector<2048xf32>
    %broadcast_in_dim3A_181 = vector.shape_cast %reduce_sum3A_180 : vector<2048xf32> to vector<2048x1xf32>
    %get3A_182 = arith.constant 0 : index
    %get3A_183 = arith.constant 0 : index
    %get3A_184 = vector.load %arg4[%get3A_182, %get3A_183] : memref<1x1xf32, #tpu.memory_space<vmem>>, vector<1x1xf32>
    %mul3A_185 = vector.broadcast %get3A_184 : vector<1x1xf32> to vector<2048x1xf32>
    %mul3A_186 = arith.mulf %div3A_160, %mul3A_185 : vector<2048x1xf32>
    %sub3A_187 = arith.subf %broadcast_in_dim3A_181, %mul3A_186 : vector<2048x1xf32>
    %mul3A_188 = arith.mulf %sub3A_187, %rsqrt3A_173 : vector<2048x1xf32>
    %squeeze3A_189 = vector.shape_cast %mul3A_188 : vector<2048x1xf32> to vector<2048xf32>
    %swap3A_190 = arith.constant 1 : index
    %swap3A_191 = arith.constant 0 : index
    %swap3A_192 = arith.constant 0 : index
    %swap3A_193 = vector.load %arg5[%swap3A_190, %swap3A_191, %swap3A_192] : memref<8x1x2048xf32, #tpu.memory_space<vmem>>, vector<1x1x2048xf32>
    %swap3A_194 = vector.shape_cast %swap3A_193 : vector<1x1x2048xf32> to vector<2048xf32>
    %swap3A_195 = vector.shape_cast %squeeze3A_189 : vector<2048xf32> to vector<1x1x2048xf32>
    tpu.vector_store %arg5[%swap3A_190, %swap3A_191, %swap3A_192], %swap3A_195 {strides = array<i32>} : memref<8x1x2048xf32, #tpu.memory_space<vmem>>, vector<1x1x2048xf32>,
    %get3A_196 = arith.constant 2 : index
    %get3A_197 = arith.constant 0 : index
    %get3A_198 = arith.constant 0 : index
    %get3A_199 = vector.load %arg0[%get3A_196, %get3A_197, %get3A_198] : memref<8x2048x256xf32, #tpu.memory_space<vmem>>, vector<1x2048x256xf32>
    %get3A_200 = vector.shape_cast %get3A_199 : vector<1x2048x256xf32> to vector<2048x256xf32>
    %convert_element_type3A_201 = arith.truncf %get3A_200 : vector<2048x256xf32> to vector<2048x256xbf16>
    %get3A_202 = arith.constant 0 : index
    %get3A_203 = arith.constant 0 : index
    %get3A_204 = vector.load %arg1[%get3A_202, %get3A_203] : memref<256x768xbf16, #tpu.memory_space<vmem>>, vector<256x768xbf16>
    %dot_general3A_205 = arith.constant dense<0.000000e+00> : vector<2048x768xf32>
    %dot_general3A_206 = tpu.matmul %convert_element_type3A_201, %get3A_204, %dot_general3A_205 {dimension_numbers = #tpu.dot_dimension_numbers<[1], [0], [0], [1], [0, 0, 1, 1], [], []>, transpose_lhs_hint = false} : vector<2048x256xbf16>, vector<256x768xbf16>, vector<2048x768xf32> -> vector<2048x768xf32>
    %slice3A_207 = vector.extract_strided_slice %dot_general3A_206 {offsets = [0, 0], sizes = [2048, 256], strides = [1, 1]} : vector<2048x768xf32> to vector<2048x256xf32>
    %slice3A_208 = vector.extract_strided_slice %dot_general3A_206 {offsets = [0, 256], sizes = [2048, 256], strides = [1, 1]} : vector<2048x768xf32> to vector<2048x256xf32>
    %slice3A_209 = vector.extract_strided_slice %dot_general3A_206 {offsets = [0, 512], sizes = [2048, 256], strides = [1, 1]} : vector<2048x768xf32> to vector<2048x256xf32>
    %slice3A_210 = vector.extract_strided_slice %slice3A_207 {offsets = [0, 0], sizes = [2047, 256], strides = [1, 1]} : vector<2048x256xf32> to vector<2047x256xf32>
    %concatenate3A_211 = tpu.concatenate %broadcast_in_dim3A_0, %slice3A_210 in 0 : vector<1x256xf32>, vector<2047x256xf32> -> vector<2048x256xf32>
    %slice3A_212 = vector.extract_strided_slice %slice3A_209 {offsets = [1, 0], sizes = [2047, 256], strides = [1, 1]} : vector<2048x256xf32> to vector<2047x256xf32>
    %concatenate3A_213 = tpu.concatenate %slice3A_212, %broadcast_in_dim3A_0 in 0 : vector<2047x256xf32>, vector<1x256xf32> -> vector<2048x256xf32>
    %add3A_214 = arith.addf %concatenate3A_211, %slice3A_208 : vector<2048x256xf32>
    %add3A_215 = arith.addf %add3A_214, %concatenate3A_213 : vector<2048x256xf32>
    %max3A_216 = arith.constant 0.000000e+00 : f32
    %max3A_217 = vector.broadcast %max3A_216 : f32 to vector<2048x256xf32>
    %max3A_218 = arith.maximumf %add3A_215, %max3A_217 : vector<2048x256xf32>
    %reduce_sum3A_219 = arith.constant dense<0.000000e+00> : vector<2048xf32>
    %reduce_sum3A_220 = vector.multi_reduction <add>, %max3A_218, %reduce_sum3A_219 [1] : vector<2048x256xf32> to vector<2048xf32>
    %broadcast_in_dim3A_221 = vector.shape_cast %reduce_sum3A_220 : vector<2048xf32> to vector<2048x1xf32>
    %div3A_222 = arith.constant 2.560000e+02 : f32
    %div3A_223 = vector.broadcast %div3A_222 : f32 to vector<2048x1xf32>
    %div3A_224 = arith.divf %broadcast_in_dim3A_221, %div3A_223 : vector<2048x1xf32>
    %sub3A_225 = vector.broadcast %div3A_224 : vector<2048x1xf32> to vector<2048x256xf32>
    %sub3A_226 = arith.subf %max3A_218, %sub3A_225 : vector<2048x256xf32>
    %integer_pow3A_227 = arith.mulf %sub3A_226, %sub3A_226 : vector<2048x256xf32>
    %reduce_sum3A_228 = arith.constant dense<0.000000e+00> : vector<2048xf32>
    %reduce_sum3A_229 = vector.multi_reduction <add>, %integer_pow3A_227, %reduce_sum3A_228 [1] : vector<2048x256xf32> to vector<2048xf32>
    %broadcast_in_dim3A_230 = vector.shape_cast %reduce_sum3A_229 : vector<2048xf32> to vector<2048x1xf32>
    %div3A_231 = arith.constant 2.560000e+02 : f32
    %div3A_232 = vector.broadcast %div3A_231 : f32 to vector<2048x1xf32>
    %div3A_233 = arith.divf %broadcast_in_dim3A_230, %div3A_232 : vector<2048x1xf32>
    %add3A_234 = arith.constant 9.99999974E-6 : f32
    %add3A_235 = vector.broadcast %add3A_234 : f32 to vector<2048x1xf32>
    %add3A_236 = arith.addf %div3A_233, %add3A_235 : vector<2048x1xf32>
    %rsqrt3A_237 = math.rsqrt %add3A_236 : vector<2048x1xf32>
    %sub3A_238 = vector.broadcast %div3A_224 : vector<2048x1xf32> to vector<2048x256xf32>
    %sub3A_239 = arith.subf %max3A_218, %sub3A_238 : vector<2048x256xf32>
    %mul3A_240 = vector.broadcast %rsqrt3A_237 : vector<2048x1xf32> to vector<2048x256xf32>
    %mul3A_241 = arith.mulf %sub3A_239, %mul3A_240 : vector<2048x256xf32>
    %convert_element_type3A_242 = arith.truncf %mul3A_241 : vector<2048x256xf32> to vector<2048x256xbf16>
    %get3A_243 = arith.constant 0 : index
    %get3A_244 = arith.constant 0 : index
    %get3A_245 = vector.load %arg2[%get3A_243, %get3A_244] : memref<256x768xbf16, #tpu.memory_space<vmem>>, vector<256x768xbf16>
    %dot_general3A_246 = arith.constant dense<0.000000e+00> : vector<2048x768xf32>
    %dot_general3A_247 = tpu.matmul %convert_element_type3A_242, %get3A_245, %dot_general3A_246 {dimension_numbers = #tpu.dot_dimension_numbers<[1], [0], [0], [1], [0, 0, 1, 1], [], []>, transpose_lhs_hint = false} : vector<2048x256xbf16>, vector<256x768xbf16>, vector<2048x768xf32> -> vector<2048x768xf32>
    %slice3A_248 = vector.extract_strided_slice %dot_general3A_247 {offsets = [0, 0], sizes = [2048, 256], strides = [1, 1]} : vector<2048x768xf32> to vector<2048x256xf32>
    %slice3A_249 = vector.extract_strided_slice %dot_general3A_247 {offsets = [0, 256], sizes = [2048, 256], strides = [1, 1]} : vector<2048x768xf32> to vector<2048x256xf32>
    %slice3A_250 = vector.extract_strided_slice %dot_general3A_247 {offsets = [0, 512], sizes = [2048, 256], strides = [1, 1]} : vector<2048x768xf32> to vector<2048x256xf32>
    %slice3A_251 = vector.extract_strided_slice %slice3A_248 {offsets = [0, 0], sizes = [2047, 256], strides = [1, 1]} : vector<2048x256xf32> to vector<2047x256xf32>
    %concatenate3A_252 = tpu.concatenate %broadcast_in_dim3A_0, %slice3A_251 in 0 : vector<1x256xf32>, vector<2047x256xf32> -> vector<2048x256xf32>
    %slice3A_253 = vector.extract_strided_slice %slice3A_250 {offsets = [1, 0], sizes = [2047, 256], strides = [1, 1]} : vector<2048x256xf32> to vector<2047x256xf32>
    %concatenate3A_254 = tpu.concatenate %slice3A_253, %broadcast_in_dim3A_0 in 0 : vector<2047x256xf32>, vector<1x256xf32> -> vector<2048x256xf32>
    %add3A_255 = arith.addf %concatenate3A_252, %slice3A_249 : vector<2048x256xf32>
    %add3A_256 = arith.addf %add3A_255, %concatenate3A_254 : vector<2048x256xf32>
    %max3A_257 = arith.constant 0.000000e+00 : f32
    %max3A_258 = vector.broadcast %max3A_257 : f32 to vector<2048x256xf32>
    %max3A_259 = arith.maximumf %add3A_256, %max3A_258 : vector<2048x256xf32>
    %reduce_sum3A_260 = arith.constant dense<0.000000e+00> : vector<2048xf32>
    %reduce_sum3A_261 = vector.multi_reduction <add>, %max3A_259, %reduce_sum3A_260 [1] : vector<2048x256xf32> to vector<2048xf32>
    %broadcast_in_dim3A_262 = vector.shape_cast %reduce_sum3A_261 : vector<2048xf32> to vector<2048x1xf32>
    %div3A_263 = arith.constant 2.560000e+02 : f32
    %div3A_264 = vector.broadcast %div3A_263 : f32 to vector<2048x1xf32>
    %div3A_265 = arith.divf %broadcast_in_dim3A_262, %div3A_264 : vector<2048x1xf32>
    %sub3A_266 = vector.broadcast %div3A_265 : vector<2048x1xf32> to vector<2048x256xf32>
    %sub3A_267 = arith.subf %max3A_259, %sub3A_266 : vector<2048x256xf32>
    %integer_pow3A_268 = arith.mulf %sub3A_267, %sub3A_267 : vector<2048x256xf32>
    %reduce_sum3A_269 = arith.constant dense<0.000000e+00> : vector<2048xf32>
    %reduce_sum3A_270 = vector.multi_reduction <add>, %integer_pow3A_268, %reduce_sum3A_269 [1] : vector<2048x256xf32> to vector<2048xf32>
    %broadcast_in_dim3A_271 = vector.shape_cast %reduce_sum3A_270 : vector<2048xf32> to vector<2048x1xf32>
    %div3A_272 = arith.constant 2.560000e+02 : f32
    %div3A_273 = vector.broadcast %div3A_272 : f32 to vector<2048x1xf32>
    %div3A_274 = arith.divf %broadcast_in_dim3A_271, %div3A_273 : vector<2048x1xf32>
    %add3A_275 = arith.constant 9.99999974E-6 : f32
    %add3A_276 = vector.broadcast %add3A_275 : f32 to vector<2048x1xf32>
    %add3A_277 = arith.addf %div3A_274, %add3A_276 : vector<2048x1xf32>
    %rsqrt3A_278 = math.rsqrt %add3A_277 : vector<2048x1xf32>
    %get3A_279 = arith.constant 0 : index
    %get3A_280 = arith.constant 0 : index
    %get3A_281 = vector.load %arg3[%get3A_279, %get3A_280] : memref<1x256xf32, #tpu.memory_space<vmem>>, vector<1x256xf32>
    %mul3A_282 = vector.broadcast %get3A_281 : vector<1x256xf32> to vector<2048x256xf32>
    %mul3A_283 = arith.mulf %max3A_259, %mul3A_282 : vector<2048x256xf32>
    %reduce_sum3A_284 = arith.constant dense<0.000000e+00> : vector<2048xf32>
    %reduce_sum3A_285 = vector.multi_reduction <add>, %mul3A_283, %reduce_sum3A_284 [1] : vector<2048x256xf32> to vector<2048xf32>
    %broadcast_in_dim3A_286 = vector.shape_cast %reduce_sum3A_285 : vector<2048xf32> to vector<2048x1xf32>
    %get3A_287 = arith.constant 0 : index
    %get3A_288 = arith.constant 0 : index
    %get3A_289 = vector.load %arg4[%get3A_287, %get3A_288] : memref<1x1xf32, #tpu.memory_space<vmem>>, vector<1x1xf32>
    %mul3A_290 = vector.broadcast %get3A_289 : vector<1x1xf32> to vector<2048x1xf32>
    %mul3A_291 = arith.mulf %div3A_265, %mul3A_290 : vector<2048x1xf32>
    %sub3A_292 = arith.subf %broadcast_in_dim3A_286, %mul3A_291 : vector<2048x1xf32>
    %mul3A_293 = arith.mulf %sub3A_292, %rsqrt3A_278 : vector<2048x1xf32>
    %squeeze3A_294 = vector.shape_cast %mul3A_293 : vector<2048x1xf32> to vector<2048xf32>
    %swap3A_295 = arith.constant 2 : index
    %swap3A_296 = arith.constant 0 : index
    %swap3A_297 = arith.constant 0 : index
    %swap3A_298 = vector.load %arg5[%swap3A_295, %swap3A_296, %swap3A_297] : memref<8x1x2048xf32, #tpu.memory_space<vmem>>, vector<1x1x2048xf32>
    %swap3A_299 = vector.shape_cast %swap3A_298 : vector<1x1x2048xf32> to vector<2048xf32>
    %swap3A_300 = vector.shape_cast %squeeze3A_294 : vector<2048xf32> to vector<1x1x2048xf32>
    tpu.vector_store %arg5[%swap3A_295, %swap3A_296, %swap3A_297], %swap3A_300 {strides = array<i32>} : memref<8x1x2048xf32, #tpu.memory_space<vmem>>, vector<1x1x2048xf32>,
    %get3A_301 = arith.constant 3 : index
    %get3A_302 = arith.constant 0 : index
    %get3A_303 = arith.constant 0 : index
    %get3A_304 = vector.load %arg0[%get3A_301, %get3A_302, %get3A_303] : memref<8x2048x256xf32, #tpu.memory_space<vmem>>, vector<1x2048x256xf32>
    %get3A_305 = vector.shape_cast %get3A_304 : vector<1x2048x256xf32> to vector<2048x256xf32>
    %convert_element_type3A_306 = arith.truncf %get3A_305 : vector<2048x256xf32> to vector<2048x256xbf16>
    %get3A_307 = arith.constant 0 : index
    %get3A_308 = arith.constant 0 : index
    %get3A_309 = vector.load %arg1[%get3A_307, %get3A_308] : memref<256x768xbf16, #tpu.memory_space<vmem>>, vector<256x768xbf16>
    %dot_general3A_310 = arith.constant dense<0.000000e+00> : vector<2048x768xf32>
    %dot_general3A_311 = tpu.matmul %convert_element_type3A_306, %get3A_309, %dot_general3A_310 {dimension_numbers = #tpu.dot_dimension_numbers<[1], [0], [0], [1], [0, 0, 1, 1], [], []>, transpose_lhs_hint = false} : vector<2048x256xbf16>, vector<256x768xbf16>, vector<2048x768xf32> -> vector<2048x768xf32>
    %slice3A_312 = vector.extract_strided_slice %dot_general3A_311 {offsets = [0, 0], sizes = [2048, 256], strides = [1, 1]} : vector<2048x768xf32> to vector<2048x256xf32>
    %slice3A_313 = vector.extract_strided_slice %dot_general3A_311 {offsets = [0, 256], sizes = [2048, 256], strides = [1, 1]} : vector<2048x768xf32> to vector<2048x256xf32>
    %slice3A_314 = vector.extract_strided_slice %dot_general3A_311 {offsets = [0, 512], sizes = [2048, 256], strides = [1, 1]} : vector<2048x768xf32> to vector<2048x256xf32>
    %slice3A_315 = vector.extract_strided_slice %slice3A_312 {offsets = [0, 0], sizes = [2047, 256], strides = [1, 1]} : vector<2048x256xf32> to vector<2047x256xf32>
    %concatenate3A_316 = tpu.concatenate %broadcast_in_dim3A_0, %slice3A_315 in 0 : vector<1x256xf32>, vector<2047x256xf32> -> vector<2048x256xf32>
    %slice3A_317 = vector.extract_strided_slice %slice3A_314 {offsets = [1, 0], sizes = [2047, 256], strides = [1, 1]} : vector<2048x256xf32> to vector<2047x256xf32>
    %concatenate3A_318 = tpu.concatenate %slice3A_317, %broadcast_in_dim3A_0 in 0 : vector<2047x256xf32>, vector<1x256xf32> -> vector<2048x256xf32>
    %add3A_319 = arith.addf %concatenate3A_316, %slice3A_313 : vector<2048x256xf32>
    %add3A_320 = arith.addf %add3A_319, %concatenate3A_318 : vector<2048x256xf32>
    %max3A_321 = arith.constant 0.000000e+00 : f32
    %max3A_322 = vector.broadcast %max3A_321 : f32 to vector<2048x256xf32>
    %max3A_323 = arith.maximumf %add3A_320, %max3A_322 : vector<2048x256xf32>
    %reduce_sum3A_324 = arith.constant dense<0.000000e+00> : vector<2048xf32>
    %reduce_sum3A_325 = vector.multi_reduction <add>, %max3A_323, %reduce_sum3A_324 [1] : vector<2048x256xf32> to vector<2048xf32>
    %broadcast_in_dim3A_326 = vector.shape_cast %reduce_sum3A_325 : vector<2048xf32> to vector<2048x1xf32>
    %div3A_327 = arith.constant 2.560000e+02 : f32
    %div3A_328 = vector.broadcast %div3A_327 : f32 to vector<2048x1xf32>
    %div3A_329 = arith.divf %broadcast_in_dim3A_326, %div3A_328 : vector<2048x1xf32>
    %sub3A_330 = vector.broadcast %div3A_329 : vector<2048x1xf32> to vector<2048x256xf32>
    %sub3A_331 = arith.subf %max3A_323, %sub3A_330 : vector<2048x256xf32>
    %integer_pow3A_332 = arith.mulf %sub3A_331, %sub3A_331 : vector<2048x256xf32>
    %reduce_sum3A_333 = arith.constant dense<0.000000e+00> : vector<2048xf32>
    %reduce_sum3A_334 = vector.multi_reduction <add>, %integer_pow3A_332, %reduce_sum3A_333 [1] : vector<2048x256xf32> to vector<2048xf32>
    %broadcast_in_dim3A_335 = vector.shape_cast %reduce_sum3A_334 : vector<2048xf32> to vector<2048x1xf32>
    %div3A_336 = arith.constant 2.560000e+02 : f32
    %div3A_337 = vector.broadcast %div3A_336 : f32 to vector<2048x1xf32>
    %div3A_338 = arith.divf %broadcast_in_dim3A_335, %div3A_337 : vector<2048x1xf32>
    %add3A_339 = arith.constant 9.99999974E-6 : f32
    %add3A_340 = vector.broadcast %add3A_339 : f32 to vector<2048x1xf32>
    %add3A_341 = arith.addf %div3A_338, %add3A_340 : vector<2048x1xf32>
    %rsqrt3A_342 = math.rsqrt %add3A_341 : vector<2048x1xf32>
    %sub3A_343 = vector.broadcast %div3A_329 : vector<2048x1xf32> to vector<2048x256xf32>
    %sub3A_344 = arith.subf %max3A_323, %sub3A_343 : vector<2048x256xf32>
    %mul3A_345 = vector.broadcast %rsqrt3A_342 : vector<2048x1xf32> to vector<2048x256xf32>
    %mul3A_346 = arith.mulf %sub3A_344, %mul3A_345 : vector<2048x256xf32>
    %convert_element_type3A_347 = arith.truncf %mul3A_346 : vector<2048x256xf32> to vector<2048x256xbf16>
    %get3A_348 = arith.constant 0 : index
    %get3A_349 = arith.constant 0 : index
    %get3A_350 = vector.load %arg2[%get3A_348, %get3A_349] : memref<256x768xbf16, #tpu.memory_space<vmem>>, vector<256x768xbf16>
    %dot_general3A_351 = arith.constant dense<0.000000e+00> : vector<2048x768xf32>
    %dot_general3A_352 = tpu.matmul %convert_element_type3A_347, %get3A_350, %dot_general3A_351 {dimension_numbers = #tpu.dot_dimension_numbers<[1], [0], [0], [1], [0, 0, 1, 1], [], []>, transpose_lhs_hint = false} : vector<2048x256xbf16>, vector<256x768xbf16>, vector<2048x768xf32> -> vector<2048x768xf32>
    %slice3A_353 = vector.extract_strided_slice %dot_general3A_352 {offsets = [0, 0], sizes = [2048, 256], strides = [1, 1]} : vector<2048x768xf32> to vector<2048x256xf32>
    %slice3A_354 = vector.extract_strided_slice %dot_general3A_352 {offsets = [0, 256], sizes = [2048, 256], strides = [1, 1]} : vector<2048x768xf32> to vector<2048x256xf32>
    %slice3A_355 = vector.extract_strided_slice %dot_general3A_352 {offsets = [0, 512], sizes = [2048, 256], strides = [1, 1]} : vector<2048x768xf32> to vector<2048x256xf32>
    %slice3A_356 = vector.extract_strided_slice %slice3A_353 {offsets = [0, 0], sizes = [2047, 256], strides = [1, 1]} : vector<2048x256xf32> to vector<2047x256xf32>
    %concatenate3A_357 = tpu.concatenate %broadcast_in_dim3A_0, %slice3A_356 in 0 : vector<1x256xf32>, vector<2047x256xf32> -> vector<2048x256xf32>
    %slice3A_358 = vector.extract_strided_slice %slice3A_355 {offsets = [1, 0], sizes = [2047, 256], strides = [1, 1]} : vector<2048x256xf32> to vector<2047x256xf32>
    %concatenate3A_359 = tpu.concatenate %slice3A_358, %broadcast_in_dim3A_0 in 0 : vector<2047x256xf32>, vector<1x256xf32> -> vector<2048x256xf32>
    %add3A_360 = arith.addf %concatenate3A_357, %slice3A_354 : vector<2048x256xf32>
    %add3A_361 = arith.addf %add3A_360, %concatenate3A_359 : vector<2048x256xf32>
    %max3A_362 = arith.constant 0.000000e+00 : f32
    %max3A_363 = vector.broadcast %max3A_362 : f32 to vector<2048x256xf32>
    %max3A_364 = arith.maximumf %add3A_361, %max3A_363 : vector<2048x256xf32>
    %reduce_sum3A_365 = arith.constant dense<0.000000e+00> : vector<2048xf32>
    %reduce_sum3A_366 = vector.multi_reduction <add>, %max3A_364, %reduce_sum3A_365 [1] : vector<2048x256xf32> to vector<2048xf32>
    %broadcast_in_dim3A_367 = vector.shape_cast %reduce_sum3A_366 : vector<2048xf32> to vector<2048x1xf32>
    %div3A_368 = arith.constant 2.560000e+02 : f32
    %div3A_369 = vector.broadcast %div3A_368 : f32 to vector<2048x1xf32>
    %div3A_370 = arith.divf %broadcast_in_dim3A_367, %div3A_369 : vector<2048x1xf32>
    %sub3A_371 = vector.broadcast %div3A_370 : vector<2048x1xf32> to vector<2048x256xf32>
    %sub3A_372 = arith.subf %max3A_364, %sub3A_371 : vector<2048x256xf32>
    %integer_pow3A_373 = arith.mulf %sub3A_372, %sub3A_372 : vector<2048x256xf32>
    %reduce_sum3A_374 = arith.constant dense<0.000000e+00> : vector<2048xf32>
    %reduce_sum3A_375 = vector.multi_reduction <add>, %integer_pow3A_373, %reduce_sum3A_374 [1] : vector<2048x256xf32> to vector<2048xf32>
    %broadcast_in_dim3A_376 = vector.shape_cast %reduce_sum3A_375 : vector<2048xf32> to vector<2048x1xf32>
    %div3A_377 = arith.constant 2.560000e+02 : f32
    %div3A_378 = vector.broadcast %div3A_377 : f32 to vector<2048x1xf32>
    %div3A_379 = arith.divf %broadcast_in_dim3A_376, %div3A_378 : vector<2048x1xf32>
    %add3A_380 = arith.constant 9.99999974E-6 : f32
    %add3A_381 = vector.broadcast %add3A_380 : f32 to vector<2048x1xf32>
    %add3A_382 = arith.addf %div3A_379, %add3A_381 : vector<2048x1xf32>
    %rsqrt3A_383 = math.rsqrt %add3A_382 : vector<2048x1xf32>
    %get3A_384 = arith.constant 0 : index
    %get3A_385 = arith.constant 0 : index
    %get3A_386 = vector.load %arg3[%get3A_384, %get3A_385] : memref<1x256xf32, #tpu.memory_space<vmem>>, vector<1x256xf32>
    %mul3A_387 = vector.broadcast %get3A_386 : vector<1x256xf32> to vector<2048x256xf32>
    %mul3A_388 = arith.mulf %max3A_364, %mul3A_387 : vector<2048x256xf32>
    %reduce_sum3A_389 = arith.constant dense<0.000000e+00> : vector<2048xf32>
    %reduce_sum3A_390 = vector.multi_reduction <add>, %mul3A_388, %reduce_sum3A_389 [1] : vector<2048x256xf32> to vector<2048xf32>
    %broadcast_in_dim3A_391 = vector.shape_cast %reduce_sum3A_390 : vector<2048xf32> to vector<2048x1xf32>
    %get3A_392 = arith.constant 0 : index
    %get3A_393 = arith.constant 0 : index
    %get3A_394 = vector.load %arg4[%get3A_392, %get3A_393] : memref<1x1xf32, #tpu.memory_space<vmem>>, vector<1x1xf32>
    %mul3A_395 = vector.broadcast %get3A_394 : vector<1x1xf32> to vector<2048x1xf32>
    %mul3A_396 = arith.mulf %div3A_370, %mul3A_395 : vector<2048x1xf32>
    %sub3A_397 = arith.subf %broadcast_in_dim3A_391, %mul3A_396 : vector<2048x1xf32>
    %mul3A_398 = arith.mulf %sub3A_397, %rsqrt3A_383 : vector<2048x1xf32>
    %squeeze3A_399 = vector.shape_cast %mul3A_398 : vector<2048x1xf32> to vector<2048xf32>
    %swap3A_400 = arith.constant 3 : index
    %swap3A_401 = arith.constant 0 : index
    %swap3A_402 = arith.constant 0 : index
    %swap3A_403 = vector.load %arg5[%swap3A_400, %swap3A_401, %swap3A_402] : memref<8x1x2048xf32, #tpu.memory_space<vmem>>, vector<1x1x2048xf32>
    %swap3A_404 = vector.shape_cast %swap3A_403 : vector<1x1x2048xf32> to vector<2048xf32>
    %swap3A_405 = vector.shape_cast %squeeze3A_399 : vector<2048xf32> to vector<1x1x2048xf32>
    tpu.vector_store %arg5[%swap3A_400, %swap3A_401, %swap3A_402], %swap3A_405 {strides = array<i32>} : memref<8x1x2048xf32, #tpu.memory_space<vmem>>, vector<1x1x2048xf32>,
    %get3A_406 = arith.constant 4 : index
    %get3A_407 = arith.constant 0 : index
    %get3A_408 = arith.constant 0 : index
    %get3A_409 = vector.load %arg0[%get3A_406, %get3A_407, %get3A_408] : memref<8x2048x256xf32, #tpu.memory_space<vmem>>, vector<1x2048x256xf32>
    %get3A_410 = vector.shape_cast %get3A_409 : vector<1x2048x256xf32> to vector<2048x256xf32>
    %convert_element_type3A_411 = arith.truncf %get3A_410 : vector<2048x256xf32> to vector<2048x256xbf16>
    %get3A_412 = arith.constant 0 : index
    %get3A_413 = arith.constant 0 : index
    %get3A_414 = vector.load %arg1[%get3A_412, %get3A_413] : memref<256x768xbf16, #tpu.memory_space<vmem>>, vector<256x768xbf16>
    %dot_general3A_415 = arith.constant dense<0.000000e+00> : vector<2048x768xf32>
    %dot_general3A_416 = tpu.matmul %convert_element_type3A_411, %get3A_414, %dot_general3A_415 {dimension_numbers = #tpu.dot_dimension_numbers<[1], [0], [0], [1], [0, 0, 1, 1], [], []>, transpose_lhs_hint = false} : vector<2048x256xbf16>, vector<256x768xbf16>, vector<2048x768xf32> -> vector<2048x768xf32>
    %slice3A_417 = vector.extract_strided_slice %dot_general3A_416 {offsets = [0, 0], sizes = [2048, 256], strides = [1, 1]} : vector<2048x768xf32> to vector<2048x256xf32>
    %slice3A_418 = vector.extract_strided_slice %dot_general3A_416 {offsets = [0, 256], sizes = [2048, 256], strides = [1, 1]} : vector<2048x768xf32> to vector<2048x256xf32>
    %slice3A_419 = vector.extract_strided_slice %dot_general3A_416 {offsets = [0, 512], sizes = [2048, 256], strides = [1, 1]} : vector<2048x768xf32> to vector<2048x256xf32>
    %slice3A_420 = vector.extract_strided_slice %slice3A_417 {offsets = [0, 0], sizes = [2047, 256], strides = [1, 1]} : vector<2048x256xf32> to vector<2047x256xf32>
    %concatenate3A_421 = tpu.concatenate %broadcast_in_dim3A_0, %slice3A_420 in 0 : vector<1x256xf32>, vector<2047x256xf32> -> vector<2048x256xf32>
    %slice3A_422 = vector.extract_strided_slice %slice3A_419 {offsets = [1, 0], sizes = [2047, 256], strides = [1, 1]} : vector<2048x256xf32> to vector<2047x256xf32>
    %concatenate3A_423 = tpu.concatenate %slice3A_422, %broadcast_in_dim3A_0 in 0 : vector<2047x256xf32>, vector<1x256xf32> -> vector<2048x256xf32>
    %add3A_424 = arith.addf %concatenate3A_421, %slice3A_418 : vector<2048x256xf32>
    %add3A_425 = arith.addf %add3A_424, %concatenate3A_423 : vector<2048x256xf32>
    %max3A_426 = arith.constant 0.000000e+00 : f32
    %max3A_427 = vector.broadcast %max3A_426 : f32 to vector<2048x256xf32>
    %max3A_428 = arith.maximumf %add3A_425, %max3A_427 : vector<2048x256xf32>
    %reduce_sum3A_429 = arith.constant dense<0.000000e+00> : vector<2048xf32>
    %reduce_sum3A_430 = vector.multi_reduction <add>, %max3A_428, %reduce_sum3A_429 [1] : vector<2048x256xf32> to vector<2048xf32>
    %broadcast_in_dim3A_431 = vector.shape_cast %reduce_sum3A_430 : vector<2048xf32> to vector<2048x1xf32>
    %div3A_432 = arith.constant 2.560000e+02 : f32
    %div3A_433 = vector.broadcast %div3A_432 : f32 to vector<2048x1xf32>
    %div3A_434 = arith.divf %broadcast_in_dim3A_431, %div3A_433 : vector<2048x1xf32>
    %sub3A_435 = vector.broadcast %div3A_434 : vector<2048x1xf32> to vector<2048x256xf32>
    %sub3A_436 = arith.subf %max3A_428, %sub3A_435 : vector<2048x256xf32>
    %integer_pow3A_437 = arith.mulf %sub3A_436, %sub3A_436 : vector<2048x256xf32>
    %reduce_sum3A_438 = arith.constant dense<0.000000e+00> : vector<2048xf32>
    %reduce_sum3A_439 = vector.multi_reduction <add>, %integer_pow3A_437, %reduce_sum3A_438 [1] : vector<2048x256xf32> to vector<2048xf32>
    %broadcast_in_dim3A_440 = vector.shape_cast %reduce_sum3A_439 : vector<2048xf32> to vector<2048x1xf32>
    %div3A_441 = arith.constant 2.560000e+02 : f32
    %div3A_442 = vector.broadcast %div3A_441 : f32 to vector<2048x1xf32>
    %div3A_443 = arith.divf %broadcast_in_dim3A_440, %div3A_442 : vector<2048x1xf32>
    %add3A_444 = arith.constant 9.99999974E-6 : f32
    %add3A_445 = vector.broadcast %add3A_444 : f32 to vector<2048x1xf32>
    %add3A_446 = arith.addf %div3A_443, %add3A_445 : vector<2048x1xf32>
    %rsqrt3A_447 = math.rsqrt %add3A_446 : vector<2048x1xf32>
    %sub3A_448 = vector.broadcast %div3A_434 : vector<2048x1xf32> to vector<2048x256xf32>
    %sub3A_449 = arith.subf %max3A_428, %sub3A_448 : vector<2048x256xf32>
    %mul3A_450 = vector.broadcast %rsqrt3A_447 : vector<2048x1xf32> to vector<2048x256xf32>
    %mul3A_451 = arith.mulf %sub3A_449, %mul3A_450 : vector<2048x256xf32>
    %convert_element_type3A_452 = arith.truncf %mul3A_451 : vector<2048x256xf32> to vector<2048x256xbf16>
    %get3A_453 = arith.constant 0 : index
    %get3A_454 = arith.constant 0 : index
    %get3A_455 = vector.load %arg2[%get3A_453, %get3A_454] : memref<256x768xbf16, #tpu.memory_space<vmem>>, vector<256x768xbf16>
    %dot_general3A_456 = arith.constant dense<0.000000e+00> : vector<2048x768xf32>
    %dot_general3A_457 = tpu.matmul %convert_element_type3A_452, %get3A_455, %dot_general3A_456 {dimension_numbers = #tpu.dot_dimension_numbers<[1], [0], [0], [1], [0, 0, 1, 1], [], []>, transpose_lhs_hint = false} : vector<2048x256xbf16>, vector<256x768xbf16>, vector<2048x768xf32> -> vector<2048x768xf32>
    %slice3A_458 = vector.extract_strided_slice %dot_general3A_457 {offsets = [0, 0], sizes = [2048, 256], strides = [1, 1]} : vector<2048x768xf32> to vector<2048x256xf32>
    %slice3A_459 = vector.extract_strided_slice %dot_general3A_457 {offsets = [0, 256], sizes = [2048, 256], strides = [1, 1]} : vector<2048x768xf32> to vector<2048x256xf32>
    %slice3A_460 = vector.extract_strided_slice %dot_general3A_457 {offsets = [0, 512], sizes = [2048, 256], strides = [1, 1]} : vector<2048x768xf32> to vector<2048x256xf32>
    %slice3A_461 = vector.extract_strided_slice %slice3A_458 {offsets = [0, 0], sizes = [2047, 256], strides = [1, 1]} : vector<2048x256xf32> to vector<2047x256xf32>
    %concatenate3A_462 = tpu.concatenate %broadcast_in_dim3A_0, %slice3A_461 in 0 : vector<1x256xf32>, vector<2047x256xf32> -> vector<2048x256xf32>
    %slice3A_463 = vector.extract_strided_slice %slice3A_460 {offsets = [1, 0], sizes = [2047, 256], strides = [1, 1]} : vector<2048x256xf32> to vector<2047x256xf32>
    %concatenate3A_464 = tpu.concatenate %slice3A_463, %broadcast_in_dim3A_0 in 0 : vector<2047x256xf32>, vector<1x256xf32> -> vector<2048x256xf32>
    %add3A_465 = arith.addf %concatenate3A_462, %slice3A_459 : vector<2048x256xf32>
    %add3A_466 = arith.addf %add3A_465, %concatenate3A_464 : vector<2048x256xf32>
    %max3A_467 = arith.constant 0.000000e+00 : f32
    %max3A_468 = vector.broadcast %max3A_467 : f32 to vector<2048x256xf32>
    %max3A_469 = arith.maximumf %add3A_466, %max3A_468 : vector<2048x256xf32>
    %reduce_sum3A_470 = arith.constant dense<0.000000e+00> : vector<2048xf32>
    %reduce_sum3A_471 = vector.multi_reduction <add>, %max3A_469, %reduce_sum3A_470 [1] : vector<2048x256xf32> to vector<2048xf32>
    %broadcast_in_dim3A_472 = vector.shape_cast %reduce_sum3A_471 : vector<2048xf32> to vector<2048x1xf32>
    %div3A_473 = arith.constant 2.560000e+02 : f32
    %div3A_474 = vector.broadcast %div3A_473 : f32 to vector<2048x1xf32>
    %div3A_475 = arith.divf %broadcast_in_dim3A_472, %div3A_474 : vector<2048x1xf32>
    %sub3A_476 = vector.broadcast %div3A_475 : vector<2048x1xf32> to vector<2048x256xf32>
    %sub3A_477 = arith.subf %max3A_469, %sub3A_476 : vector<2048x256xf32>
    %integer_pow3A_478 = arith.mulf %sub3A_477, %sub3A_477 : vector<2048x256xf32>
    %reduce_sum3A_479 = arith.constant dense<0.000000e+00> : vector<2048xf32>
    %reduce_sum3A_480 = vector.multi_reduction <add>, %integer_pow3A_478, %reduce_sum3A_479 [1] : vector<2048x256xf32> to vector<2048xf32>
    %broadcast_in_dim3A_481 = vector.shape_cast %reduce_sum3A_480 : vector<2048xf32> to vector<2048x1xf32>
    %div3A_482 = arith.constant 2.560000e+02 : f32
    %div3A_483 = vector.broadcast %div3A_482 : f32 to vector<2048x1xf32>
    %div3A_484 = arith.divf %broadcast_in_dim3A_481, %div3A_483 : vector<2048x1xf32>
    %add3A_485 = arith.constant 9.99999974E-6 : f32
    %add3A_486 = vector.broadcast %add3A_485 : f32 to vector<2048x1xf32>
    %add3A_487 = arith.addf %div3A_484, %add3A_486 : vector<2048x1xf32>
    %rsqrt3A_488 = math.rsqrt %add3A_487 : vector<2048x1xf32>
    %get3A_489 = arith.constant 0 : index
    %get3A_490 = arith.constant 0 : index
    %get3A_491 = vector.load %arg3[%get3A_489, %get3A_490] : memref<1x256xf32, #tpu.memory_space<vmem>>, vector<1x256xf32>
    %mul3A_492 = vector.broadcast %get3A_491 : vector<1x256xf32> to vector<2048x256xf32>
    %mul3A_493 = arith.mulf %max3A_469, %mul3A_492 : vector<2048x256xf32>
    %reduce_sum3A_494 = arith.constant dense<0.000000e+00> : vector<2048xf32>
    %reduce_sum3A_495 = vector.multi_reduction <add>, %mul3A_493, %reduce_sum3A_494 [1] : vector<2048x256xf32> to vector<2048xf32>
    %broadcast_in_dim3A_496 = vector.shape_cast %reduce_sum3A_495 : vector<2048xf32> to vector<2048x1xf32>
    %get3A_497 = arith.constant 0 : index
    %get3A_498 = arith.constant 0 : index
    %get3A_499 = vector.load %arg4[%get3A_497, %get3A_498] : memref<1x1xf32, #tpu.memory_space<vmem>>, vector<1x1xf32>
    %mul3A_500 = vector.broadcast %get3A_499 : vector<1x1xf32> to vector<2048x1xf32>
    %mul3A_501 = arith.mulf %div3A_475, %mul3A_500 : vector<2048x1xf32>
    %sub3A_502 = arith.subf %broadcast_in_dim3A_496, %mul3A_501 : vector<2048x1xf32>
    %mul3A_503 = arith.mulf %sub3A_502, %rsqrt3A_488 : vector<2048x1xf32>
    %squeeze3A_504 = vector.shape_cast %mul3A_503 : vector<2048x1xf32> to vector<2048xf32>
    %swap3A_505 = arith.constant 4 : index
    %swap3A_506 = arith.constant 0 : index
    %swap3A_507 = arith.constant 0 : index
    %swap3A_508 = vector.load %arg5[%swap3A_505, %swap3A_506, %swap3A_507] : memref<8x1x2048xf32, #tpu.memory_space<vmem>>, vector<1x1x2048xf32>
    %swap3A_509 = vector.shape_cast %swap3A_508 : vector<1x1x2048xf32> to vector<2048xf32>
    %swap3A_510 = vector.shape_cast %squeeze3A_504 : vector<2048xf32> to vector<1x1x2048xf32>
    tpu.vector_store %arg5[%swap3A_505, %swap3A_506, %swap3A_507], %swap3A_510 {strides = array<i32>} : memref<8x1x2048xf32, #tpu.memory_space<vmem>>, vector<1x1x2048xf32>,
    %get3A_511 = arith.constant 5 : index
    %get3A_512 = arith.constant 0 : index
    %get3A_513 = arith.constant 0 : index
    %get3A_514 = vector.load %arg0[%get3A_511, %get3A_512, %get3A_513] : memref<8x2048x256xf32, #tpu.memory_space<vmem>>, vector<1x2048x256xf32>
    %get3A_515 = vector.shape_cast %get3A_514 : vector<1x2048x256xf32> to vector<2048x256xf32>
    %convert_element_type3A_516 = arith.truncf %get3A_515 : vector<2048x256xf32> to vector<2048x256xbf16>
    %get3A_517 = arith.constant 0 : index
    %get3A_518 = arith.constant 0 : index
    %get3A_519 = vector.load %arg1[%get3A_517, %get3A_518] : memref<256x768xbf16, #tpu.memory_space<vmem>>, vector<256x768xbf16>
    %dot_general3A_520 = arith.constant dense<0.000000e+00> : vector<2048x768xf32>
    %dot_general3A_521 = tpu.matmul %convert_element_type3A_516, %get3A_519, %dot_general3A_520 {dimension_numbers = #tpu.dot_dimension_numbers<[1], [0], [0], [1], [0, 0, 1, 1], [], []>, transpose_lhs_hint = false} : vector<2048x256xbf16>, vector<256x768xbf16>, vector<2048x768xf32> -> vector<2048x768xf32>
    %slice3A_522 = vector.extract_strided_slice %dot_general3A_521 {offsets = [0, 0], sizes = [2048, 256], strides = [1, 1]} : vector<2048x768xf32> to vector<2048x256xf32>
    %slice3A_523 = vector.extract_strided_slice %dot_general3A_521 {offsets = [0, 256], sizes = [2048, 256], strides = [1, 1]} : vector<2048x768xf32> to vector<2048x256xf32>
    %slice3A_524 = vector.extract_strided_slice %dot_general3A_521 {offsets = [0, 512], sizes = [2048, 256], strides = [1, 1]} : vector<2048x768xf32> to vector<2048x256xf32>
    %slice3A_525 = vector.extract_strided_slice %slice3A_522 {offsets = [0, 0], sizes = [2047, 256], strides = [1, 1]} : vector<2048x256xf32> to vector<2047x256xf32>
    %concatenate3A_526 = tpu.concatenate %broadcast_in_dim3A_0, %slice3A_525 in 0 : vector<1x256xf32>, vector<2047x256xf32> -> vector<2048x256xf32>
    %slice3A_527 = vector.extract_strided_slice %slice3A_524 {offsets = [1, 0], sizes = [2047, 256], strides = [1, 1]} : vector<2048x256xf32> to vector<2047x256xf32>
    %concatenate3A_528 = tpu.concatenate %slice3A_527, %broadcast_in_dim3A_0 in 0 : vector<2047x256xf32>, vector<1x256xf32> -> vector<2048x256xf32>
    %add3A_529 = arith.addf %concatenate3A_526, %slice3A_523 : vector<2048x256xf32>
    %add3A_530 = arith.addf %add3A_529, %concatenate3A_528 : vector<2048x256xf32>
    %max3A_531 = arith.constant 0.000000e+00 : f32
    %max3A_532 = vector.broadcast %max3A_531 : f32 to vector<2048x256xf32>
    %max3A_533 = arith.maximumf %add3A_530, %max3A_532 : vector<2048x256xf32>
    %reduce_sum3A_534 = arith.constant dense<0.000000e+00> : vector<2048xf32>
    %reduce_sum3A_535 = vector.multi_reduction <add>, %max3A_533, %reduce_sum3A_534 [1] : vector<2048x256xf32> to vector<2048xf32>
    %broadcast_in_dim3A_536 = vector.shape_cast %reduce_sum3A_535 : vector<2048xf32> to vector<2048x1xf32>
    %div3A_537 = arith.constant 2.560000e+02 : f32
    %div3A_538 = vector.broadcast %div3A_537 : f32 to vector<2048x1xf32>
    %div3A_539 = arith.divf %broadcast_in_dim3A_536, %div3A_538 : vector<2048x1xf32>
    %sub3A_540 = vector.broadcast %div3A_539 : vector<2048x1xf32> to vector<2048x256xf32>
    %sub3A_541 = arith.subf %max3A_533, %sub3A_540 : vector<2048x256xf32>
    %integer_pow3A_542 = arith.mulf %sub3A_541, %sub3A_541 : vector<2048x256xf32>
    %reduce_sum3A_543 = arith.constant dense<0.000000e+00> : vector<2048xf32>
    %reduce_sum3A_544 = vector.multi_reduction <add>, %integer_pow3A_542, %reduce_sum3A_543 [1] : vector<2048x256xf32> to vector<2048xf32>
    %broadcast_in_dim3A_545 = vector.shape_cast %reduce_sum3A_544 : vector<2048xf32> to vector<2048x1xf32>
    %div3A_546 = arith.constant 2.560000e+02 : f32
    %div3A_547 = vector.broadcast %div3A_546 : f32 to vector<2048x1xf32>
    %div3A_548 = arith.divf %broadcast_in_dim3A_545, %div3A_547 : vector<2048x1xf32>
    %add3A_549 = arith.constant 9.99999974E-6 : f32
    %add3A_550 = vector.broadcast %add3A_549 : f32 to vector<2048x1xf32>
    %add3A_551 = arith.addf %div3A_548, %add3A_550 : vector<2048x1xf32>
    %rsqrt3A_552 = math.rsqrt %add3A_551 : vector<2048x1xf32>
    %sub3A_553 = vector.broadcast %div3A_539 : vector<2048x1xf32> to vector<2048x256xf32>
    %sub3A_554 = arith.subf %max3A_533, %sub3A_553 : vector<2048x256xf32>
    %mul3A_555 = vector.broadcast %rsqrt3A_552 : vector<2048x1xf32> to vector<2048x256xf32>
    %mul3A_556 = arith.mulf %sub3A_554, %mul3A_555 : vector<2048x256xf32>
    %convert_element_type3A_557 = arith.truncf %mul3A_556 : vector<2048x256xf32> to vector<2048x256xbf16>
    %get3A_558 = arith.constant 0 : index
    %get3A_559 = arith.constant 0 : index
    %get3A_560 = vector.load %arg2[%get3A_558, %get3A_559] : memref<256x768xbf16, #tpu.memory_space<vmem>>, vector<256x768xbf16>
    %dot_general3A_561 = arith.constant dense<0.000000e+00> : vector<2048x768xf32>
    %dot_general3A_562 = tpu.matmul %convert_element_type3A_557, %get3A_560, %dot_general3A_561 {dimension_numbers = #tpu.dot_dimension_numbers<[1], [0], [0], [1], [0, 0, 1, 1], [], []>, transpose_lhs_hint = false} : vector<2048x256xbf16>, vector<256x768xbf16>, vector<2048x768xf32> -> vector<2048x768xf32>
    %slice3A_563 = vector.extract_strided_slice %dot_general3A_562 {offsets = [0, 0], sizes = [2048, 256], strides = [1, 1]} : vector<2048x768xf32> to vector<2048x256xf32>
    %slice3A_564 = vector.extract_strided_slice %dot_general3A_562 {offsets = [0, 256], sizes = [2048, 256], strides = [1, 1]} : vector<2048x768xf32> to vector<2048x256xf32>
    %slice3A_565 = vector.extract_strided_slice %dot_general3A_562 {offsets = [0, 512], sizes = [2048, 256], strides = [1, 1]} : vector<2048x768xf32> to vector<2048x256xf32>
    %slice3A_566 = vector.extract_strided_slice %slice3A_563 {offsets = [0, 0], sizes = [2047, 256], strides = [1, 1]} : vector<2048x256xf32> to vector<2047x256xf32>
    %concatenate3A_567 = tpu.concatenate %broadcast_in_dim3A_0, %slice3A_566 in 0 : vector<1x256xf32>, vector<2047x256xf32> -> vector<2048x256xf32>
    %slice3A_568 = vector.extract_strided_slice %slice3A_565 {offsets = [1, 0], sizes = [2047, 256], strides = [1, 1]} : vector<2048x256xf32> to vector<2047x256xf32>
    %concatenate3A_569 = tpu.concatenate %slice3A_568, %broadcast_in_dim3A_0 in 0 : vector<2047x256xf32>, vector<1x256xf32> -> vector<2048x256xf32>
    %add3A_570 = arith.addf %concatenate3A_567, %slice3A_564 : vector<2048x256xf32>
    %add3A_571 = arith.addf %add3A_570, %concatenate3A_569 : vector<2048x256xf32>
    %max3A_572 = arith.constant 0.000000e+00 : f32
    %max3A_573 = vector.broadcast %max3A_572 : f32 to vector<2048x256xf32>
    %max3A_574 = arith.maximumf %add3A_571, %max3A_573 : vector<2048x256xf32>
    %reduce_sum3A_575 = arith.constant dense<0.000000e+00> : vector<2048xf32>
    %reduce_sum3A_576 = vector.multi_reduction <add>, %max3A_574, %reduce_sum3A_575 [1] : vector<2048x256xf32> to vector<2048xf32>
    %broadcast_in_dim3A_577 = vector.shape_cast %reduce_sum3A_576 : vector<2048xf32> to vector<2048x1xf32>
    %div3A_578 = arith.constant 2.560000e+02 : f32
    %div3A_579 = vector.broadcast %div3A_578 : f32 to vector<2048x1xf32>
    %div3A_580 = arith.divf %broadcast_in_dim3A_577, %div3A_579 : vector<2048x1xf32>
    %sub3A_581 = vector.broadcast %div3A_580 : vector<2048x1xf32> to vector<2048x256xf32>
    %sub3A_582 = arith.subf %max3A_574, %sub3A_581 : vector<2048x256xf32>
    %integer_pow3A_583 = arith.mulf %sub3A_582, %sub3A_582 : vector<2048x256xf32>
    %reduce_sum3A_584 = arith.constant dense<0.000000e+00> : vector<2048xf32>
    %reduce_sum3A_585 = vector.multi_reduction <add>, %integer_pow3A_583, %reduce_sum3A_584 [1] : vector<2048x256xf32> to vector<2048xf32>
    %broadcast_in_dim3A_586 = vector.shape_cast %reduce_sum3A_585 : vector<2048xf32> to vector<2048x1xf32>
    %div3A_587 = arith.constant 2.560000e+02 : f32
    %div3A_588 = vector.broadcast %div3A_587 : f32 to vector<2048x1xf32>
    %div3A_589 = arith.divf %broadcast_in_dim3A_586, %div3A_588 : vector<2048x1xf32>
    %add3A_590 = arith.constant 9.99999974E-6 : f32
    %add3A_591 = vector.broadcast %add3A_590 : f32 to vector<2048x1xf32>
    %add3A_592 = arith.addf %div3A_589, %add3A_591 : vector<2048x1xf32>
    %rsqrt3A_593 = math.rsqrt %add3A_592 : vector<2048x1xf32>
    %get3A_594 = arith.constant 0 : index
    %get3A_595 = arith.constant 0 : index
    %get3A_596 = vector.load %arg3[%get3A_594, %get3A_595] : memref<1x256xf32, #tpu.memory_space<vmem>>, vector<1x256xf32>
    %mul3A_597 = vector.broadcast %get3A_596 : vector<1x256xf32> to vector<2048x256xf32>
    %mul3A_598 = arith.mulf %max3A_574, %mul3A_597 : vector<2048x256xf32>
    %reduce_sum3A_599 = arith.constant dense<0.000000e+00> : vector<2048xf32>
    %reduce_sum3A_600 = vector.multi_reduction <add>, %mul3A_598, %reduce_sum3A_599 [1] : vector<2048x256xf32> to vector<2048xf32>
    %broadcast_in_dim3A_601 = vector.shape_cast %reduce_sum3A_600 : vector<2048xf32> to vector<2048x1xf32>
    %get3A_602 = arith.constant 0 : index
    %get3A_603 = arith.constant 0 : index
    %get3A_604 = vector.load %arg4[%get3A_602, %get3A_603] : memref<1x1xf32, #tpu.memory_space<vmem>>, vector<1x1xf32>
    %mul3A_605 = vector.broadcast %get3A_604 : vector<1x1xf32> to vector<2048x1xf32>
    %mul3A_606 = arith.mulf %div3A_580, %mul3A_605 : vector<2048x1xf32>
    %sub3A_607 = arith.subf %broadcast_in_dim3A_601, %mul3A_606 : vector<2048x1xf32>
    %mul3A_608 = arith.mulf %sub3A_607, %rsqrt3A_593 : vector<2048x1xf32>
    %squeeze3A_609 = vector.shape_cast %mul3A_608 : vector<2048x1xf32> to vector<2048xf32>
    %swap3A_610 = arith.constant 5 : index
    %swap3A_611 = arith.constant 0 : index
    %swap3A_612 = arith.constant 0 : index
    %swap3A_613 = vector.load %arg5[%swap3A_610, %swap3A_611, %swap3A_612] : memref<8x1x2048xf32, #tpu.memory_space<vmem>>, vector<1x1x2048xf32>
    %swap3A_614 = vector.shape_cast %swap3A_613 : vector<1x1x2048xf32> to vector<2048xf32>
    %swap3A_615 = vector.shape_cast %squeeze3A_609 : vector<2048xf32> to vector<1x1x2048xf32>
    tpu.vector_store %arg5[%swap3A_610, %swap3A_611, %swap3A_612], %swap3A_615 {strides = array<i32>} : memref<8x1x2048xf32, #tpu.memory_space<vmem>>, vector<1x1x2048xf32>,
    %get3A_616 = arith.constant 6 : index
    %get3A_617 = arith.constant 0 : index
    %get3A_618 = arith.constant 0 : index
    %get3A_619 = vector.load %arg0[%get3A_616, %get3A_617, %get3A_618] : memref<8x2048x256xf32, #tpu.memory_space<vmem>>, vector<1x2048x256xf32>
    %get3A_620 = vector.shape_cast %get3A_619 : vector<1x2048x256xf32> to vector<2048x256xf32>
    %convert_element_type3A_621 = arith.truncf %get3A_620 : vector<2048x256xf32> to vector<2048x256xbf16>
    %get3A_622 = arith.constant 0 : index
    %get3A_623 = arith.constant 0 : index
    %get3A_624 = vector.load %arg1[%get3A_622, %get3A_623] : memref<256x768xbf16, #tpu.memory_space<vmem>>, vector<256x768xbf16>
    %dot_general3A_625 = arith.constant dense<0.000000e+00> : vector<2048x768xf32>
    %dot_general3A_626 = tpu.matmul %convert_element_type3A_621, %get3A_624, %dot_general3A_625 {dimension_numbers = #tpu.dot_dimension_numbers<[1], [0], [0], [1], [0, 0, 1, 1], [], []>, transpose_lhs_hint = false} : vector<2048x256xbf16>, vector<256x768xbf16>, vector<2048x768xf32> -> vector<2048x768xf32>
    %slice3A_627 = vector.extract_strided_slice %dot_general3A_626 {offsets = [0, 0], sizes = [2048, 256], strides = [1, 1]} : vector<2048x768xf32> to vector<2048x256xf32>
    %slice3A_628 = vector.extract_strided_slice %dot_general3A_626 {offsets = [0, 256], sizes = [2048, 256], strides = [1, 1]} : vector<2048x768xf32> to vector<2048x256xf32>
    %slice3A_629 = vector.extract_strided_slice %dot_general3A_626 {offsets = [0, 512], sizes = [2048, 256], strides = [1, 1]} : vector<2048x768xf32> to vector<2048x256xf32>
    %slice3A_630 = vector.extract_strided_slice %slice3A_627 {offsets = [0, 0], sizes = [2047, 256], strides = [1, 1]} : vector<2048x256xf32> to vector<2047x256xf32>
    %concatenate3A_631 = tpu.concatenate %broadcast_in_dim3A_0, %slice3A_630 in 0 : vector<1x256xf32>, vector<2047x256xf32> -> vector<2048x256xf32>
    %slice3A_632 = vector.extract_strided_slice %slice3A_629 {offsets = [1, 0], sizes = [2047, 256], strides = [1, 1]} : vector<2048x256xf32> to vector<2047x256xf32>
    %concatenate3A_633 = tpu.concatenate %slice3A_632, %broadcast_in_dim3A_0 in 0 : vector<2047x256xf32>, vector<1x256xf32> -> vector<2048x256xf32>
    %add3A_634 = arith.addf %concatenate3A_631, %slice3A_628 : vector<2048x256xf32>
    %add3A_635 = arith.addf %add3A_634, %concatenate3A_633 : vector<2048x256xf32>
    %max3A_636 = arith.constant 0.000000e+00 : f32
    %max3A_637 = vector.broadcast %max3A_636 : f32 to vector<2048x256xf32>
    %max3A_638 = arith.maximumf %add3A_635, %max3A_637 : vector<2048x256xf32>
    %reduce_sum3A_639 = arith.constant dense<0.000000e+00> : vector<2048xf32>
    %reduce_sum3A_640 = vector.multi_reduction <add>, %max3A_638, %reduce_sum3A_639 [1] : vector<2048x256xf32> to vector<2048xf32>
    %broadcast_in_dim3A_641 = vector.shape_cast %reduce_sum3A_640 : vector<2048xf32> to vector<2048x1xf32>
    %div3A_642 = arith.constant 2.560000e+02 : f32
    %div3A_643 = vector.broadcast %div3A_642 : f32 to vector<2048x1xf32>
    %div3A_644 = arith.divf %broadcast_in_dim3A_641, %div3A_643 : vector<2048x1xf32>
    %sub3A_645 = vector.broadcast %div3A_644 : vector<2048x1xf32> to vector<2048x256xf32>
    %sub3A_646 = arith.subf %max3A_638, %sub3A_645 : vector<2048x256xf32>
    %integer_pow3A_647 = arith.mulf %sub3A_646, %sub3A_646 : vector<2048x256xf32>
    %reduce_sum3A_648 = arith.constant dense<0.000000e+00> : vector<2048xf32>
    %reduce_sum3A_649 = vector.multi_reduction <add>, %integer_pow3A_647, %reduce_sum3A_648 [1] : vector<2048x256xf32> to vector<2048xf32>
    %broadcast_in_dim3A_650 = vector.shape_cast %reduce_sum3A_649 : vector<2048xf32> to vector<2048x1xf32>
    %div3A_651 = arith.constant 2.560000e+02 : f32
    %div3A_652 = vector.broadcast %div3A_651 : f32 to vector<2048x1xf32>
    %div3A_653 = arith.divf %broadcast_in_dim3A_650, %div3A_652 : vector<2048x1xf32>
    %add3A_654 = arith.constant 9.99999974E-6 : f32
    %add3A_655 = vector.broadcast %add3A_654 : f32 to vector<2048x1xf32>
    %add3A_656 = arith.addf %div3A_653, %add3A_655 : vector<2048x1xf32>
    %rsqrt3A_657 = math.rsqrt %add3A_656 : vector<2048x1xf32>
    %sub3A_658 = vector.broadcast %div3A_644 : vector<2048x1xf32> to vector<2048x256xf32>
    %sub3A_659 = arith.subf %max3A_638, %sub3A_658 : vector<2048x256xf32>
    %mul3A_660 = vector.broadcast %rsqrt3A_657 : vector<2048x1xf32> to vector<2048x256xf32>
    %mul3A_661 = arith.mulf %sub3A_659, %mul3A_660 : vector<2048x256xf32>
    %convert_element_type3A_662 = arith.truncf %mul3A_661 : vector<2048x256xf32> to vector<2048x256xbf16>
    %get3A_663 = arith.constant 0 : index
    %get3A_664 = arith.constant 0 : index
    %get3A_665 = vector.load %arg2[%get3A_663, %get3A_664] : memref<256x768xbf16, #tpu.memory_space<vmem>>, vector<256x768xbf16>
    %dot_general3A_666 = arith.constant dense<0.000000e+00> : vector<2048x768xf32>
    %dot_general3A_667 = tpu.matmul %convert_element_type3A_662, %get3A_665, %dot_general3A_666 {dimension_numbers = #tpu.dot_dimension_numbers<[1], [0], [0], [1], [0, 0, 1, 1], [], []>, transpose_lhs_hint = false} : vector<2048x256xbf16>, vector<256x768xbf16>, vector<2048x768xf32> -> vector<2048x768xf32>
    %slice3A_668 = vector.extract_strided_slice %dot_general3A_667 {offsets = [0, 0], sizes = [2048, 256], strides = [1, 1]} : vector<2048x768xf32> to vector<2048x256xf32>
    %slice3A_669 = vector.extract_strided_slice %dot_general3A_667 {offsets = [0, 256], sizes = [2048, 256], strides = [1, 1]} : vector<2048x768xf32> to vector<2048x256xf32>
    %slice3A_670 = vector.extract_strided_slice %dot_general3A_667 {offsets = [0, 512], sizes = [2048, 256], strides = [1, 1]} : vector<2048x768xf32> to vector<2048x256xf32>
    %slice3A_671 = vector.extract_strided_slice %slice3A_668 {offsets = [0, 0], sizes = [2047, 256], strides = [1, 1]} : vector<2048x256xf32> to vector<2047x256xf32>
    %concatenate3A_672 = tpu.concatenate %broadcast_in_dim3A_0, %slice3A_671 in 0 : vector<1x256xf32>, vector<2047x256xf32> -> vector<2048x256xf32>
    %slice3A_673 = vector.extract_strided_slice %slice3A_670 {offsets = [1, 0], sizes = [2047, 256], strides = [1, 1]} : vector<2048x256xf32> to vector<2047x256xf32>
    %concatenate3A_674 = tpu.concatenate %slice3A_673, %broadcast_in_dim3A_0 in 0 : vector<2047x256xf32>, vector<1x256xf32> -> vector<2048x256xf32>
    %add3A_675 = arith.addf %concatenate3A_672, %slice3A_669 : vector<2048x256xf32>
    %add3A_676 = arith.addf %add3A_675, %concatenate3A_674 : vector<2048x256xf32>
    %max3A_677 = arith.constant 0.000000e+00 : f32
    %max3A_678 = vector.broadcast %max3A_677 : f32 to vector<2048x256xf32>
    %max3A_679 = arith.maximumf %add3A_676, %max3A_678 : vector<2048x256xf32>
    %reduce_sum3A_680 = arith.constant dense<0.000000e+00> : vector<2048xf32>
    %reduce_sum3A_681 = vector.multi_reduction <add>, %max3A_679, %reduce_sum3A_680 [1] : vector<2048x256xf32> to vector<2048xf32>
    %broadcast_in_dim3A_682 = vector.shape_cast %reduce_sum3A_681 : vector<2048xf32> to vector<2048x1xf32>
    %div3A_683 = arith.constant 2.560000e+02 : f32
    %div3A_684 = vector.broadcast %div3A_683 : f32 to vector<2048x1xf32>
    %div3A_685 = arith.divf %broadcast_in_dim3A_682, %div3A_684 : vector<2048x1xf32>
    %sub3A_686 = vector.broadcast %div3A_685 : vector<2048x1xf32> to vector<2048x256xf32>
    %sub3A_687 = arith.subf %max3A_679, %sub3A_686 : vector<2048x256xf32>
    %integer_pow3A_688 = arith.mulf %sub3A_687, %sub3A_687 : vector<2048x256xf32>
    %reduce_sum3A_689 = arith.constant dense<0.000000e+00> : vector<2048xf32>
    %reduce_sum3A_690 = vector.multi_reduction <add>, %integer_pow3A_688, %reduce_sum3A_689 [1] : vector<2048x256xf32> to vector<2048xf32>
    %broadcast_in_dim3A_691 = vector.shape_cast %reduce_sum3A_690 : vector<2048xf32> to vector<2048x1xf32>
    %div3A_692 = arith.constant 2.560000e+02 : f32
    %div3A_693 = vector.broadcast %div3A_692 : f32 to vector<2048x1xf32>
    %div3A_694 = arith.divf %broadcast_in_dim3A_691, %div3A_693 : vector<2048x1xf32>
    %add3A_695 = arith.constant 9.99999974E-6 : f32
    %add3A_696 = vector.broadcast %add3A_695 : f32 to vector<2048x1xf32>
    %add3A_697 = arith.addf %div3A_694, %add3A_696 : vector<2048x1xf32>
    %rsqrt3A_698 = math.rsqrt %add3A_697 : vector<2048x1xf32>
    %get3A_699 = arith.constant 0 : index
    %get3A_700 = arith.constant 0 : index
    %get3A_701 = vector.load %arg3[%get3A_699, %get3A_700] : memref<1x256xf32, #tpu.memory_space<vmem>>, vector<1x256xf32>
    %mul3A_702 = vector.broadcast %get3A_701 : vector<1x256xf32> to vector<2048x256xf32>
    %mul3A_703 = arith.mulf %max3A_679, %mul3A_702 : vector<2048x256xf32>
    %reduce_sum3A_704 = arith.constant dense<0.000000e+00> : vector<2048xf32>
    %reduce_sum3A_705 = vector.multi_reduction <add>, %mul3A_703, %reduce_sum3A_704 [1] : vector<2048x256xf32> to vector<2048xf32>
    %broadcast_in_dim3A_706 = vector.shape_cast %reduce_sum3A_705 : vector<2048xf32> to vector<2048x1xf32>
    %get3A_707 = arith.constant 0 : index
    %get3A_708 = arith.constant 0 : index
    %get3A_709 = vector.load %arg4[%get3A_707, %get3A_708] : memref<1x1xf32, #tpu.memory_space<vmem>>, vector<1x1xf32>
    %mul3A_710 = vector.broadcast %get3A_709 : vector<1x1xf32> to vector<2048x1xf32>
    %mul3A_711 = arith.mulf %div3A_685, %mul3A_710 : vector<2048x1xf32>
    %sub3A_712 = arith.subf %broadcast_in_dim3A_706, %mul3A_711 : vector<2048x1xf32>
    %mul3A_713 = arith.mulf %sub3A_712, %rsqrt3A_698 : vector<2048x1xf32>
    %squeeze3A_714 = vector.shape_cast %mul3A_713 : vector<2048x1xf32> to vector<2048xf32>
    %swap3A_715 = arith.constant 6 : index
    %swap3A_716 = arith.constant 0 : index
    %swap3A_717 = arith.constant 0 : index
    %swap3A_718 = vector.load %arg5[%swap3A_715, %swap3A_716, %swap3A_717] : memref<8x1x2048xf32, #tpu.memory_space<vmem>>, vector<1x1x2048xf32>
    %swap3A_719 = vector.shape_cast %swap3A_718 : vector<1x1x2048xf32> to vector<2048xf32>
    %swap3A_720 = vector.shape_cast %squeeze3A_714 : vector<2048xf32> to vector<1x1x2048xf32>
    tpu.vector_store %arg5[%swap3A_715, %swap3A_716, %swap3A_717], %swap3A_720 {strides = array<i32>} : memref<8x1x2048xf32, #tpu.memory_space<vmem>>, vector<1x1x2048xf32>,
    %get3A_721 = arith.constant 7 : index
    %get3A_722 = arith.constant 0 : index
    %get3A_723 = arith.constant 0 : index
    %get3A_724 = vector.load %arg0[%get3A_721, %get3A_722, %get3A_723] : memref<8x2048x256xf32, #tpu.memory_space<vmem>>, vector<1x2048x256xf32>
    %get3A_725 = vector.shape_cast %get3A_724 : vector<1x2048x256xf32> to vector<2048x256xf32>
    %convert_element_type3A_726 = arith.truncf %get3A_725 : vector<2048x256xf32> to vector<2048x256xbf16>
    %get3A_727 = arith.constant 0 : index
    %get3A_728 = arith.constant 0 : index
    %get3A_729 = vector.load %arg1[%get3A_727, %get3A_728] : memref<256x768xbf16, #tpu.memory_space<vmem>>, vector<256x768xbf16>
    %dot_general3A_730 = arith.constant dense<0.000000e+00> : vector<2048x768xf32>
    %dot_general3A_731 = tpu.matmul %convert_element_type3A_726, %get3A_729, %dot_general3A_730 {dimension_numbers = #tpu.dot_dimension_numbers<[1], [0], [0], [1], [0, 0, 1, 1], [], []>, transpose_lhs_hint = false} : vector<2048x256xbf16>, vector<256x768xbf16>, vector<2048x768xf32> -> vector<2048x768xf32>
    %slice3A_732 = vector.extract_strided_slice %dot_general3A_731 {offsets = [0, 0], sizes = [2048, 256], strides = [1, 1]} : vector<2048x768xf32> to vector<2048x256xf32>
    %slice3A_733 = vector.extract_strided_slice %dot_general3A_731 {offsets = [0, 256], sizes = [2048, 256], strides = [1, 1]} : vector<2048x768xf32> to vector<2048x256xf32>
    %slice3A_734 = vector.extract_strided_slice %dot_general3A_731 {offsets = [0, 512], sizes = [2048, 256], strides = [1, 1]} : vector<2048x768xf32> to vector<2048x256xf32>
    %slice3A_735 = vector.extract_strided_slice %slice3A_732 {offsets = [0, 0], sizes = [2047, 256], strides = [1, 1]} : vector<2048x256xf32> to vector<2047x256xf32>
    %concatenate3A_736 = tpu.concatenate %broadcast_in_dim3A_0, %slice3A_735 in 0 : vector<1x256xf32>, vector<2047x256xf32> -> vector<2048x256xf32>
    %slice3A_737 = vector.extract_strided_slice %slice3A_734 {offsets = [1, 0], sizes = [2047, 256], strides = [1, 1]} : vector<2048x256xf32> to vector<2047x256xf32>
    %concatenate3A_738 = tpu.concatenate %slice3A_737, %broadcast_in_dim3A_0 in 0 : vector<2047x256xf32>, vector<1x256xf32> -> vector<2048x256xf32>
    %add3A_739 = arith.addf %concatenate3A_736, %slice3A_733 : vector<2048x256xf32>
    %add3A_740 = arith.addf %add3A_739, %concatenate3A_738 : vector<2048x256xf32>
    %max3A_741 = arith.constant 0.000000e+00 : f32
    %max3A_742 = vector.broadcast %max3A_741 : f32 to vector<2048x256xf32>
    %max3A_743 = arith.maximumf %add3A_740, %max3A_742 : vector<2048x256xf32>
    %reduce_sum3A_744 = arith.constant dense<0.000000e+00> : vector<2048xf32>
    %reduce_sum3A_745 = vector.multi_reduction <add>, %max3A_743, %reduce_sum3A_744 [1] : vector<2048x256xf32> to vector<2048xf32>
    %broadcast_in_dim3A_746 = vector.shape_cast %reduce_sum3A_745 : vector<2048xf32> to vector<2048x1xf32>
    %div3A_747 = arith.constant 2.560000e+02 : f32
    %div3A_748 = vector.broadcast %div3A_747 : f32 to vector<2048x1xf32>
    %div3A_749 = arith.divf %broadcast_in_dim3A_746, %div3A_748 : vector<2048x1xf32>
    %sub3A_750 = vector.broadcast %div3A_749 : vector<2048x1xf32> to vector<2048x256xf32>
    %sub3A_751 = arith.subf %max3A_743, %sub3A_750 : vector<2048x256xf32>
    %integer_pow3A_752 = arith.mulf %sub3A_751, %sub3A_751 : vector<2048x256xf32>
    %reduce_sum3A_753 = arith.constant dense<0.000000e+00> : vector<2048xf32>
    %reduce_sum3A_754 = vector.multi_reduction <add>, %integer_pow3A_752, %reduce_sum3A_753 [1] : vector<2048x256xf32> to vector<2048xf32>
    %broadcast_in_dim3A_755 = vector.shape_cast %reduce_sum3A_754 : vector<2048xf32> to vector<2048x1xf32>
    %div3A_756 = arith.constant 2.560000e+02 : f32
    %div3A_757 = vector.broadcast %div3A_756 : f32 to vector<2048x1xf32>
    %div3A_758 = arith.divf %broadcast_in_dim3A_755, %div3A_757 : vector<2048x1xf32>
    %add3A_759 = arith.constant 9.99999974E-6 : f32
    %add3A_760 = vector.broadcast %add3A_759 : f32 to vector<2048x1xf32>
    %add3A_761 = arith.addf %div3A_758, %add3A_760 : vector<2048x1xf32>
    %rsqrt3A_762 = math.rsqrt %add3A_761 : vector<2048x1xf32>
    %sub3A_763 = vector.broadcast %div3A_749 : vector<2048x1xf32> to vector<2048x256xf32>
    %sub3A_764 = arith.subf %max3A_743, %sub3A_763 : vector<2048x256xf32>
    %mul3A_765 = vector.broadcast %rsqrt3A_762 : vector<2048x1xf32> to vector<2048x256xf32>
    %mul3A_766 = arith.mulf %sub3A_764, %mul3A_765 : vector<2048x256xf32>
    %convert_element_type3A_767 = arith.truncf %mul3A_766 : vector<2048x256xf32> to vector<2048x256xbf16>
    %get3A_768 = arith.constant 0 : index
    %get3A_769 = arith.constant 0 : index
    %get3A_770 = vector.load %arg2[%get3A_768, %get3A_769] : memref<256x768xbf16, #tpu.memory_space<vmem>>, vector<256x768xbf16>
    %dot_general3A_771 = arith.constant dense<0.000000e+00> : vector<2048x768xf32>
    %dot_general3A_772 = tpu.matmul %convert_element_type3A_767, %get3A_770, %dot_general3A_771 {dimension_numbers = #tpu.dot_dimension_numbers<[1], [0], [0], [1], [0, 0, 1, 1], [], []>, transpose_lhs_hint = false} : vector<2048x256xbf16>, vector<256x768xbf16>, vector<2048x768xf32> -> vector<2048x768xf32>
    %slice3A_773 = vector.extract_strided_slice %dot_general3A_772 {offsets = [0, 0], sizes = [2048, 256], strides = [1, 1]} : vector<2048x768xf32> to vector<2048x256xf32>
    %slice3A_774 = vector.extract_strided_slice %dot_general3A_772 {offsets = [0, 256], sizes = [2048, 256], strides = [1, 1]} : vector<2048x768xf32> to vector<2048x256xf32>
    %slice3A_775 = vector.extract_strided_slice %dot_general3A_772 {offsets = [0, 512], sizes = [2048, 256], strides = [1, 1]} : vector<2048x768xf32> to vector<2048x256xf32>
    %slice3A_776 = vector.extract_strided_slice %slice3A_773 {offsets = [0, 0], sizes = [2047, 256], strides = [1, 1]} : vector<2048x256xf32> to vector<2047x256xf32>
    %concatenate3A_777 = tpu.concatenate %broadcast_in_dim3A_0, %slice3A_776 in 0 : vector<1x256xf32>, vector<2047x256xf32> -> vector<2048x256xf32>
    %slice3A_778 = vector.extract_strided_slice %slice3A_775 {offsets = [1, 0], sizes = [2047, 256], strides = [1, 1]} : vector<2048x256xf32> to vector<2047x256xf32>
    %concatenate3A_779 = tpu.concatenate %slice3A_778, %broadcast_in_dim3A_0 in 0 : vector<2047x256xf32>, vector<1x256xf32> -> vector<2048x256xf32>
    %add3A_780 = arith.addf %concatenate3A_777, %slice3A_774 : vector<2048x256xf32>
    %add3A_781 = arith.addf %add3A_780, %concatenate3A_779 : vector<2048x256xf32>
    %max3A_782 = arith.constant 0.000000e+00 : f32
    %max3A_783 = vector.broadcast %max3A_782 : f32 to vector<2048x256xf32>
    %max3A_784 = arith.maximumf %add3A_781, %max3A_783 : vector<2048x256xf32>
    %reduce_sum3A_785 = arith.constant dense<0.000000e+00> : vector<2048xf32>
    %reduce_sum3A_786 = vector.multi_reduction <add>, %max3A_784, %reduce_sum3A_785 [1] : vector<2048x256xf32> to vector<2048xf32>
    %broadcast_in_dim3A_787 = vector.shape_cast %reduce_sum3A_786 : vector<2048xf32> to vector<2048x1xf32>
    %div3A_788 = arith.constant 2.560000e+02 : f32
    %div3A_789 = vector.broadcast %div3A_788 : f32 to vector<2048x1xf32>
    %div3A_790 = arith.divf %broadcast_in_dim3A_787, %div3A_789 : vector<2048x1xf32>
    %sub3A_791 = vector.broadcast %div3A_790 : vector<2048x1xf32> to vector<2048x256xf32>
    %sub3A_792 = arith.subf %max3A_784, %sub3A_791 : vector<2048x256xf32>
    %integer_pow3A_793 = arith.mulf %sub3A_792, %sub3A_792 : vector<2048x256xf32>
    %reduce_sum3A_794 = arith.constant dense<0.000000e+00> : vector<2048xf32>
    %reduce_sum3A_795 = vector.multi_reduction <add>, %integer_pow3A_793, %reduce_sum3A_794 [1] : vector<2048x256xf32> to vector<2048xf32>
    %broadcast_in_dim3A_796 = vector.shape_cast %reduce_sum3A_795 : vector<2048xf32> to vector<2048x1xf32>
    %div3A_797 = arith.constant 2.560000e+02 : f32
    %div3A_798 = vector.broadcast %div3A_797 : f32 to vector<2048x1xf32>
    %div3A_799 = arith.divf %broadcast_in_dim3A_796, %div3A_798 : vector<2048x1xf32>
    %add3A_800 = arith.constant 9.99999974E-6 : f32
    %add3A_801 = vector.broadcast %add3A_800 : f32 to vector<2048x1xf32>
    %add3A_802 = arith.addf %div3A_799, %add3A_801 : vector<2048x1xf32>
    %rsqrt3A_803 = math.rsqrt %add3A_802 : vector<2048x1xf32>
    %get3A_804 = arith.constant 0 : index
    %get3A_805 = arith.constant 0 : index
    %get3A_806 = vector.load %arg3[%get3A_804, %get3A_805] : memref<1x256xf32, #tpu.memory_space<vmem>>, vector<1x256xf32>
    %mul3A_807 = vector.broadcast %get3A_806 : vector<1x256xf32> to vector<2048x256xf32>
    %mul3A_808 = arith.mulf %max3A_784, %mul3A_807 : vector<2048x256xf32>
    %reduce_sum3A_809 = arith.constant dense<0.000000e+00> : vector<2048xf32>
    %reduce_sum3A_810 = vector.multi_reduction <add>, %mul3A_808, %reduce_sum3A_809 [1] : vector<2048x256xf32> to vector<2048xf32>
    %broadcast_in_dim3A_811 = vector.shape_cast %reduce_sum3A_810 : vector<2048xf32> to vector<2048x1xf32>
    %get3A_812 = arith.constant 0 : index
    %get3A_813 = arith.constant 0 : index
    %get3A_814 = vector.load %arg4[%get3A_812, %get3A_813] : memref<1x1xf32, #tpu.memory_space<vmem>>, vector<1x1xf32>
    %mul3A_815 = vector.broadcast %get3A_814 : vector<1x1xf32> to vector<2048x1xf32>
    %mul3A_816 = arith.mulf %div3A_790, %mul3A_815 : vector<2048x1xf32>
    %sub3A_817 = arith.subf %broadcast_in_dim3A_811, %mul3A_816 : vector<2048x1xf32>
    %mul3A_818 = arith.mulf %sub3A_817, %rsqrt3A_803 : vector<2048x1xf32>
    %squeeze3A_819 = vector.shape_cast %mul3A_818 : vector<2048x1xf32> to vector<2048xf32>
    %swap3A_820 = arith.constant 7 : index
    %swap3A_821 = arith.constant 0 : index
    %swap3A_822 = arith.constant 0 : index
    %swap3A_823 = vector.load %arg5[%swap3A_820, %swap3A_821, %swap3A_822] : memref<8x1x2048xf32, #tpu.memory_space<vmem>>, vector<1x1x2048xf32>
    %swap3A_824 = vector.shape_cast %swap3A_823 : vector<1x1x2048xf32> to vector<2048xf32>
    %swap3A_825 = vector.shape_cast %squeeze3A_819 : vector<2048xf32> to vector<1x1x2048xf32>
    tpu.vector_store %arg5[%swap3A_820, %swap3A_821, %swap3A_822], %swap3A_825 {strides = array<i32>} : memref<8x1x2048xf32, #tpu.memory_space<vmem>>, vector<1x1x2048xf32>,
    return
  }
}

</mosaic_0001>

<sc_bundles>
// kernel: kernel.4.cloned.1.call-start
scs
__scs_entry_jumppad:
0x0: {  	(pc) =	sbr.rel $0x88, $3  }
0x1: {  	(tag) =	ssettag $0x0;
	lr =	simm.s32 $0x1  }
0x2: {  	[smem:$0x3F9B] =	sst lr;
	_ =	strace $0xD0000000  }
0x3: {  	_ = 	snop  }
0x4: {  	_ = 	snop  }
0x5: {  	_ = 	snop  }
0x6: {  	_ = 	snop  }
0x7: {  	_ = 	snop  }
__scs_overlays_trampoline_lowered:
0x8: {  	[smem:$0x3FAA] =	sst s0  }
0x9: {  	[smem:$0x3FAB] =	sst s1  }
0xa: {  	[smem:$0x3FAC] =	sst s2  }
0xb: {  	[smem:$0x3FAD] =	sst s3  }
0xc: {  	[smem:$0x3FAE] =	sst s4  }
0xd: {  	[smem:$0x3FAF] =	sst s5  }
0xe: {  	[smem:$0x3FB0] =	sst s6  }
0xf: {  	[smem:$0x3FB1] =	sst s7  }
0x10: {  	[smem:$0x3FB2] =	sst s8  }
0x11: {  	[smem:$0x3FB3] =	sst s9;
	s0 =	simm.s32 @!p0 $0x0  }
0x12: {  	s1 =	sld [smem:$0x3F99];
	s0 =	simm.s32 @p0 $0x1  }
0x13: {  	[smem:$0x3FB4] =	sst s0;
	s0 =	simm.s32 @!p1 $0x0  }
0x14: {  	s2 =	sld [smem:$0x3F98];
	s0 =	simm.s32 @p1 $0x1  }
0x15: {  	[smem:$0x3FB5] =	sst s0;
	s0 =	simm.s32 @!p2 $0x0  }
0x16: {  	s3 =	sld [smem:$0x3FDB];
	s0 =	simm.s32 @p2 $0x1  }
0x17: {  	s4 =	simm.s32 $0x1BF5;
	[smem:$0x3FB7] =	sst s0  }
0x18: {  	s0 =	sld [smem:$0x3F9A];
	_ =	swait.ge [sflag:s4], $0x0  }
0x19: {  	s7 =	sld [smem:$0x3F9B]  }
0x1a: {  	s8 =	sadd.s32 $0xFFFFE003, lr  }
0x1b: {  	s9 =	sadd.s32 $0xFFFFFEF7, lr;
	s5 =	simm.s32 $0xFFFFFFFF;
	p2 =	slt.u32 s8, $0xFFFFF086  }
0x1c: {  	p1 =	slt.u32 s9, $0xF7A;
	s5 =	simm.s32 @!p2 $0x0  }
0x1d: {  	s5 =	simm.s32 @p1 $0x1;
	p0 =	seq.s32 s7, s2  }
0x1e: {  	s7 =	smul.u32 @!p0 $0xF7A, s2;
	p2 =	seq.s32 @!p0 s5, $0x0  }
0x1f: {  	s9 =	smul.u32 $0xF7A, s1;
	s8 =	simm.s32 @!p0 $0x1BF5;
	p2 =	por !p2, p0  }
0x20: {  	[sflag:s8] =	ssyncset.s32 @!p0 $0xFFFFF086;
	s6 =	sadd.s32 @!p0 s3, s7;
	s7 =	simm.s32 @!p0 $0x108  }
0x21: {  	s3 =	sadd.s32 s3, s9;
	s6 =	sadd.s32 @!p0 $0x88, s6;
	s7 =	simm.s32 @p2 $0x1082  }
0x22: {  	[simem:s7], [sflag:s8] =	dma.local @!p0 [hbm:s6], $0xF7A  }
0x23: {  	s9 =	sor.u32 $0xD0000000, s2;
	s6 =	simm.s32 $0x108;
	_ =	swait.ge @!p0 [sflag:s8], $0x0  }
0x24: {  	s3 =	sadd.s32 $0x88, s3;
	s6 =	simm.s32 @!p1 $0x1082;
	[sflag:s4] =	ssyncset.s32 $0xFFFFF086  }
0x25: {  	[simem:s6], [sflag:s4] =	dma.local [hbm:s3], $0xF7A  }
0x26: {  	[smem:$0x3F9B] =	sst s1;
	(tag) =	ssettag s2;
	_ =	strace s9  }
0x27: {  	s1 =	sld [smem:$0x3FAB]  }
0x28: {  	s2 =	sld [smem:$0x3FAC]  }
0x29: {  	s4 =	sld [smem:$0x3FAE]  }
0x2a: {  	p0 =	seq.s32 s5, $0x0;
	s5 =	sld [smem:$0x3FAF]  }
0x2b: {  	s6 =	sld [smem:$0x3FB0]  }
0x2c: {  	s7 =	sld [smem:$0x3FB1]  }
0x2d: {  	s3 =	simm.s32 $0x108;
	s8 =	sld [smem:$0x3FB2]  }
0x2e: {  	s3 =	simm.s32 @!p0 $0x1082;
	s9 =	sld [smem:$0x3FB3]  }
0x2f: {  	lr =	sadd.s32 s0, s3;
	s0 =	sld [smem:$0x3FAA]  }
0x30: {  	s3 =	sld [smem:$0x3FAD]  }
0x31: {  	[smem:$0x3FB6] =	sst s10  }
0x32: {  	s10 =	sld [smem:$0x3FB4];
	_ =	sdelay $0x3  }
0x33: {  	p0 =	seq.s32 s10, $0x1;
	s10 =	sld [smem:$0x3FB6];
	_ =	sdelay $0x3  }
0x34: {  	[smem:$0x3FB6] =	sst s10  }
0x35: {  	s10 =	sld [smem:$0x3FB5];
	_ =	sdelay $0x3  }
0x36: {  	p1 =	seq.s32 s10, $0x1;
	s10 =	sld [smem:$0x3FB6];
	_ =	sdelay $0x3  }
0x37: {  	[smem:$0x3FB6] =	sst s10  }
0x38: {  	s10 =	sld [smem:$0x3FB7]  }
0x39: {  	_ = 	snop;
	(pc) =	sbr.ind lr, $3  }
0x3a: {  	_ = 	snop  }
0x3b: {  	_ = 	snop  }
0x3c: {  	p2 =	seq.s32 s10, $0x1;
	s10 =	sld [smem:$0x3FB6]  }
0x3d: {  	_ =	shalt  }
0x3e: {  	_ =	shalt  }
0x3f: {  	_ =	shalt  }
0x40: {  	_ =	shalt  }
0x41: {  	_ =	shalt  }
0x42: {  	_ =	shalt  }
0x43: {  	_ =	shalt  }
0x44: {  	_ =	shalt  }
0x45: {  	_ =	shalt  }
0x46: {  	_ =	shalt  }
0x47: {  	_ =	shalt  }
0x48: {  	_ =	shalt  }
0x49: {  	_ =	shalt  }
0x4a: {  	_ =	shalt  }
0x4b: {  	_ =	shalt  }
0x4c: {  	_ =	shalt  }
0x4d: {  	_ =	shalt  }
0x4e: {  	_ =	shalt  }
0x4f: {  	_ =	shalt  }
0x50: {  	_ =	shalt  }
0x51: {  	_ =	shalt  }
0x52: {  	_ =	shalt  }
0x53: {  	_ =	shalt  }
0x54: {  	_ =	shalt  }
0x55: {  	_ =	shalt  }
0x56: {  	_ =	shalt  }
0x57: {  	_ =	shalt  }
0x58: {  	_ =	shalt  }
0x59: {  	_ =	shalt  }
0x5a: {  	_ =	shalt  }
0x5b: {  	_ =	shalt  }
0x5c: {  	_ =	shalt  }
0x5d: {  	_ =	shalt  }
0x5e: {  	_ =	shalt  }
0x5f: {  	_ =	shalt  }
0x60: {  	_ =	shalt  }
0x61: {  	_ =	shalt  }
0x62: {  	_ =	shalt  }
0x63: {  	_ =	shalt  }
0x64: {  	_ =	shalt  }
0x65: {  	_ =	shalt  }
0x66: {  	_ =	shalt  }
0x67: {  	_ =	shalt  }
0x68: {  	_ =	shalt  }
0x69: {  	_ =	shalt  }
0x6a: {  	_ =	shalt  }
0x6b: {  	_ =	shalt  }
0x6c: {  	_ =	shalt  }
0x6d: {  	_ =	shalt  }
0x6e: {  	_ =	shalt  }
0x6f: {  	_ =	shalt  }
0x70: {  	_ =	shalt  }
0x71: {  	_ =	shalt  }
0x72: {  	_ =	shalt  }
0x73: {  	_ =	shalt  }
0x74: {  	_ =	shalt  }
0x75: {  	_ =	shalt  }
0x76: {  	_ =	shalt  }
0x77: {  	_ =	shalt  }
0x78: {  	_ =	shalt  }
0x79: {  	_ =	shalt  }
0x7a: {  	_ =	shalt  }
0x7b: {  	_ =	shalt  }
0x7c: {  	_ =	shalt  }
0x7d: {  	_ =	shalt  }
0x7e: {  	_ =	shalt  }
0x7f: {  	_ =	shalt  }
0x80: {  	_ =	shalt  }
0x81: {  	_ =	shalt  }
0x82: {  	_ =	shalt  }
0x83: {  	_ =	shalt  }
0x84: {  	_ =	shalt  }
0x85: {  	_ =	shalt  }
0x86: {  	_ =	shalt  }
0x87: {  	_ =	shalt  }
.Lfunc_end0:
.L_simem_size_0:
called_computation_lowered:
.L_overlay_start_0:
0x88: {  	s2 =	sld [smem:$0x3FD9]  }
0x89: {  	s3 =	sld [smem:$0x3FFE];
	_ =	sdelay $0x1  }
0x8a: {  	s1 =	srdreg.scid  }
0x8b: {  	s0 =	sand.u32 $0x1, s1  }
0x8c: {  	s15 =	sshll.u32 s0, $0xA;
	s2 =	sadd.s32 s3, s2  }
0x8d: {  	s2 =	sadd.s32 s2, s15  }
0x8e: {  	[smem:$0x3FC2] =	sst s2  }
0x8f: {  	_ = 	snop  }
0x90: {  	s2 =	sld [smem:$0x3FD0]  }
0x91: {  	s16 =	sld [smem:$0x3FC9]  }
0x92: {  	s4 =	sld [smem:$0x3FC8]  }
0x93: {  	s6 =	simm.s32 $0xA;
	s7 =	simm.s32 $0x10;
	s5 =	sld [smem:$0x3FC7]  }
0x94: {  	[smem:s7], [sflag:s6] =	dma.local [hbm:s2], $0x1  }
0x95: {  	_ =	swait.eq [sflag:s6], $0x1  }
0x96: {  	[sflag:s6] =	ssyncset.done $0x0  }
0x97: {  	[sflag:s6] =	ssyncadd.s32 $0xFFFFFFFF  }
0x98: {  	s17 =	sld [smem:$0x10];
	(tm) =	ssettm $0x1  }
0x99: {  	s18 =	sld [smem:$0x3FFB];
	_ =	sdelay $0x3  }
0x9a: {  	_ =	strace s18  }
0x9b: {  	s6 =	sld [smem:$0x3FFC];
	_ =	sdelay $0x3  }
0x9c: {  	_ =	strace s6  }
0x9d: {  	s6 =	sld [smem:$0x3FFD];
	_ =	sdelay $0x3  }
0x9e: {  	_ =	strace s6  }
0x9f: {  	_ =	strace $0x8FFFFFFF  }
0xa0: {  	s19 =	sld [smem:$0x3FDB];
	_ =	sdelay $0x1  }
0xa1: {  	s20 =	simm.s32 $_scs_section_size  }
0xa2: {  	s8 =	simm.s32 $_size__tile_overlayer_lowered;
	s9 =	simm.s32 $_tile_overlayer_lowered  }
0xa3: {  	s23 =	simm.s32 $0x1BFF;
	s22 =	sshll.u32 s9, $0x1;
	s6 =	sadd.s32 s20, s19  }
0xa4: {  	s10 =	simm.s32 $0x0;
	s21 =	sshll.u32 s8, $0x1;
	s8 =	sadd.s32 s22, s6  }
0xa5: {  	[timem:s10], [sflag:s23] =	dma.local [hbm:s8], s21  }
0xa6: {  	_ =	swait.ge [sflag:s23], s21  }
0xa7: {  	s7 =	ssub.s32 $0x0, s21;
	[sflag:s23] =	ssyncset.done $0x0  }
0xa8: {  	[sflag:s23] =	ssyncadd.s32 s7;
	_ =	sdelay $0x1  }
0xa9: {  	s24 =	simm.s32 $0x1B8B  }
0xaa: {  	_ =	swait.ge [sflag:s24], $0x1  }
0xab: {  	[sflag:s24] =	ssyncset.done $0x0  }
0xac: {  	s25 =	simm.s32 $0x1B8E;
	[sflag:s24] =	ssyncadd.s32 $0xFFFFFFFF  }
0xad: {  	s26 =	simm.s32 $execute0_lowered;
	[smem:$0x3FD2] =	sst s25  }
0xae: {  	s7 =	sshll.u32 s26, $0x1;
	_ =	strace $0x80000046;
	[dreg:$0x1] =	wrdreg $0xFFFFFFFF  }
0xaf: {  	s28 =	simm.s32 $_size_execute0_lowered;
	s6 =	sadd.s32 s6, s7;
	[dreg:$0x0] =	wrdreg $0x0  }
0xb0: {  	s7 =	sshll.u32 s28, $0x1;
	[dreg:$0x2] =	wrdreg s6  }
0xb1: {  	[dreg:$0x3] =	wrdreg s7  }
0xb2: {  	[dreg:$0x4] =	wrdreg $0xC0  }
0xb3: {  	_ =	task [dreg:s10], $0x5FFFF  }
0xb4: {  	[dreg:$0x1] =	wrdreg $0xFFFFFFFF  }
0xb5: {  	[dreg:$0x0] =	wrdreg $0x60  }
0xb6: {  	[dreg:$0x2] =	wrdreg s16  }
0xb7: {  	[dreg:$0x3] =	wrdreg s4  }
0xb8: {  	[dreg:$0x4] =	wrdreg s5  }
0xb9: {  	[dreg:$0x5] =	wrdreg s17  }
0xba: {  	[dreg:$0x6] =	wrdreg $0x9  }
0xbb: {  	_ =	task.clear_ibuf [dreg:s10], $0x7FFFF;
	_ =	strace $0x90000046  }
0xbc: {  	s29 =	simm.s32 $0x9;
	_ =	strace $0x80000048  }
0xbd: {  	_ =	swait.ge [sflag:s29], $0x1  }
0xbe: {  	[sflag:s29] =	ssyncadd.s32 $0xFFFFFFFF  }
0xbf: {  	_ =	strace $0x90000048  }
0xc0: {  	_ =	sfence  }
0xc1: {  	s30 =	sld [smem:$0x0];
	_ =	sdelay $0x2  }
0xc2: {  	s31 =	sshll.u32 s1, $0xD;
	s1 =	sshrl.u32 s1, $0x2  }
0xc3: {  	s3 =	sand.u32 $0x4000, s31;
	s1 =	sadd.s32 s1, s30  }
0xc4: {  	s0 =	sor.u32 s3, s0;
	s1 =	sshll.u32 s1, $0x11  }
0xc5: {  	s0 =	sor.u32 s1, s0  }
0xc6: {  	s0 =	sadd.s32 $0x8F2B, s0  }
0xc7: {  	[sflag:s0] =	ssyncadd.remote.s32 $0x1  }
0xc8: {  	_ =	sfence.sel $0xFFFF  }
0xc9: {  	[dreg:$0x0] =	wrdreg $0xFFFFFFFF;
	(pc) =	sbr.abs _section_cstart, $3  }
0xca: {  	[dreg:$0x1] =	wrdreg $0xFFFFFFFF  }
0xcb: {  	_ =	task.clear_ibuf [dreg:s10], $0x2FFFF;
	_ =	strace $0x9FFFFFFF  }
0xcc: {  	(tm) =	ssettm $0x7FFFFFFF  }
0xcd: {  	_ =	shalt  }
tec
execute0_lowered:
.L_overlay_start_1:
0x0: {  	(tag) =	ssettag $0x1  }
0x1: {  	s1 =	rddreg [dreg:$0x0]  }
0x2: {  	s0 =	rddreg [dreg:$0x1]  }
0x3: {  	s2 =	rddreg [dreg:$0x2]  }
0x4: {  	s5 =	rddreg [dreg:$0x3];
	s4 =	srdreg.scid  }
0x5: {  	s3 =	simm.s32 $0x0;
	s9 =	stileid.u32;
	s4 =	sand.u32 $0x1, s4  }
0x6: {  	[smem:$0x7FF] =	sst s3;
	s7 =	sshll.u32 s9, $0x1;
	s11 =	sshrl.u32 s9, $0x1  }
0x7: {  	s6 =	ssub.s32 $0x2, s4;
	s7 =	sor.u32 s4, s7;
	s9 =	sshll.u32 s11, $0x4  }
0x8: {  	_ =	strace $0x80000047;
	s4 =	sshll.u32 s7, $0xB;
	s0 =	sadd.s32 s0, s9  }
0x9: {  	s7 =	sshll.u32 s7, $0x10;
	s12 =	sadd.s32 s2, s9;
	[dreg:$0x5] =	wrdreg s0  }
0xa: {  	[dreg:$0x6] =	wrdreg s12;
	s13 =	sadd.s32 s5, s7  }
0xb: {  	s5 =	sadd.s32 $0x1000, s13;
	[dreg:$0x7] =	wrdreg s13  }
0xc: {  	s15 =	sadd.s32 $0x2000, s13;
	[dreg:$0x8] =	wrdreg s5  }
0xd: {  	s16 =	sadd.s32 $0x3000, s13;
	[dreg:$0x9] =	wrdreg s15  }
0xe: {  	s17 =	sadd.s32 $0x4000, s13;
	[dreg:$0xa] =	wrdreg s16  }
0xf: {  	s18 =	sadd.s32 $0x5000, s13;
	[dreg:$0xb] =	wrdreg s17  }
0x10: {  	s19 =	sadd.s32 $0x6000, s13;
	[dreg:$0xc] =	wrdreg s18  }
0x11: {  	s20 =	sadd.s32 $0x7000, s13;
	[dreg:$0xd] =	wrdreg s19  }
0x12: {  	s21 =	sadd.s32 $0x8000, s13;
	[dreg:$0xe] =	wrdreg s20  }
0x13: {  	s22 =	sadd.s32 $0x9000, s13;
	[dreg:$0xf] =	wrdreg s21  }
0x14: {  	s23 =	sadd.s32 $0xA000, s13;
	[dreg:$0x10] =	wrdreg s22  }
0x15: {  	s24 =	sadd.s32 $0xB000, s13;
	[dreg:$0x11] =	wrdreg s23  }
0x16: {  	s25 =	sadd.s32 $0xC000, s13;
	[dreg:$0x12] =	wrdreg s24  }
0x17: {  	s29 =	simm.s32 $0x1000;
	s26 =	sadd.s32 $0xD000, s13;
	[dreg:$0x13] =	wrdreg s25  }
0x18: {  	s8 =	sshrl.u32 s6, $0x1;
	s28 =	sadd.s32 $0xE000, s13;
	[dreg:$0x14] =	wrdreg s26  }
0x19: {  	s6 =	ssub.s32 s6, s8;
	s2 =	sadd.s32 $0xF000, s13;
	[dreg:$0x15] =	wrdreg s28  }
0x1a: {  	s30 =	simm.s32 $0x12000;
	s31 =	smax.u32 s6, $0x1;
	[dreg:$0x16] =	wrdreg s2  }
0x1b: {  	v0 =	vlaneseq.u32;
	s14 =	sshll.u32 s11, $0xB;
	s4 =	sand.u32 $0x1800, s4;
	[dreg:$0x17] =	wrdreg s31  }
0x1c: {  	vm0 =	vmmov $0xffff;
	v2 =	vand.u32 $0x7, v0;
	v3 =	vshrl.u32 v0, $0x3;
	s22 =	simm.s32 $0x1;
	s16 =	simm.s32 $0x2;
	s17 =	simm.s32 $0x3  }
0x1d: {  	v4 =	vor.u32 $0x8, v0;
	v3 =	vmul.u32 $0x8, v3;
	v1 =	vmov s14;
	s18 =	simm.s32 $0x4;
	s19 =	simm.s32 $0x0;
	s23 =	simm.s32 $0xA000  }
.LBB2_1:
0x1e: {  	s0 =	rddreg [dreg:$0x5]  }
0x1f: {  	s2 =	simm.s32 $0x80;
	s5 =	simm.s32 $0x400;
	s6 =	simm.s32 $0x5  }
0x20: {  	[tilespmem:s3], [sflag:$0x5] =	stream.strided.gather [hbm4b:s0+s2], $0x800, s5, s2, $0x38;
	[tilespmem:$0x1A000] =	vst v63  }
0x21: {  	_ =	swait.ge [sflag:s6], $0x800  }
0x22: {  	[sflag:s6] =	ssyncset.done $0x0  }
0x23: {  	s7 =	simm.s32 $0x800;
	s26 =	rddreg [dreg:$0x6];
	[sflag:s6] =	ssyncadd.s32 $0xFFFFF800  }
0x24: {  	[tilespmem:s7], [sflag:$0x5] =	stream.strided.gather [hbm4b:s26+s2], $0x800, s5, s2, $0x38;
	[tilespmem:$0x1A000] =	vst v63  }
0x25: {  	_ =	swait.ge [sflag:s6], $0x800  }
0x26: {  	[sflag:s6] =	ssyncset.done $0x0  }
0x27: {  	s7 =	simm.s32 $0x0;
	[sflag:s6] =	ssyncadd.s32 $0xFFFFF800  }
0x28: {  	v5 =	vld [tilespmem:s7+$0x0];
	_ =	sdelay $0x1  }
0x29: {  	v6 =	vld [tilespmem:s7+$0x800];
	_ =	sdelay $0x1  }
0x2a: {  	s20 =	simm.s32 $0x10  }
0x2b: {  	v7 =	vld [tilespmem:s20+$0x0];
	v5 =	vmul.f32 $4.000000000e+00, v5;
	_ =	sdelay $0x1  }
0x2c: {  	v5 =	vmul.f32 v6, v5;
	v6 =	vld [tilespmem:s20+$0x800]  }
0x2d: {  	s21 =	simm.s32 $0x20  }
0x2e: {  	v8 =	vld [tilespmem:s21+$0x0]  }
0x2f: {  	v7 =	vmul.f32 $4.000000000e+00, v7;
	v5 =	vadd.f32 $5.000000000e-01, v5  }
0x30: {  	v9 =	vld [tilespmem:s21+$0x800]  }
0x31: {  	v5 =	vtrunc.f32 v5;
	v6 =	vmul.f32 v6, v7  }
0x32: {  	s26 =	simm.s32 $0x30;
	v5 =	vcvt.f32.s32 v5  }
0x33: {  	v10 =	vld [tilespmem:s26+$0x0];
	v7 =	vmul.f32 $4.000000000e+00, v8;
	v6 =	vadd.f32 $5.000000000e-01, v6  }
0x34: {  	(xrf0) =	vadd.scan.msk.s32 $0xffff, v5  }
0x35: {  	v7 =	vmul.f32 v9, v7;
	v9 =	vld [tilespmem:s26+$0x800];
	v6 =	vtrunc.f32 v6  }
0x36: {  	v6 =	vcvt.f32.s32 v6;
	_ =	sdelay $0x1  }
0x37: {  	v10 =	vmul.f32 $4.000000000e+00, v10;
	(xrf0) =	vadd.scan.msk.s32 $0xffff, v6;
	_ =	sdelay $0x1  }
0x38: {  	v7 =	vadd.f32 $5.000000000e-01, v7;
	v9 =	vmul.f32 v9, v10;
	v8, _, _ =	vpop (xrf0)  }
0x39: {  	s31 =	simm.s32 $0x40;
	v11 =	vxor.u32 $0x80000000, v8  }
0x3a: {  	v7 =	vtrunc.f32 v7;
	(xrf0) =	vmax.scan.msk.u32 $0xffff, v11;
	v11 =	vld [tilespmem:s31+$0x0]  }
0x3b: {  	v7 =	vcvt.f32.s32 v7  }
0x3c: {  	v10 =	vadd.f32 $5.000000000e-01, v9;
	v9, _, _ =	vpop (xrf0)  }
0x3d: {  	(xrf0) =	vadd.scan.msk.s32 $0xffff, v7;
	v13 =	vxor.u32 $0x80000000, v9  }
0x3e: {  	v12 =	vld [tilespmem:s31+$0x800];
	(xrf0) =	vmax.scan.msk.u32 $0xffff, v13  }
0x3f: {  	v11 =	vmul.f32 $4.000000000e+00, v11;
	_ =	sdelay $0x2  }
0x40: {  	s0 =	simm.s32 $0x50;
	v14, _, _ =	vpop (xrf0)  }
0x41: {  	v10 =	vtrunc.f32 v10;
	v13 =	vld [tilespmem:s0+$0x0];
	v12 =	vmul.f32 v12, v11;
	(v2sf) =	vpush v14, $0xF;
	v11, _, _ =	vpop (xrf0)  }
0x42: {  	v10 =	vcvt.f32.s32 v10;
	v17, _, _ =	vpop (xrf0)  }
0x43: {  	v15 =	vld [tilespmem:s0+$0x800];
	(v2sf) =	vpush v17, $0xF  }
0x44: {  	(xrf0) =	vadd.scan.msk.s32 $0xffff, v10  }
0x45: {  	v12 =	vadd.f32 $5.000000000e-01, v12;
	v16 =	vxor.u32 $0x80000000, v11  }
0x46: {  	(xrf0) =	vmax.scan.msk.u32 $0xffff, v16;
	v16 =	vmul.f32 $4.000000000e+00, v13  }
0x47: {  	s2 =	simm.s32 $0x60;
	v12 =	vtrunc.f32 v12  }
0x48: {  	v14 =	vld [tilespmem:s2+$0x0];
	v13 =	vcvt.f32.s32 v12;
	v16 =	vmul.f32 v15, v16;
	_ =	sdelay $0x1  }
0x49: {  	v15 =	vld [tilespmem:s2+$0x800];
	v12, _, _ =	vpop (xrf0);
	(xrf0) =	vadd.scan.msk.s32 $0xffff, v13  }
0x4a: {  	v18 =	vxor.u32 $0x80000000, v12;
	v17 =	vadd.f32 $5.000000000e-01, v16  }
0x4b: {  	s24 =	simm.s32 $0x1C0;
	s28 =	simm.s32 $0x0;
	(xrf0) =	vmax.scan.msk.u32 $0xffff, v18;
	v16, _, _ =	vpop (xrf0)  }
.LBB2_2:
0x4c: {  	s25 =	sshra.s32 s24, $0x2;
	p0 =	sne.s32 s24, $0x1FC0;
	s24 =	sadd.s32 $0x40, s24;
	v18 =	vmul.f32 $4.000000000e+00, v14;
	v17 =	vtrunc.f32 v17;
	(v2sf) =	vpush v16, $0xF  }
.Ltmp0:
0x4d: {  	s5 =	smov.u32 s2;
	v14 =	vld [tilespmem:s25+$0x0];
	v16 =	vcvt.f32.s32 v17;
	v17 =	vsub.s32 s28, v5;
	v5 =	vmovc v6;
	v6 =	vmovc v7;
	v7 =	vmov v10;
	s2 =	smov.u32 s25;
	(pc) =	sbr.rel @p0 .LBB2_2-.Ltmp0, $4  }
0x4e: {  	v10 =	vmovc v13;
	v18 =	vmul.f32 v15, v18;
	v17 =	vadd.s32 v8, v17;
	v8 =	vmovc v9;
	v9 =	vmov v11  }
0x4f: {  	v11 =	vmov v12;
	v15 =	vld [tilespmem:s2+$0x800];
	(xrf0) =	vadd.scan.msk.s32 $0xffff, v16;
	[tilespmem:s7+$0x1000] =	vst v17;
	s25 =	spop (v2sf);
	v13 =	vmov v16;
	v12, _, _ =	vpop (xrf0);
	s7 =	smov.u32 s20;
	s20 =	smov.u32 s21  }
0x50: {  	s21 =	smov.u32 s26;
	s26 =	smov.u32 s31;
	v17 =	vadd.f32 $5.000000000e-01, v18;
	v18 =	vxor.u32 $0x80000000, v12;
	s25 =	sadd.s32 s25, s28  }
0x51: {  	s31 =	smov.u32 s0;
	s0 =	smov.u32 s5;
	(xrf0) =	vmax.scan.msk.u32 $0xffff, v18;
	v16, _, _ =	vpop (xrf0);
	s28 =	sadd.s32 $0x80000000, s25  }
0x52: {  	v14 =	vmul.f32 $4.000000000e+00, v14  }
0x53: {  	v17 =	vtrunc.f32 v17  }
0x54: {  	v17 =	vcvt.f32.s32 v17;
	v14 =	vmul.f32 v15, v14;
	_ =	sdelay $0x1  }
0x55: {  	(xrf0) =	vadd.scan.msk.s32 $0xffff, v17;
	v14 =	vadd.f32 $5.000000000e-01, v14;
	_ =	sdelay $0x1  }
0x56: {  	v57, _, _ =	vpop (xrf0);
	v14 =	vtrunc.f32 v14  }
0x57: {  	v18 =	vxor.u32 $0x80000000, v57;
	v14 =	vcvt.f32.s32 v14  }
0x58: {  	(xrf0) =	vmax.scan.msk.u32 $0xffff, v18  }
0x59: {  	v58, _, _ =	vpop (xrf0);
	(xrf0) =	vadd.scan.msk.s32 $0xffff, v14  }
0x5a: {  	v19, _, _ =	vpop (xrf0)  }
0x5b: {  	v20 =	vxor.u32 $0x80000000, v19  }
0x5c: {  	(xrf0) =	vmax.scan.msk.u32 $0xffff, v20  }
0x5d: {  	(v2sf) =	vpush v16, $0xF  }
0x5e: {  	v59, _, _ =	vpop (xrf0)  }
0x5f: {  	(v2sf) =	vpush v58, $0xF;
	v60, _, _ =	vpop (xrf0)  }
0x60: {  	v61 =	vxor.u32 $0x80000000, v60  }
0x61: {  	(v2sf) =	vpush v59, $0xF;
	(xrf0) =	vmax.scan.msk.u32 $0xffff, v61  }
0x62: {  	v62, _, _ =	vpop (xrf0)  }
0x63: {  	(v2sf) =	vpush v62, $0xF;
	_ =	sdelay $0x3  }
0x64: {  	v63, _, _ =	vpop (xrf0)  }
0x65: {  	s5 =	spop (v2sf);
	(v2sf) =	vpush v63, $0xF  }
0x66: {  	s5 =	sadd.s32 s5, s28  }
0x67: {  	s5 =	sadd.s32 $0x80000000, s5;
	s24 =	spop (v2sf)  }
0x68: {  	s24 =	sadd.s32 s24, s5  }
0x69: {  	s24 =	sadd.s32 $0x80000000, s24;
	s25 =	spop (v2sf)  }
0x6a: {  	s25 =	sadd.s32 s25, s24  }
0x6b: {  	s25 =	sadd.s32 $0x80000000, s25;
	s6 =	spop (v2sf)  }
0x6c: {  	v5 =	vsub.s32 s28, v5;
	s6 =	sadd.s32 s6, s25  }
0x6d: {  	v5 =	vadd.s32 v8, v5;
	v6 =	vsub.s32 s5, v6;
	s14 =	sadd.s32 $0x80000000, s6;
	s15 =	spop (v2sf)  }
0x6e: {  	[tilespmem:s7+$0x1000] =	vst v5;
	v6 =	vadd.s32 v9, v6;
	v5 =	vsub.s32 s24, v7;
	s6 =	sadd.s32 s15, s14  }
0x6f: {  	[tilespmem:s20+$0x1000] =	vst v6;
	v5 =	vadd.s32 v11, v5;
	v6 =	vsub.s32 s25, v10;
	s6 =	sadd.s32 $0x80000000, s6;
	s25 =	spop (v2sf)  }
0x70: {  	[tilespmem:s21+$0x1000] =	vst v5;
	v5 =	vadd.s32 v12, v6;
	v6 =	vsub.s32 s14, v13;
	s28 =	sadd.s32 s25, s6  }
0x71: {  	[tilespmem:s26+$0x1000] =	vst v5;
	v5 =	vadd.s32 v57, v6;
	v6 =	vsub.s32 s6, v17;
	s5 =	sadd.s32 $0x80000000, s28  }
0x72: {  	[tilespmem:s31+$0x1000] =	vst v5;
	v5 =	vadd.s32 v19, v6;
	v6 =	vsub.s32 s5, v14  }
0x73: {  	[tilespmem:s0+$0x1000] =	vst v5;
	v5 =	vadd.s32 v60, v6  }
0x74: {  	s0 =	simm.s32 $0x0;
	[tilespmem:s2+$0x1000] =	vst v5;
	s31 =	spop (v2sf)  }
.LBB2_4:
0x75: {  	s2 =	sshll.u32 s0, $0x4  }
0x76: {  	s5 =	sor.u32 s4, s2  }
0x77: {  	v5 =	vimm.s32 $0x0;
	s20 =	simm.s32 $0x800;
	s7 =	simm.s32 $0x2;
	v6 =	vor.u32 s5, v0  }
.LBB2_5:
0x78: {  	p0 =	sne.s32 s7, $0xC;
	v7 =	vadd.s32 s20, v5  }
0x79: {  	v8 =	vadd.s32 $0xFFFFFFFF, v7  }
0x7a: {  	vm1 =	vlt.s32 v8, $0x7FF  }
0x7b: {  	v8 =	vnsel vm1, $0x7FF, v8;
	_ =	sdelay $0x4  }
0x7c: {  	v8 =	vld.idx.msk [tilespmem:v8+s29+$0x0], $0xffff;
	_ =	sdelay $0x3  }
.Ltmp1:
0x7d: {  	(pc) =	sbr.rel @p0 .LBB2_5-.Ltmp1, $4  }
0x7e: {  	_ = 	snop  }
0x7f: {  	vm1 =	vlt.s32 v7, $0x801;
	vm2 =	vle.s32 v8, v6  }
0x80: {  	vm1 =	vmand vm1, vm2  }
0x81: {  	s20 =	sshrl.u32 s29, s7;
	s7 =	sadd.s32 $0x1, s7;
	v5 =	vsel vm1, v7, v5  }
0x82: {  	v7 =	vadd.s32 s20, v5  }
0x83: {  	v8 =	vadd.s32 $0xFFFFFFFF, v7  }
0x84: {  	vm1 =	vlt.s32 v8, $0x7FF  }
0x85: {  	v8 =	vnsel vm1, $0x7FF, v8;
	_ =	sdelay $0x4  }
0x86: {  	v8 =	vld.idx.msk [tilespmem:v8+s29+$0x0], $0xffff;
	_ =	sdelay $0x4  }
0x87: {  	vm1 =	vlt.s32 v7, $0x801;
	vm2 =	vle.s32 v8, v6  }
0x88: {  	vm1 =	vmand vm1, vm2  }
0x89: {  	s0 =	sadd.s32 $0x1, s0;
	v5 =	vsel vm1, v7, v5  }
0x8a: {  	p0 =	sne.s32 s0, $0x80;
	v5 =	vadd.s32 $0xFFFFFFFF, v5  }
.Ltmp2:
0x8b: {  	vm1 =	vgt.s32 v5, $0x0;
	(pc) =	sbr.rel @p0 .LBB2_4-.Ltmp2, $4  }
0x8c: {  	v5 =	vnsel vm1, $0x0, v5  }
0x8d: {  	s5 =	sand.u32 $0x70, s2;
	s31 =	sand.u32 $0x780, s2;
	v5 =	vmin.u32 v5, $0x7FF  }
0x8e: {  	s2 =	sor.u32 s5, s31;
	v5 =	vor.u32 v1, v5  }
0x8f: {  	[tilespmem:s2+$0x1800] =	vst v5  }
0x90: {  	v5 =	vld [tilespmem:$0x1800];
	_ =	sdelay $0x4  }
0x91: {  	v6 =	vshll.u32 v5, $0x1  }
0x92: {  	v5 =	vand.u32 $0x7, v5;
	v6 =	vand.u32 $0xFFFFFFF0, v6  }
0x93: {  	v5 =	vor.u32 v5, v6  }
0x94: {  	v6 =	vperm.xlane v5, v2;
	_ =	sdelay $0x1  }
0x95: {  	v5 =	vperm.xlane v5, v4;
	v6 =	vadd.s32 v3, v6;
	_ =	sdelay $0x1  }
0x96: {  	v5 =	vadd.s32 v3, v5;
	_ =	sdelay $0x1  }
0x97: {  	s2 =	simm.s32 $0x2000  }
0x98: {  	[tilespmem:s2], [sflag:$0x1] =	stream.indirect_vreg.gather [hbm4b:s1+s3], $0x80, v6, vm0, $0xb8;
	[tilespmem:$0x1A000] =	vst v63  }
0x99: {  	s0 =	simm.s32 $0x2800  }
0x9a: {  	[tilespmem:s0], [sflag:$0x1] =	stream.indirect_vreg.gather [hbm4b:s1+s3], $0x80, v5, vm0, $0xb8;
	[tilespmem:$0x1A000] =	vst v63  }
0x9b: {  	v5 =	vld [tilespmem:$0x1810];
	_ =	sdelay $0x4  }
0x9c: {  	v6 =	vshll.u32 v5, $0x1  }
0x9d: {  	v5 =	vand.u32 $0x7, v5;
	v6 =	vand.u32 $0xFFFFFFF0, v6  }
0x9e: {  	v5 =	vor.u32 v5, v6  }
0x9f: {  	v6 =	vperm.xlane v5, v2;
	_ =	sdelay $0x1  }
0xa0: {  	v5 =	vperm.xlane v5, v4;
	v6 =	vadd.s32 v3, v6;
	_ =	sdelay $0x1  }
0xa1: {  	v5 =	vadd.s32 v3, v5;
	_ =	sdelay $0x1  }
0xa2: {  	s11 =	simm.s32 $0x3000  }
0xa3: {  	[tilespmem:s11], [sflag:$0x1] =	stream.indirect_vreg.gather [hbm4b:s1+s3], $0x80, v6, vm0, $0xb8;
	[tilespmem:$0x1A000] =	vst v63  }
0xa4: {  	s12 =	simm.s32 $0x3800  }
0xa5: {  	[tilespmem:s12], [sflag:$0x1] =	stream.indirect_vreg.gather [hbm4b:s1+s3], $0x80, v5, vm0, $0xb8;
	[tilespmem:$0x1A000] =	vst v63  }
0xa6: {  	v5 =	vld [tilespmem:$0x1820];
	_ =	sdelay $0x4  }
0xa7: {  	v6 =	vshll.u32 v5, $0x1  }
0xa8: {  	v5 =	vand.u32 $0x7, v5;
	v6 =	vand.u32 $0xFFFFFFF0, v6  }
0xa9: {  	v5 =	vor.u32 v5, v6  }
0xaa: {  	v6 =	vperm.xlane v5, v2;
	_ =	sdelay $0x1  }
0xab: {  	v5 =	vperm.xlane v5, v4;
	v6 =	vadd.s32 v3, v6;
	_ =	sdelay $0x1  }
0xac: {  	v5 =	vadd.s32 v3, v5;
	_ =	sdelay $0x1  }
0xad: {  	s13 =	simm.s32 $0x4000  }
0xae: {  	[tilespmem:s13], [sflag:$0x1] =	stream.indirect_vreg.gather [hbm4b:s1+s3], $0x80, v6, vm0, $0xb8;
	[tilespmem:$0x1A000] =	vst v63  }
0xaf: {  	s14 =	simm.s32 $0x4800  }
0xb0: {  	[tilespmem:s14], [sflag:$0x1] =	stream.indirect_vreg.gather [hbm4b:s1+s3], $0x80, v5, vm0, $0xb8;
	[tilespmem:$0x1A000] =	vst v63  }
0xb1: {  	v5 =	vld [tilespmem:$0x1830];
	_ =	sdelay $0x4  }
0xb2: {  	v6 =	vshll.u32 v5, $0x1  }
0xb3: {  	v5 =	vand.u32 $0x7, v5;
	v6 =	vand.u32 $0xFFFFFFF0, v6  }
0xb4: {  	v5 =	vor.u32 v5, v6  }
0xb5: {  	v6 =	vperm.xlane v5, v2;
	_ =	sdelay $0x1  }
0xb6: {  	v5 =	vperm.xlane v5, v4;
	v6 =	vadd.s32 v3, v6;
	_ =	sdelay $0x1  }
0xb7: {  	v5 =	vadd.s32 v3, v5;
	_ =	sdelay $0x1  }
0xb8: {  	s24 =	simm.s32 $0x5000  }
0xb9: {  	[tilespmem:s24], [sflag:$0x1] =	stream.indirect_vreg.gather [hbm4b:s1+s3], $0x80, v6, vm0, $0xb8;
	[tilespmem:$0x1A000] =	vst v63  }
0xba: {  	s25 =	simm.s32 $0x5800  }
0xbb: {  	[tilespmem:s25], [sflag:$0x1] =	stream.indirect_vreg.gather [hbm4b:s1+s3], $0x80, v5, vm0, $0xb8;
	[tilespmem:$0x1A000] =	vst v63  }
0xbc: {  	v5 =	vld [tilespmem:$0x1840];
	_ =	sdelay $0x4  }
0xbd: {  	v6 =	vshll.u32 v5, $0x1  }
0xbe: {  	v5 =	vand.u32 $0x7, v5;
	v6 =	vand.u32 $0xFFFFFFF0, v6  }
0xbf: {  	v5 =	vor.u32 v5, v6  }
0xc0: {  	v6 =	vperm.xlane v5, v2;
	_ =	sdelay $0x1  }
0xc1: {  	v5 =	vperm.xlane v5, v4;
	v6 =	vadd.s32 v3, v6;
	_ =	sdelay $0x1  }
0xc2: {  	v5 =	vadd.s32 v3, v5;
	_ =	sdelay $0x1  }
0xc3: {  	s26 =	simm.s32 $0x6000  }
0xc4: {  	[tilespmem:s26], [sflag:$0x1] =	stream.indirect_vreg.gather [hbm4b:s1+s3], $0x80, v6, vm0, $0xb8;
	[tilespmem:$0x1A000] =	vst v63  }
0xc5: {  	s28 =	simm.s32 $0x6800  }
0xc6: {  	[tilespmem:s28], [sflag:$0x1] =	stream.indirect_vreg.gather [hbm4b:s1+s3], $0x80, v5, vm0, $0xb8;
	[tilespmem:$0x1A000] =	vst v63  }
0xc7: {  	v5 =	vld [tilespmem:$0x1850];
	_ =	sdelay $0x4  }
0xc8: {  	v6 =	vshll.u32 v5, $0x1  }
0xc9: {  	v5 =	vand.u32 $0x7, v5;
	v6 =	vand.u32 $0xFFFFFFF0, v6  }
0xca: {  	v5 =	vor.u32 v5, v6  }
0xcb: {  	v6 =	vperm.xlane v5, v2;
	_ =	sdelay $0x1  }
0xcc: {  	v5 =	vperm.xlane v5, v4;
	v6 =	vadd.s32 v3, v6;
	_ =	sdelay $0x1  }
0xcd: {  	v5 =	vadd.s32 v3, v5;
	_ =	sdelay $0x1  }
0xce: {  	s31 =	simm.s32 $0x7000  }
0xcf: {  	[tilespmem:s31], [sflag:$0x1] =	stream.indirect_vreg.gather [hbm4b:s1+s3], $0x80, v6, vm0, $0xb8;
	[tilespmem:$0x1A000] =	vst v63  }
0xd0: {  	s5 =	simm.s32 $0x7800  }
0xd1: {  	[tilespmem:s5], [sflag:$0x1] =	stream.indirect_vreg.gather [hbm4b:s1+s3], $0x80, v5, vm0, $0xb8;
	[tilespmem:$0x1A000] =	vst v63  }
0xd2: {  	v5 =	vld [tilespmem:$0x1860];
	_ =	sdelay $0x4  }
0xd3: {  	v6 =	vshll.u32 v5, $0x1  }
0xd4: {  	v5 =	vand.u32 $0x7, v5;
	v6 =	vand.u32 $0xFFFFFFF0, v6  }
0xd5: {  	v5 =	vor.u32 v5, v6  }
0xd6: {  	v6 =	vperm.xlane v5, v2;
	_ =	sdelay $0x1  }
0xd7: {  	v5 =	vperm.xlane v5, v4;
	v6 =	vadd.s32 v3, v6;
	_ =	sdelay $0x1  }
0xd8: {  	v5 =	vadd.s32 v3, v5;
	_ =	sdelay $0x1  }
0xd9: {  	s6 =	simm.s32 $0x8000  }
0xda: {  	[tilespmem:s6], [sflag:$0x1] =	stream.indirect_vreg.gather [hbm4b:s1+s3], $0x80, v6, vm0, $0xb8;
	[tilespmem:$0x1A000] =	vst v63  }
0xdb: {  	s7 =	simm.s32 $0x8800  }
0xdc: {  	[tilespmem:s7], [sflag:$0x1] =	stream.indirect_vreg.gather [hbm4b:s1+s3], $0x80, v5, vm0, $0xb8;
	[tilespmem:$0x1A000] =	vst v63  }
0xdd: {  	v5 =	vld [tilespmem:$0x1870];
	_ =	sdelay $0x4  }
0xde: {  	v6 =	vshll.u32 v5, $0x1  }
0xdf: {  	v5 =	vand.u32 $0x7, v5;
	v6 =	vand.u32 $0xFFFFFFF0, v6  }
0xe0: {  	v5 =	vor.u32 v5, v6  }
0xe1: {  	v6 =	vperm.xlane v5, v2;
	_ =	sdelay $0x1  }
0xe2: {  	v5 =	vperm.xlane v5, v4;
	v6 =	vadd.s32 v3, v6;
	_ =	sdelay $0x1  }
0xe3: {  	v5 =	vadd.s32 v3, v5;
	_ =	sdelay $0x1  }
0xe4: {  	s10 =	simm.s32 $0x9000  }
0xe5: {  	[tilespmem:s10], [sflag:$0x1] =	stream.indirect_vreg.gather [hbm4b:s1+s3], $0x80, v6, vm0, $0xb8;
	[tilespmem:$0x1A000] =	vst v63  }
0xe6: {  	s26 =	simm.s32 $0x9800  }
0xe7: {  	[tilespmem:s26], [sflag:$0x1] =	stream.indirect_vreg.gather [hbm4b:s1+s3], $0x80, v5, vm0, $0xb8;
	[tilespmem:$0x1A000] =	vst v63  }
0xe8: {  	v5 =	vld [tilespmem:$0x1880];
	_ =	sdelay $0x4  }
0xe9: {  	v6 =	vshll.u32 v5, $0x1  }
0xea: {  	v5 =	vand.u32 $0x7, v5;
	v6 =	vand.u32 $0xFFFFFFF0, v6  }
0xeb: {  	v5 =	vor.u32 v5, v6  }
0xec: {  	v6 =	vperm.xlane v5, v2;
	_ =	sdelay $0x1  }
0xed: {  	v5 =	vperm.xlane v5, v4;
	v6 =	vadd.s32 v3, v6;
	_ =	sdelay $0x1  }
0xee: {  	v5 =	vadd.s32 v3, v5;
	_ =	sdelay $0x2  }
0xef: {  	[tilespmem:s23], [sflag:$0x2] =	stream.indirect_vreg.gather [hbm4b:s1+s3], $0x80, v6, vm0, $0xb8;
	[tilespmem:$0x1A000] =	vst v63  }
0xf0: {  	s28 =	simm.s32 $0xA800  }
0xf1: {  	[tilespmem:s28], [sflag:$0x2] =	stream.indirect_vreg.gather [hbm4b:s1+s3], $0x80, v5, vm0, $0xb8;
	[tilespmem:$0x1A000] =	vst v63  }
0xf2: {  	v5 =	vld [tilespmem:$0x1890];
	_ =	sdelay $0x4  }
0xf3: {  	v6 =	vshll.u32 v5, $0x1  }
0xf4: {  	v5 =	vand.u32 $0x7, v5;
	v6 =	vand.u32 $0xFFFFFFF0, v6  }
0xf5: {  	v5 =	vor.u32 v5, v6  }
0xf6: {  	v6 =	vperm.xlane v5, v2;
	_ =	sdelay $0x1  }
0xf7: {  	v5 =	vperm.xlane v5, v4;
	v6 =	vadd.s32 v3, v6;
	_ =	sdelay $0x1  }
0xf8: {  	v5 =	vadd.s32 v3, v5;
	_ =	sdelay $0x1  }
0xf9: {  	s31 =	simm.s32 $0xB000  }
0xfa: {  	[tilespmem:s31], [sflag:$0x2] =	stream.indirect_vreg.gather [hbm4b:s1+s3], $0x80, v6, vm0, $0xb8;
	[tilespmem:$0x1A000] =	vst v63  }
0xfb: {  	s28 =	simm.s32 $0xB800  }
0xfc: {  	[tilespmem:s28], [sflag:$0x2] =	stream.indirect_vreg.gather [hbm4b:s1+s3], $0x80, v5, vm0, $0xb8;
	[tilespmem:$0x1A000] =	vst v63  }
0xfd: {  	v5 =	vld [tilespmem:$0x18A0];
	_ =	sdelay $0x4  }
0xfe: {  	v6 =	vshll.u32 v5, $0x1  }
0xff: {  	v5 =	vand.u32 $0x7, v5;
	v6 =	vand.u32 $0xFFFFFFF0, v6  }
0x100: {  	v5 =	vor.u32 v5, v6  }
0x101: {  	v6 =	vperm.xlane v5, v2;
	_ =	sdelay $0x1  }
0x102: {  	v5 =	vperm.xlane v5, v4;
	v6 =	vadd.s32 v3, v6;
	_ =	sdelay $0x1  }
0x103: {  	v5 =	vadd.s32 v3, v5;
	_ =	sdelay $0x1  }
0x104: {  	s31 =	simm.s32 $0xC000  }
0x105: {  	[tilespmem:s31], [sflag:$0x2] =	stream.indirect_vreg.gather [hbm4b:s1+s3], $0x80, v6, vm0, $0xb8;
	[tilespmem:$0x1A000] =	vst v63  }
0x106: {  	s31 =	simm.s32 $0xC800  }
0x107: {  	[tilespmem:s31], [sflag:$0x2] =	stream.indirect_vreg.gather [hbm4b:s1+s3], $0x80, v5, vm0, $0xb8;
	[tilespmem:$0x1A000] =	vst v63  }
0x108: {  	v5 =	vld [tilespmem:$0x18B0];
	_ =	sdelay $0x4  }
0x109: {  	v6 =	vshll.u32 v5, $0x1  }
0x10a: {  	v5 =	vand.u32 $0x7, v5;
	v6 =	vand.u32 $0xFFFFFFF0, v6  }
0x10b: {  	v5 =	vor.u32 v5, v6  }
0x10c: {  	v6 =	vperm.xlane v5, v2;
	_ =	sdelay $0x1  }
0x10d: {  	v5 =	vperm.xlane v5, v4;
	v6 =	vadd.s32 v3, v6;
	_ =	sdelay $0x1  }
0x10e: {  	v5 =	vadd.s32 v3, v5;
	_ =	sdelay $0x1  }
0x10f: {  	s0 =	simm.s32 $0xD000  }
0x110: {  	[tilespmem:s0], [sflag:$0x2] =	stream.indirect_vreg.gather [hbm4b:s1+s3], $0x80, v6, vm0, $0xb8;
	[tilespmem:$0x1A000] =	vst v63  }
0x111: {  	s0 =	simm.s32 $0xD800  }
0x112: {  	[tilespmem:s0], [sflag:$0x2] =	stream.indirect_vreg.gather [hbm4b:s1+s3], $0x80, v5, vm0, $0xb8;
	[tilespmem:$0x1A000] =	vst v63  }
0x113: {  	v5 =	vld [tilespmem:$0x18C0];
	_ =	sdelay $0x4  }
0x114: {  	v6 =	vshll.u32 v5, $0x1  }
0x115: {  	v5 =	vand.u32 $0x7, v5;
	v6 =	vand.u32 $0xFFFFFFF0, v6  }
0x116: {  	v5 =	vor.u32 v5, v6  }
0x117: {  	v6 =	vperm.xlane v5, v2;
	_ =	sdelay $0x1  }
0x118: {  	v5 =	vperm.xlane v5, v4;
	v6 =	vadd.s32 v3, v6;
	_ =	sdelay $0x1  }
0x119: {  	v5 =	vadd.s32 v3, v5;
	_ =	sdelay $0x1  }
0x11a: {  	s0 =	simm.s32 $0xE000  }
0x11b: {  	[tilespmem:s0], [sflag:$0x2] =	stream.indirect_vreg.gather [hbm4b:s1+s3], $0x80, v6, vm0, $0xb8;
	[tilespmem:$0x1A000] =	vst v63  }
0x11c: {  	s0 =	simm.s32 $0xE800  }
0x11d: {  	[tilespmem:s0], [sflag:$0x2] =	stream.indirect_vreg.gather [hbm4b:s1+s3], $0x80, v5, vm0, $0xb8;
	[tilespmem:$0x1A000] =	vst v63  }
0x11e: {  	v5 =	vld [tilespmem:$0x18D0];
	_ =	sdelay $0x4  }
0x11f: {  	v6 =	vshll.u32 v5, $0x1  }
0x120: {  	v5 =	vand.u32 $0x7, v5;
	v6 =	vand.u32 $0xFFFFFFF0, v6  }
0x121: {  	v5 =	vor.u32 v5, v6  }
0x122: {  	v6 =	vperm.xlane v5, v2;
	_ =	sdelay $0x1  }
0x123: {  	v5 =	vperm.xlane v5, v4;
	v6 =	vadd.s32 v3, v6;
	_ =	sdelay $0x1  }
0x124: {  	v5 =	vadd.s32 v3, v5;
	_ =	sdelay $0x1  }
0x125: {  	s0 =	simm.s32 $0xF000  }
0x126: {  	[tilespmem:s0], [sflag:$0x2] =	stream.indirect_vreg.gather [hbm4b:s1+s3], $0x80, v6, vm0, $0xb8;
	[tilespmem:$0x1A000] =	vst v63  }
0x127: {  	s0 =	simm.s32 $0xF800  }
0x128: {  	[tilespmem:s0], [sflag:$0x2] =	stream.indirect_vreg.gather [hbm4b:s1+s3], $0x80, v5, vm0, $0xb8;
	[tilespmem:$0x1A000] =	vst v63  }
0x129: {  	v5 =	vld [tilespmem:$0x18E0];
	_ =	sdelay $0x4  }
0x12a: {  	v6 =	vshll.u32 v5, $0x1  }
0x12b: {  	v5 =	vand.u32 $0x7, v5;
	v6 =	vand.u32 $0xFFFFFFF0, v6  }
0x12c: {  	v5 =	vor.u32 v5, v6  }
0x12d: {  	v6 =	vperm.xlane v5, v2;
	_ =	sdelay $0x1  }
0x12e: {  	v5 =	vperm.xlane v5, v4;
	v6 =	vadd.s32 v3, v6;
	_ =	sdelay $0x1  }
0x12f: {  	v5 =	vadd.s32 v3, v5;
	_ =	sdelay $0x1  }
0x130: {  	s0 =	simm.s32 $0x10000  }
0x131: {  	[tilespmem:s0], [sflag:$0x2] =	stream.indirect_vreg.gather [hbm4b:s1+s3], $0x80, v6, vm0, $0xb8;
	[tilespmem:$0x1A000] =	vst v63  }
0x132: {  	s0 =	simm.s32 $0x10800  }
0x133: {  	[tilespmem:s0], [sflag:$0x2] =	stream.indirect_vreg.gather [hbm4b:s1+s3], $0x80, v5, vm0, $0xb8;
	[tilespmem:$0x1A000] =	vst v63  }
0x134: {  	v5 =	vld [tilespmem:$0x18F0];
	_ =	sdelay $0x4  }
0x135: {  	v6 =	vshll.u32 v5, $0x1  }
0x136: {  	v5 =	vand.u32 $0x7, v5;
	v6 =	vand.u32 $0xFFFFFFF0, v6  }
0x137: {  	v5 =	vor.u32 v5, v6  }
0x138: {  	v6 =	vperm.xlane v5, v2;
	_ =	sdelay $0x1  }
0x139: {  	v5 =	vperm.xlane v5, v4;
	v6 =	vadd.s32 v3, v6;
	_ =	sdelay $0x1  }
0x13a: {  	v5 =	vadd.s32 v3, v5;
	_ =	sdelay $0x1  }
0x13b: {  	s0 =	simm.s32 $0x11000  }
0x13c: {  	[tilespmem:s0], [sflag:$0x2] =	stream.indirect_vreg.gather [hbm4b:s1+s3], $0x80, v6, vm0, $0xb8;
	[tilespmem:$0x1A000] =	vst v63  }
0x13d: {  	s0 =	simm.s32 $0x11800  }
0x13e: {  	[tilespmem:s0], [sflag:$0x2] =	stream.indirect_vreg.gather [hbm4b:s1+s3], $0x80, v5, vm0, $0xb8;
	[tilespmem:$0x1A000] =	vst v63  }
0x13f: {  	_ =	swait.ge [sflag:s22], $0x8000  }
0x140: {  	[sflag:s22] =	ssyncset.done $0x0  }
0x141: {  	s0 =	rddreg [dreg:$0x7];
	[sflag:s22] =	ssyncadd.s32 $0xFFFF8000  }
0x142: {  	[hbm4b:s0+s3] =	stream.linear.scatter [tilespmem:s2], [sflag:$0x3], $0x8000, $0x38;
	[tilespmem:$0x1A000] =	vst v63  }
0x143: {  	v5 =	vld [tilespmem:$0x1900];
	_ =	sdelay $0x4  }
0x144: {  	v6 =	vshll.u32 v5, $0x1  }
0x145: {  	v5 =	vand.u32 $0x7, v5;
	v6 =	vand.u32 $0xFFFFFFF0, v6  }
0x146: {  	v5 =	vor.u32 v5, v6  }
0x147: {  	v6 =	vperm.xlane v5, v2;
	_ =	sdelay $0x1  }
0x148: {  	v5 =	vperm.xlane v5, v4;
	v6 =	vadd.s32 v3, v6;
	_ =	sdelay $0x1  }
0x149: {  	v5 =	vadd.s32 v3, v5;
	_ =	sdelay $0x2  }
0x14a: {  	[tilespmem:s30], [sflag:$0x1] =	stream.indirect_vreg.gather [hbm4b:s1+s3], $0x80, v6, vm0, $0xb8;
	[tilespmem:$0x1A000] =	vst v63  }
0x14b: {  	s0 =	simm.s32 $0x12800  }
0x14c: {  	[tilespmem:s0], [sflag:$0x1] =	stream.indirect_vreg.gather [hbm4b:s1+s3], $0x80, v5, vm0, $0xb8;
	[tilespmem:$0x1A000] =	vst v63  }
0x14d: {  	v5 =	vld [tilespmem:$0x1910];
	_ =	sdelay $0x4  }
0x14e: {  	v6 =	vshll.u32 v5, $0x1  }
0x14f: {  	v5 =	vand.u32 $0x7, v5;
	v6 =	vand.u32 $0xFFFFFFF0, v6  }
0x150: {  	v5 =	vor.u32 v5, v6  }
0x151: {  	v6 =	vperm.xlane v5, v2;
	_ =	sdelay $0x1  }
0x152: {  	v5 =	vperm.xlane v5, v4;
	v6 =	vadd.s32 v3, v6;
	_ =	sdelay $0x1  }
0x153: {  	v5 =	vadd.s32 v3, v5;
	_ =	sdelay $0x1  }
0x154: {  	s0 =	simm.s32 $0x13000  }
0x155: {  	[tilespmem:s0], [sflag:$0x1] =	stream.indirect_vreg.gather [hbm4b:s1+s3], $0x80, v6, vm0, $0xb8;
	[tilespmem:$0x1A000] =	vst v63  }
0x156: {  	s0 =	simm.s32 $0x13800  }
0x157: {  	[tilespmem:s0], [sflag:$0x1] =	stream.indirect_vreg.gather [hbm4b:s1+s3], $0x80, v5, vm0, $0xb8;
	[tilespmem:$0x1A000] =	vst v63  }
0x158: {  	v5 =	vld [tilespmem:$0x1920];
	_ =	sdelay $0x4  }
0x159: {  	v6 =	vshll.u32 v5, $0x1  }
0x15a: {  	v5 =	vand.u32 $0x7, v5;
	v6 =	vand.u32 $0xFFFFFFF0, v6  }
0x15b: {  	v5 =	vor.u32 v5, v6  }
0x15c: {  	v6 =	vperm.xlane v5, v2;
	_ =	sdelay $0x1  }
0x15d: {  	v5 =	vperm.xlane v5, v4;
	v6 =	vadd.s32 v3, v6;
	_ =	sdelay $0x1  }
0x15e: {  	v5 =	vadd.s32 v3, v5;
	_ =	sdelay $0x1  }
0x15f: {  	s0 =	simm.s32 $0x14000  }
0x160: {  	[tilespmem:s0], [sflag:$0x1] =	stream.indirect_vreg.gather [hbm4b:s1+s3], $0x80, v6, vm0, $0xb8;
	[tilespmem:$0x1A000] =	vst v63  }
0x161: {  	s0 =	simm.s32 $0x14800  }
0x162: {  	[tilespmem:s0], [sflag:$0x1] =	stream.indirect_vreg.gather [hbm4b:s1+s3], $0x80, v5, vm0, $0xb8;
	[tilespmem:$0x1A000] =	vst v63  }
0x163: {  	v5 =	vld [tilespmem:$0x1930];
	_ =	sdelay $0x4  }
0x164: {  	v6 =	vshll.u32 v5, $0x1  }
0x165: {  	v5 =	vand.u32 $0x7, v5;
	v6 =	vand.u32 $0xFFFFFFF0, v6  }
0x166: {  	v5 =	vor.u32 v5, v6  }
0x167: {  	v6 =	vperm.xlane v5, v2;
	_ =	sdelay $0x1  }
0x168: {  	v5 =	vperm.xlane v5, v4;
	v6 =	vadd.s32 v3, v6;
	_ =	sdelay $0x1  }
0x169: {  	v5 =	vadd.s32 v3, v5;
	_ =	sdelay $0x1  }
0x16a: {  	s0 =	simm.s32 $0x15000  }
0x16b: {  	[tilespmem:s0], [sflag:$0x1] =	stream.indirect_vreg.gather [hbm4b:s1+s3], $0x80, v6, vm0, $0xb8;
	[tilespmem:$0x1A000] =	vst v63  }
0x16c: {  	s0 =	simm.s32 $0x15800  }
0x16d: {  	[tilespmem:s0], [sflag:$0x1] =	stream.indirect_vreg.gather [hbm4b:s1+s3], $0x80, v5, vm0, $0xb8;
	[tilespmem:$0x1A000] =	vst v63  }
0x16e: {  	v5 =	vld [tilespmem:$0x1940];
	_ =	sdelay $0x4  }
0x16f: {  	v6 =	vshll.u32 v5, $0x1  }
0x170: {  	v5 =	vand.u32 $0x7, v5;
	v6 =	vand.u32 $0xFFFFFFF0, v6  }
0x171: {  	v5 =	vor.u32 v5, v6  }
0x172: {  	v6 =	vperm.xlane v5, v2;
	_ =	sdelay $0x1  }
0x173: {  	v5 =	vperm.xlane v5, v4;
	v6 =	vadd.s32 v3, v6;
	_ =	sdelay $0x1  }
0x174: {  	v5 =	vadd.s32 v3, v5;
	_ =	sdelay $0x1  }
0x175: {  	s0 =	simm.s32 $0x16000  }
0x176: {  	[tilespmem:s0], [sflag:$0x1] =	stream.indirect_vreg.gather [hbm4b:s1+s3], $0x80, v6, vm0, $0xb8;
	[tilespmem:$0x1A000] =	vst v63  }
0x177: {  	s0 =	simm.s32 $0x16800  }
0x178: {  	[tilespmem:s0], [sflag:$0x1] =	stream.indirect_vreg.gather [hbm4b:s1+s3], $0x80, v5, vm0, $0xb8;
	[tilespmem:$0x1A000] =	vst v63  }
0x179: {  	v5 =	vld [tilespmem:$0x1950];
	_ =	sdelay $0x4  }
0x17a: {  	v6 =	vshll.u32 v5, $0x1  }
0x17b: {  	v5 =	vand.u32 $0x7, v5;
	v6 =	vand.u32 $0xFFFFFFF0, v6  }
0x17c: {  	v5 =	vor.u32 v5, v6  }
0x17d: {  	v6 =	vperm.xlane v5, v2;
	_ =	sdelay $0x1  }
0x17e: {  	v5 =	vperm.xlane v5, v4;
	v6 =	vadd.s32 v3, v6;
	_ =	sdelay $0x1  }
0x17f: {  	v5 =	vadd.s32 v3, v5;
	_ =	sdelay $0x1  }
0x180: {  	s0 =	simm.s32 $0x17000  }
0x181: {  	[tilespmem:s0], [sflag:$0x1] =	stream.indirect_vreg.gather [hbm4b:s1+s3], $0x80, v6, vm0, $0xb8;
	[tilespmem:$0x1A000] =	vst v63  }
0x182: {  	s0 =	simm.s32 $0x17800  }
0x183: {  	[tilespmem:s0], [sflag:$0x1] =	stream.indirect_vreg.gather [hbm4b:s1+s3], $0x80, v5, vm0, $0xb8;
	[tilespmem:$0x1A000] =	vst v63  }
0x184: {  	v5 =	vld [tilespmem:$0x1960];
	_ =	sdelay $0x4  }
0x185: {  	v6 =	vshll.u32 v5, $0x1  }
0x186: {  	v5 =	vand.u32 $0x7, v5;
	v6 =	vand.u32 $0xFFFFFFF0, v6  }
0x187: {  	v5 =	vor.u32 v5, v6  }
0x188: {  	v6 =	vperm.xlane v5, v2;
	_ =	sdelay $0x1  }
0x189: {  	v5 =	vperm.xlane v5, v4;
	v6 =	vadd.s32 v3, v6;
	_ =	sdelay $0x1  }
0x18a: {  	v5 =	vadd.s32 v3, v5;
	_ =	sdelay $0x1  }
0x18b: {  	s0 =	simm.s32 $0x18000  }
0x18c: {  	[tilespmem:s0], [sflag:$0x1] =	stream.indirect_vreg.gather [hbm4b:s1+s3], $0x80, v6, vm0, $0xb8;
	[tilespmem:$0x1A000] =	vst v63  }
0x18d: {  	s0 =	simm.s32 $0x18800  }
0x18e: {  	[tilespmem:s0], [sflag:$0x1] =	stream.indirect_vreg.gather [hbm4b:s1+s3], $0x80, v5, vm0, $0xb8;
	[tilespmem:$0x1A000] =	vst v63  }
0x18f: {  	v5 =	vld [tilespmem:$0x1970];
	_ =	sdelay $0x4  }
0x190: {  	v6 =	vshll.u32 v5, $0x1  }
0x191: {  	v5 =	vand.u32 $0x7, v5;
	v6 =	vand.u32 $0xFFFFFFF0, v6  }
0x192: {  	v5 =	vor.u32 v5, v6  }
0x193: {  	v6 =	vperm.xlane v5, v2;
	_ =	sdelay $0x1  }
0x194: {  	v5 =	vperm.xlane v5, v4;
	v6 =	vadd.s32 v3, v6;
	_ =	sdelay $0x1  }
0x195: {  	v5 =	vadd.s32 v3, v5;
	_ =	sdelay $0x1  }
0x196: {  	s0 =	simm.s32 $0x19000  }
0x197: {  	[tilespmem:s0], [sflag:$0x1] =	stream.indirect_vreg.gather [hbm4b:s1+s3], $0x80, v6, vm0, $0xb8;
	[tilespmem:$0x1A000] =	vst v63  }
0x198: {  	s0 =	simm.s32 $0x19800  }
0x199: {  	[tilespmem:s0], [sflag:$0x1] =	stream.indirect_vreg.gather [hbm4b:s1+s3], $0x80, v5, vm0, $0xb8;
	[tilespmem:$0x1A000] =	vst v63  }
0x19a: {  	_ =	swait.ge [sflag:s16], $0x8000  }
0x19b: {  	[sflag:s16] =	ssyncset.done $0x0  }
0x19c: {  	s0 =	rddreg [dreg:$0x8];
	[sflag:s16] =	ssyncadd.s32 $0xFFFF8000  }
0x19d: {  	[hbm4b:s0+s3] =	stream.linear.scatter [tilespmem:s23], [sflag:$0x4], $0x8000, $0x38;
	[tilespmem:$0x1A000] =	vst v63  }
0x19e: {  	_ =	swait.ge [sflag:s17], $0x8000  }
0x19f: {  	[sflag:s17] =	ssyncset.done $0x0  }
0x1a0: {  	[sflag:s17] =	ssyncadd.s32 $0xFFFF8000  }
0x1a1: {  	v5 =	vld [tilespmem:$0x1980];
	_ =	sdelay $0x4  }
0x1a2: {  	v6 =	vshll.u32 v5, $0x1  }
0x1a3: {  	v5 =	vand.u32 $0x7, v5;
	v6 =	vand.u32 $0xFFFFFFF0, v6  }
0x1a4: {  	v5 =	vor.u32 v5, v6  }
0x1a5: {  	v6 =	vperm.xlane v5, v2;
	_ =	sdelay $0x1  }
0x1a6: {  	v5 =	vperm.xlane v5, v4;
	v6 =	vadd.s32 v3, v6;
	_ =	sdelay $0x1  }
0x1a7: {  	v5 =	vadd.s32 v3, v5;
	_ =	sdelay $0x2  }
0x1a8: {  	[tilespmem:s2], [sflag:$0x2] =	stream.indirect_vreg.gather [hbm4b:s1+s3], $0x80, v6, vm0, $0xb8;
	[tilespmem:$0x1A000] =	vst v63  }
0x1a9: {  	s15 =	simm.s32 $0x2800  }
0x1aa: {  	[tilespmem:s15], [sflag:$0x2] =	stream.indirect_vreg.gather [hbm4b:s1+s3], $0x80, v5, vm0, $0xb8;
	[tilespmem:$0x1A000] =	vst v63  }
0x1ab: {  	v5 =	vld [tilespmem:$0x1990];
	_ =	sdelay $0x4  }
0x1ac: {  	v6 =	vshll.u32 v5, $0x1  }
0x1ad: {  	v5 =	vand.u32 $0x7, v5;
	v6 =	vand.u32 $0xFFFFFFF0, v6  }
0x1ae: {  	v5 =	vor.u32 v5, v6  }
0x1af: {  	v6 =	vperm.xlane v5, v2;
	_ =	sdelay $0x1  }
0x1b0: {  	v5 =	vperm.xlane v5, v4;
	v6 =	vadd.s32 v3, v6;
	_ =	sdelay $0x1  }
0x1b1: {  	v5 =	vadd.s32 v3, v5;
	_ =	sdelay $0x1  }
0x1b2: {  	s20 =	simm.s32 $0x3000  }
0x1b3: {  	[tilespmem:s20], [sflag:$0x2] =	stream.indirect_vreg.gather [hbm4b:s1+s3], $0x80, v6, vm0, $0xb8;
	[tilespmem:$0x1A000] =	vst v63  }
0x1b4: {  	s11 =	simm.s32 $0x3800  }
0x1b5: {  	[tilespmem:s11], [sflag:$0x2] =	stream.indirect_vreg.gather [hbm4b:s1+s3], $0x80, v5, vm0, $0xb8;
	[tilespmem:$0x1A000] =	vst v63  }
0x1b6: {  	v5 =	vld [tilespmem:$0x19A0];
	_ =	sdelay $0x4  }
0x1b7: {  	v6 =	vshll.u32 v5, $0x1  }
0x1b8: {  	v5 =	vand.u32 $0x7, v5;
	v6 =	vand.u32 $0xFFFFFFF0, v6  }
0x1b9: {  	v5 =	vor.u32 v5, v6  }
0x1ba: {  	v6 =	vperm.xlane v5, v2;
	_ =	sdelay $0x1  }
0x1bb: {  	v5 =	vperm.xlane v5, v4;
	v6 =	vadd.s32 v3, v6;
	_ =	sdelay $0x1  }
0x1bc: {  	v5 =	vadd.s32 v3, v5;
	_ =	sdelay $0x1  }
0x1bd: {  	s21 =	simm.s32 $0x4000  }
0x1be: {  	[tilespmem:s21], [sflag:$0x2] =	stream.indirect_vreg.gather [hbm4b:s1+s3], $0x80, v6, vm0, $0xb8;
	[tilespmem:$0x1A000] =	vst v63  }
0x1bf: {  	s12 =	simm.s32 $0x4800  }
0x1c0: {  	[tilespmem:s12], [sflag:$0x2] =	stream.indirect_vreg.gather [hbm4b:s1+s3], $0x80, v5, vm0, $0xb8;
	[tilespmem:$0x1A000] =	vst v63  }
0x1c1: {  	v5 =	vld [tilespmem:$0x19B0];
	_ =	sdelay $0x4  }
0x1c2: {  	v6 =	vshll.u32 v5, $0x1  }
0x1c3: {  	v5 =	vand.u32 $0x7, v5;
	v6 =	vand.u32 $0xFFFFFFF0, v6  }
0x1c4: {  	v5 =	vor.u32 v5, v6  }
0x1c5: {  	v6 =	vperm.xlane v5, v2;
	_ =	sdelay $0x1  }
0x1c6: {  	v5 =	vperm.xlane v5, v4;
	v6 =	vadd.s32 v3, v6;
	_ =	sdelay $0x1  }
0x1c7: {  	v5 =	vadd.s32 v3, v5;
	_ =	sdelay $0x1  }
0x1c8: {  	s24 =	simm.s32 $0x5000  }
0x1c9: {  	[tilespmem:s24], [sflag:$0x2] =	stream.indirect_vreg.gather [hbm4b:s1+s3], $0x80, v6, vm0, $0xb8;
	[tilespmem:$0x1A000] =	vst v63  }
0x1ca: {  	s13 =	simm.s32 $0x5800  }
0x1cb: {  	[tilespmem:s13], [sflag:$0x2] =	stream.indirect_vreg.gather [hbm4b:s1+s3], $0x80, v5, vm0, $0xb8;
	[tilespmem:$0x1A000] =	vst v63  }
0x1cc: {  	v5 =	vld [tilespmem:$0x19C0];
	_ =	sdelay $0x4  }
0x1cd: {  	v6 =	vshll.u32 v5, $0x1  }
0x1ce: {  	v5 =	vand.u32 $0x7, v5;
	v6 =	vand.u32 $0xFFFFFFF0, v6  }
0x1cf: {  	v5 =	vor.u32 v5, v6  }
0x1d0: {  	v6 =	vperm.xlane v5, v2;
	_ =	sdelay $0x1  }
0x1d1: {  	v5 =	vperm.xlane v5, v4;
	v6 =	vadd.s32 v3, v6;
	_ =	sdelay $0x1  }
0x1d2: {  	v5 =	vadd.s32 v3, v5;
	_ =	sdelay $0x1  }
0x1d3: {  	s25 =	simm.s32 $0x6000  }
0x1d4: {  	[tilespmem:s25], [sflag:$0x2] =	stream.indirect_vreg.gather [hbm4b:s1+s3], $0x80, v6, vm0, $0xb8;
	[tilespmem:$0x1A000] =	vst v63  }
0x1d5: {  	s14 =	simm.s32 $0x6800  }
0x1d6: {  	[tilespmem:s14], [sflag:$0x2] =	stream.indirect_vreg.gather [hbm4b:s1+s3], $0x80, v5, vm0, $0xb8;
	[tilespmem:$0x1A000] =	vst v63  }
0x1d7: {  	v5 =	vld [tilespmem:$0x19D0];
	_ =	sdelay $0x4  }
0x1d8: {  	v6 =	vshll.u32 v5, $0x1  }
0x1d9: {  	v5 =	vand.u32 $0x7, v5;
	v6 =	vand.u32 $0xFFFFFFF0, v6  }
0x1da: {  	v5 =	vor.u32 v5, v6  }
0x1db: {  	v6 =	vperm.xlane v5, v2;
	_ =	sdelay $0x1  }
0x1dc: {  	v5 =	vperm.xlane v5, v4;
	v6 =	vadd.s32 v3, v6;
	_ =	sdelay $0x1  }
0x1dd: {  	v5 =	vadd.s32 v3, v5;
	_ =	sdelay $0x1  }
0x1de: {  	s8 =	simm.s32 $0x7000  }
0x1df: {  	[tilespmem:s8], [sflag:$0x2] =	stream.indirect_vreg.gather [hbm4b:s1+s3], $0x80, v6, vm0, $0xb8;
	[tilespmem:$0x1A000] =	vst v63  }
0x1e0: {  	s5 =	simm.s32 $0x7800  }
0x1e1: {  	[tilespmem:s5], [sflag:$0x2] =	stream.indirect_vreg.gather [hbm4b:s1+s3], $0x80, v5, vm0, $0xb8;
	[tilespmem:$0x1A000] =	vst v63  }
0x1e2: {  	v5 =	vld [tilespmem:$0x19E0];
	_ =	sdelay $0x4  }
0x1e3: {  	v6 =	vshll.u32 v5, $0x1  }
0x1e4: {  	v5 =	vand.u32 $0x7, v5;
	v6 =	vand.u32 $0xFFFFFFF0, v6  }
0x1e5: {  	v5 =	vor.u32 v5, v6  }
0x1e6: {  	v6 =	vperm.xlane v5, v2;
	_ =	sdelay $0x1  }
0x1e7: {  	v5 =	vperm.xlane v5, v4;
	v6 =	vadd.s32 v3, v6;
	_ =	sdelay $0x1  }
0x1e8: {  	v5 =	vadd.s32 v3, v5;
	_ =	sdelay $0x1  }
0x1e9: {  	s9 =	simm.s32 $0x8000  }
0x1ea: {  	[tilespmem:s9], [sflag:$0x2] =	stream.indirect_vreg.gather [hbm4b:s1+s3], $0x80, v6, vm0, $0xb8;
	[tilespmem:$0x1A000] =	vst v63  }
0x1eb: {  	s6 =	simm.s32 $0x8800  }
0x1ec: {  	[tilespmem:s6], [sflag:$0x2] =	stream.indirect_vreg.gather [hbm4b:s1+s3], $0x80, v5, vm0, $0xb8;
	[tilespmem:$0x1A000] =	vst v63  }
0x1ed: {  	v5 =	vld [tilespmem:$0x19F0];
	_ =	sdelay $0x4  }
0x1ee: {  	v6 =	vshll.u32 v5, $0x1  }
0x1ef: {  	v5 =	vand.u32 $0x7, v5;
	v6 =	vand.u32 $0xFFFFFFF0, v6  }
0x1f0: {  	v5 =	vor.u32 v5, v6  }
0x1f1: {  	v6 =	vperm.xlane v5, v2;
	_ =	sdelay $0x1  }
0x1f2: {  	v5 =	vperm.xlane v5, v4;
	v6 =	vadd.s32 v3, v6;
	_ =	sdelay $0x1  }
0x1f3: {  	v5 =	vadd.s32 v3, v5;
	_ =	sdelay $0x1  }
0x1f4: {  	s10 =	simm.s32 $0x9000  }
0x1f5: {  	[tilespmem:s10], [sflag:$0x2] =	stream.indirect_vreg.gather [hbm4b:s1+s3], $0x80, v6, vm0, $0xb8;
	[tilespmem:$0x1A000] =	vst v63  }
0x1f6: {  	s7 =	simm.s32 $0x9800  }
0x1f7: {  	[tilespmem:s7], [sflag:$0x2] =	stream.indirect_vreg.gather [hbm4b:s1+s3], $0x80, v5, vm0, $0xb8;
	[tilespmem:$0x1A000] =	vst v63  }
0x1f8: {  	_ =	swait.ge [sflag:s22], $0x8000  }
0x1f9: {  	[sflag:s22] =	ssyncset.done $0x0  }
0x1fa: {  	s10 =	rddreg [dreg:$0x9];
	[sflag:s22] =	ssyncadd.s32 $0xFFFF8000  }
0x1fb: {  	[hbm4b:s10+s3] =	stream.linear.scatter [tilespmem:s30], [sflag:$0x3], $0x8000, $0x38;
	[tilespmem:$0x1A000] =	vst v63  }
0x1fc: {  	_ =	swait.ge [sflag:s18], $0x8000  }
0x1fd: {  	[sflag:s18] =	ssyncset.done $0x0  }
0x1fe: {  	[sflag:s18] =	ssyncadd.s32 $0xFFFF8000  }
0x1ff: {  	v5 =	vld [tilespmem:$0x1A00];
	_ =	sdelay $0x4  }
0x200: {  	v6 =	vshll.u32 v5, $0x1  }
0x201: {  	v5 =	vand.u32 $0x7, v5;
	v6 =	vand.u32 $0xFFFFFFF0, v6  }
0x202: {  	v5 =	vor.u32 v5, v6  }
0x203: {  	v6 =	vperm.xlane v5, v2;
	_ =	sdelay $0x1  }
0x204: {  	v5 =	vperm.xlane v5, v4;
	v6 =	vadd.s32 v3, v6;
	_ =	sdelay $0x1  }
0x205: {  	v5 =	vadd.s32 v3, v5;
	_ =	sdelay $0x2  }
0x206: {  	[tilespmem:s23], [sflag:$0x1] =	stream.indirect_vreg.gather [hbm4b:s1+s3], $0x80, v6, vm0, $0xb8;
	[tilespmem:$0x1A000] =	vst v63  }
0x207: {  	s26 =	simm.s32 $0xA800  }
0x208: {  	[tilespmem:s26], [sflag:$0x1] =	stream.indirect_vreg.gather [hbm4b:s1+s3], $0x80, v5, vm0, $0xb8;
	[tilespmem:$0x1A000] =	vst v63  }
0x209: {  	v5 =	vld [tilespmem:$0x1A10];
	_ =	sdelay $0x4  }
0x20a: {  	v6 =	vshll.u32 v5, $0x1  }
0x20b: {  	v5 =	vand.u32 $0x7, v5;
	v6 =	vand.u32 $0xFFFFFFF0, v6  }
0x20c: {  	v5 =	vor.u32 v5, v6  }
0x20d: {  	v6 =	vperm.xlane v5, v2;
	_ =	sdelay $0x1  }
0x20e: {  	v5 =	vperm.xlane v5, v4;
	v6 =	vadd.s32 v3, v6;
	_ =	sdelay $0x1  }
0x20f: {  	v5 =	vadd.s32 v3, v5;
	_ =	sdelay $0x1  }
0x210: {  	s26 =	simm.s32 $0xB000  }
0x211: {  	[tilespmem:s26], [sflag:$0x1] =	stream.indirect_vreg.gather [hbm4b:s1+s3], $0x80, v6, vm0, $0xb8;
	[tilespmem:$0x1A000] =	vst v63  }
0x212: {  	s28 =	simm.s32 $0xB800  }
0x213: {  	[tilespmem:s28], [sflag:$0x1] =	stream.indirect_vreg.gather [hbm4b:s1+s3], $0x80, v5, vm0, $0xb8;
	[tilespmem:$0x1A000] =	vst v63  }
0x214: {  	v5 =	vld [tilespmem:$0x1A20];
	_ =	sdelay $0x4  }
0x215: {  	v6 =	vshll.u32 v5, $0x1  }
0x216: {  	v5 =	vand.u32 $0x7, v5;
	v6 =	vand.u32 $0xFFFFFFF0, v6  }
0x217: {  	v5 =	vor.u32 v5, v6  }
0x218: {  	v6 =	vperm.xlane v5, v2;
	_ =	sdelay $0x1  }
0x219: {  	v5 =	vperm.xlane v5, v4;
	v6 =	vadd.s32 v3, v6;
	_ =	sdelay $0x1  }
0x21a: {  	v5 =	vadd.s32 v3, v5;
	_ =	sdelay $0x1  }
0x21b: {  	s28 =	simm.s32 $0xC000  }
0x21c: {  	[tilespmem:s28], [sflag:$0x1] =	stream.indirect_vreg.gather [hbm4b:s1+s3], $0x80, v6, vm0, $0xb8;
	[tilespmem:$0x1A000] =	vst v63  }
0x21d: {  	s31 =	simm.s32 $0xC800  }
0x21e: {  	[tilespmem:s31], [sflag:$0x1] =	stream.indirect_vreg.gather [hbm4b:s1+s3], $0x80, v5, vm0, $0xb8;
	[tilespmem:$0x1A000] =	vst v63  }
0x21f: {  	v5 =	vld [tilespmem:$0x1A30];
	_ =	sdelay $0x4  }
0x220: {  	v6 =	vshll.u32 v5, $0x1  }
0x221: {  	v5 =	vand.u32 $0x7, v5;
	v6 =	vand.u32 $0xFFFFFFF0, v6  }
0x222: {  	v5 =	vor.u32 v5, v6  }
0x223: {  	v6 =	vperm.xlane v5, v2;
	_ =	sdelay $0x1  }
0x224: {  	v5 =	vperm.xlane v5, v4;
	v6 =	vadd.s32 v3, v6;
	_ =	sdelay $0x1  }
0x225: {  	v5 =	vadd.s32 v3, v5;
	_ =	sdelay $0x1  }
0x226: {  	s10 =	simm.s32 $0xD000  }
0x227: {  	[tilespmem:s10], [sflag:$0x1] =	stream.indirect_vreg.gather [hbm4b:s1+s3], $0x80, v6, vm0, $0xb8;
	[tilespmem:$0x1A000] =	vst v63  }
0x228: {  	s26 =	simm.s32 $0xD800  }
0x229: {  	[tilespmem:s26], [sflag:$0x1] =	stream.indirect_vreg.gather [hbm4b:s1+s3], $0x80, v5, vm0, $0xb8;
	[tilespmem:$0x1A000] =	vst v63  }
0x22a: {  	v5 =	vld [tilespmem:$0x1A40];
	_ =	sdelay $0x4  }
0x22b: {  	v6 =	vshll.u32 v5, $0x1  }
0x22c: {  	v5 =	vand.u32 $0x7, v5;
	v6 =	vand.u32 $0xFFFFFFF0, v6  }
0x22d: {  	v5 =	vor.u32 v5, v6  }
0x22e: {  	v6 =	vperm.xlane v5, v2;
	_ =	sdelay $0x1  }
0x22f: {  	v5 =	vperm.xlane v5, v4;
	v6 =	vadd.s32 v3, v6;
	_ =	sdelay $0x1  }
0x230: {  	v5 =	vadd.s32 v3, v5;
	_ =	sdelay $0x1  }
0x231: {  	s28 =	simm.s32 $0xE000  }
0x232: {  	[tilespmem:s28], [sflag:$0x1] =	stream.indirect_vreg.gather [hbm4b:s1+s3], $0x80, v6, vm0, $0xb8;
	[tilespmem:$0x1A000] =	vst v63  }
0x233: {  	s31 =	simm.s32 $0xE800  }
0x234: {  	[tilespmem:s31], [sflag:$0x1] =	stream.indirect_vreg.gather [hbm4b:s1+s3], $0x80, v5, vm0, $0xb8;
	[tilespmem:$0x1A000] =	vst v63  }
0x235: {  	v5 =	vld [tilespmem:$0x1A50];
	_ =	sdelay $0x4  }
0x236: {  	v6 =	vshll.u32 v5, $0x1  }
0x237: {  	v5 =	vand.u32 $0x7, v5;
	v6 =	vand.u32 $0xFFFFFFF0, v6  }
0x238: {  	v5 =	vor.u32 v5, v6  }
0x239: {  	v6 =	vperm.xlane v5, v2;
	_ =	sdelay $0x1  }
0x23a: {  	v5 =	vperm.xlane v5, v4;
	v6 =	vadd.s32 v3, v6;
	_ =	sdelay $0x1  }
0x23b: {  	v5 =	vadd.s32 v3, v5;
	_ =	sdelay $0x1  }
0x23c: {  	s10 =	simm.s32 $0xF000  }
0x23d: {  	[tilespmem:s10], [sflag:$0x1] =	stream.indirect_vreg.gather [hbm4b:s1+s3], $0x80, v6, vm0, $0xb8;
	[tilespmem:$0x1A000] =	vst v63  }
0x23e: {  	s26 =	simm.s32 $0xF800  }
0x23f: {  	[tilespmem:s26], [sflag:$0x1] =	stream.indirect_vreg.gather [hbm4b:s1+s3], $0x80, v5, vm0, $0xb8;
	[tilespmem:$0x1A000] =	vst v63  }
0x240: {  	v5 =	vld [tilespmem:$0x1A60];
	_ =	sdelay $0x4  }
0x241: {  	v6 =	vshll.u32 v5, $0x1  }
0x242: {  	v5 =	vand.u32 $0x7, v5;
	v6 =	vand.u32 $0xFFFFFFF0, v6  }
0x243: {  	v5 =	vor.u32 v5, v6  }
0x244: {  	v6 =	vperm.xlane v5, v2;
	_ =	sdelay $0x1  }
0x245: {  	v5 =	vperm.xlane v5, v4;
	v6 =	vadd.s32 v3, v6;
	_ =	sdelay $0x1  }
0x246: {  	v5 =	vadd.s32 v3, v5;
	_ =	sdelay $0x1  }
0x247: {  	s28 =	simm.s32 $0x10000  }
0x248: {  	[tilespmem:s28], [sflag:$0x1] =	stream.indirect_vreg.gather [hbm4b:s1+s3], $0x80, v6, vm0, $0xb8;
	[tilespmem:$0x1A000] =	vst v63  }
0x249: {  	s31 =	simm.s32 $0x10800  }
0x24a: {  	[tilespmem:s31], [sflag:$0x1] =	stream.indirect_vreg.gather [hbm4b:s1+s3], $0x80, v5, vm0, $0xb8;
	[tilespmem:$0x1A000] =	vst v63  }
0x24b: {  	v5 =	vld [tilespmem:$0x1A70];
	_ =	sdelay $0x4  }
0x24c: {  	v6 =	vshll.u32 v5, $0x1  }
0x24d: {  	v5 =	vand.u32 $0x7, v5;
	v6 =	vand.u32 $0xFFFFFFF0, v6  }
0x24e: {  	v5 =	vor.u32 v5, v6  }
0x24f: {  	v6 =	vperm.xlane v5, v2;
	_ =	sdelay $0x1  }
0x250: {  	v5 =	vperm.xlane v5, v4;
	v6 =	vadd.s32 v3, v6;
	_ =	sdelay $0x1  }
0x251: {  	v5 =	vadd.s32 v3, v5;
	_ =	sdelay $0x1  }
0x252: {  	s10 =	simm.s32 $0x11000  }
0x253: {  	[tilespmem:s10], [sflag:$0x1] =	stream.indirect_vreg.gather [hbm4b:s1+s3], $0x80, v6, vm0, $0xb8;
	[tilespmem:$0x1A000] =	vst v63  }
0x254: {  	s26 =	simm.s32 $0x11800  }
0x255: {  	[tilespmem:s26], [sflag:$0x1] =	stream.indirect_vreg.gather [hbm4b:s1+s3], $0x80, v5, vm0, $0xb8;
	[tilespmem:$0x1A000] =	vst v63  }
0x256: {  	_ =	swait.ge [sflag:s16], $0x8000  }
0x257: {  	[sflag:s16] =	ssyncset.done $0x0  }
0x258: {  	s28 =	rddreg [dreg:$0xa];
	[sflag:s16] =	ssyncadd.s32 $0xFFFF8000  }
0x259: {  	[hbm4b:s28+s3] =	stream.linear.scatter [tilespmem:s2], [sflag:$0x4], $0x8000, $0x38;
	[tilespmem:$0x1A000] =	vst v63  }
0x25a: {  	_ =	swait.ge [sflag:s17], $0x8000  }
0x25b: {  	[sflag:s17] =	ssyncset.done $0x0  }
0x25c: {  	[sflag:s17] =	ssyncadd.s32 $0xFFFF8000  }
0x25d: {  	v5 =	vld [tilespmem:$0x1A80];
	_ =	sdelay $0x4  }
0x25e: {  	v6 =	vshll.u32 v5, $0x1  }
0x25f: {  	v5 =	vand.u32 $0x7, v5;
	v6 =	vand.u32 $0xFFFFFFF0, v6  }
0x260: {  	v5 =	vor.u32 v5, v6  }
0x261: {  	v6 =	vperm.xlane v5, v2;
	_ =	sdelay $0x1  }
0x262: {  	v5 =	vperm.xlane v5, v4;
	v6 =	vadd.s32 v3, v6;
	_ =	sdelay $0x1  }
0x263: {  	v5 =	vadd.s32 v3, v5;
	_ =	sdelay $0x2  }
0x264: {  	[tilespmem:s30], [sflag:$0x2] =	stream.indirect_vreg.gather [hbm4b:s1+s3], $0x80, v6, vm0, $0xb8;
	[tilespmem:$0x1A000] =	vst v63  }
0x265: {  	s31 =	simm.s32 $0x12800  }
0x266: {  	[tilespmem:s31], [sflag:$0x2] =	stream.indirect_vreg.gather [hbm4b:s1+s3], $0x80, v5, vm0, $0xb8;
	[tilespmem:$0x1A000] =	vst v63  }
0x267: {  	v5 =	vld [tilespmem:$0x1A90];
	_ =	sdelay $0x4  }
0x268: {  	v6 =	vshll.u32 v5, $0x1  }
0x269: {  	v5 =	vand.u32 $0x7, v5;
	v6 =	vand.u32 $0xFFFFFFF0, v6  }
0x26a: {  	v5 =	vor.u32 v5, v6  }
0x26b: {  	v6 =	vperm.xlane v5, v2;
	_ =	sdelay $0x1  }
0x26c: {  	v5 =	vperm.xlane v5, v4;
	v6 =	vadd.s32 v3, v6;
	_ =	sdelay $0x1  }
0x26d: {  	v5 =	vadd.s32 v3, v5;
	_ =	sdelay $0x1  }
0x26e: {  	s10 =	simm.s32 $0x13000  }
0x26f: {  	[tilespmem:s10], [sflag:$0x2] =	stream.indirect_vreg.gather [hbm4b:s1+s3], $0x80, v6, vm0, $0xb8;
	[tilespmem:$0x1A000] =	vst v63  }
0x270: {  	s26 =	simm.s32 $0x13800  }
0x271: {  	[tilespmem:s26], [sflag:$0x2] =	stream.indirect_vreg.gather [hbm4b:s1+s3], $0x80, v5, vm0, $0xb8;
	[tilespmem:$0x1A000] =	vst v63  }
0x272: {  	v5 =	vld [tilespmem:$0x1AA0];
	_ =	sdelay $0x4  }
0x273: {  	v6 =	vshll.u32 v5, $0x1  }
0x274: {  	v5 =	vand.u32 $0x7, v5;
	v6 =	vand.u32 $0xFFFFFFF0, v6  }
0x275: {  	v5 =	vor.u32 v5, v6  }
0x276: {  	v6 =	vperm.xlane v5, v2;
	_ =	sdelay $0x1  }
0x277: {  	v5 =	vperm.xlane v5, v4;
	v6 =	vadd.s32 v3, v6;
	_ =	sdelay $0x1  }
0x278: {  	v5 =	vadd.s32 v3, v5;
	_ =	sdelay $0x1  }
0x279: {  	s28 =	simm.s32 $0x14000  }
0x27a: {  	[tilespmem:s28], [sflag:$0x2] =	stream.indirect_vreg.gather [hbm4b:s1+s3], $0x80, v6, vm0, $0xb8;
	[tilespmem:$0x1A000] =	vst v63  }
0x27b: {  	s31 =	simm.s32 $0x14800  }
0x27c: {  	[tilespmem:s31], [sflag:$0x2] =	stream.indirect_vreg.gather [hbm4b:s1+s3], $0x80, v5, vm0, $0xb8;
	[tilespmem:$0x1A000] =	vst v63  }
0x27d: {  	v5 =	vld [tilespmem:$0x1AB0];
	_ =	sdelay $0x4  }
0x27e: {  	v6 =	vshll.u32 v5, $0x1  }
0x27f: {  	v5 =	vand.u32 $0x7, v5;
	v6 =	vand.u32 $0xFFFFFFF0, v6  }
0x280: {  	v5 =	vor.u32 v5, v6  }
0x281: {  	v6 =	vperm.xlane v5, v2;
	_ =	sdelay $0x1  }
0x282: {  	v5 =	vperm.xlane v5, v4;
	v6 =	vadd.s32 v3, v6;
	_ =	sdelay $0x1  }
0x283: {  	v5 =	vadd.s32 v3, v5;
	_ =	sdelay $0x1  }
0x284: {  	s28 =	simm.s32 $0x15000  }
0x285: {  	[tilespmem:s28], [sflag:$0x2] =	stream.indirect_vreg.gather [hbm4b:s1+s3], $0x80, v6, vm0, $0xb8;
	[tilespmem:$0x1A000] =	vst v63  }
0x286: {  	s31 =	simm.s32 $0x15800  }
0x287: {  	[tilespmem:s31], [sflag:$0x2] =	stream.indirect_vreg.gather [hbm4b:s1+s3], $0x80, v5, vm0, $0xb8;
	[tilespmem:$0x1A000] =	vst v63  }
0x288: {  	v5 =	vld [tilespmem:$0x1AC0];
	_ =	sdelay $0x4  }
0x289: {  	v6 =	vshll.u32 v5, $0x1  }
0x28a: {  	v5 =	vand.u32 $0x7, v5;
	v6 =	vand.u32 $0xFFFFFFF0, v6  }
0x28b: {  	v5 =	vor.u32 v5, v6  }
0x28c: {  	v6 =	vperm.xlane v5, v2;
	_ =	sdelay $0x1  }
0x28d: {  	v5 =	vperm.xlane v5, v4;
	v6 =	vadd.s32 v3, v6;
	_ =	sdelay $0x1  }
0x28e: {  	v5 =	vadd.s32 v3, v5;
	_ =	sdelay $0x1  }
0x28f: {  	s31 =	simm.s32 $0x16000  }
0x290: {  	[tilespmem:s31], [sflag:$0x2] =	stream.indirect_vreg.gather [hbm4b:s1+s3], $0x80, v6, vm0, $0xb8;
	[tilespmem:$0x1A000] =	vst v63  }
0x291: {  	s0 =	simm.s32 $0x16800  }
0x292: {  	[tilespmem:s0], [sflag:$0x2] =	stream.indirect_vreg.gather [hbm4b:s1+s3], $0x80, v5, vm0, $0xb8;
	[tilespmem:$0x1A000] =	vst v63  }
0x293: {  	v5 =	vld [tilespmem:$0x1AD0];
	_ =	sdelay $0x4  }
0x294: {  	v6 =	vshll.u32 v5, $0x1  }
0x295: {  	v5 =	vand.u32 $0x7, v5;
	v6 =	vand.u32 $0xFFFFFFF0, v6  }
0x296: {  	v5 =	vor.u32 v5, v6  }
0x297: {  	v6 =	vperm.xlane v5, v2;
	_ =	sdelay $0x1  }
0x298: {  	v5 =	vperm.xlane v5, v4;
	v6 =	vadd.s32 v3, v6;
	_ =	sdelay $0x1  }
0x299: {  	v5 =	vadd.s32 v3, v5;
	_ =	sdelay $0x1  }
0x29a: {  	s0 =	simm.s32 $0x17000  }
0x29b: {  	[tilespmem:s0], [sflag:$0x2] =	stream.indirect_vreg.gather [hbm4b:s1+s3], $0x80, v6, vm0, $0xb8;
	[tilespmem:$0x1A000] =	vst v63  }
0x29c: {  	s0 =	simm.s32 $0x17800  }
0x29d: {  	[tilespmem:s0], [sflag:$0x2] =	stream.indirect_vreg.gather [hbm4b:s1+s3], $0x80, v5, vm0, $0xb8;
	[tilespmem:$0x1A000] =	vst v63  }
0x29e: {  	v5 =	vld [tilespmem:$0x1AE0];
	_ =	sdelay $0x4  }
0x29f: {  	v6 =	vshll.u32 v5, $0x1  }
0x2a0: {  	v5 =	vand.u32 $0x7, v5;
	v6 =	vand.u32 $0xFFFFFFF0, v6  }
0x2a1: {  	v5 =	vor.u32 v5, v6  }
0x2a2: {  	v6 =	vperm.xlane v5, v2;
	_ =	sdelay $0x1  }
0x2a3: {  	v5 =	vperm.xlane v5, v4;
	v6 =	vadd.s32 v3, v6;
	_ =	sdelay $0x1  }
0x2a4: {  	v5 =	vadd.s32 v3, v5;
	_ =	sdelay $0x1  }
0x2a5: {  	s0 =	simm.s32 $0x18000  }
0x2a6: {  	[tilespmem:s0], [sflag:$0x2] =	stream.indirect_vreg.gather [hbm4b:s1+s3], $0x80, v6, vm0, $0xb8;
	[tilespmem:$0x1A000] =	vst v63  }
0x2a7: {  	s0 =	simm.s32 $0x18800  }
0x2a8: {  	[tilespmem:s0], [sflag:$0x2] =	stream.indirect_vreg.gather [hbm4b:s1+s3], $0x80, v5, vm0, $0xb8;
	[tilespmem:$0x1A000] =	vst v63  }
0x2a9: {  	v5 =	vld [tilespmem:$0x1AF0];
	_ =	sdelay $0x4  }
0x2aa: {  	v6 =	vshll.u32 v5, $0x1  }
0x2ab: {  	v5 =	vand.u32 $0x7, v5;
	v6 =	vand.u32 $0xFFFFFFF0, v6  }
0x2ac: {  	v5 =	vor.u32 v5, v6  }
0x2ad: {  	v6 =	vperm.xlane v5, v2;
	_ =	sdelay $0x1  }
0x2ae: {  	v5 =	vperm.xlane v5, v4;
	v6 =	vadd.s32 v3, v6;
	_ =	sdelay $0x1  }
0x2af: {  	v5 =	vadd.s32 v3, v5;
	_ =	sdelay $0x1  }
0x2b0: {  	s0 =	simm.s32 $0x19000  }
0x2b1: {  	[tilespmem:s0], [sflag:$0x2] =	stream.indirect_vreg.gather [hbm4b:s1+s3], $0x80, v6, vm0, $0xb8;
	[tilespmem:$0x1A000] =	vst v63  }
0x2b2: {  	s0 =	simm.s32 $0x19800  }
0x2b3: {  	[tilespmem:s0], [sflag:$0x2] =	stream.indirect_vreg.gather [hbm4b:s1+s3], $0x80, v5, vm0, $0xb8;
	[tilespmem:$0x1A000] =	vst v63  }
0x2b4: {  	_ =	swait.ge [sflag:s22], $0x8000  }
0x2b5: {  	[sflag:s22] =	ssyncset.done $0x0  }
0x2b6: {  	s0 =	rddreg [dreg:$0xb];
	[sflag:s22] =	ssyncadd.s32 $0xFFFF8000  }
0x2b7: {  	[hbm4b:s0+s3] =	stream.linear.scatter [tilespmem:s23], [sflag:$0x3], $0x8000, $0x38;
	[tilespmem:$0x1A000] =	vst v63  }
0x2b8: {  	_ =	swait.ge [sflag:s18], $0x8000  }
0x2b9: {  	[sflag:s18] =	ssyncset.done $0x0  }
0x2ba: {  	[sflag:s18] =	ssyncadd.s32 $0xFFFF8000  }
0x2bb: {  	v5 =	vld [tilespmem:$0x1B00];
	_ =	sdelay $0x4  }
0x2bc: {  	v6 =	vshll.u32 v5, $0x1  }
0x2bd: {  	v5 =	vand.u32 $0x7, v5;
	v6 =	vand.u32 $0xFFFFFFF0, v6  }
0x2be: {  	v5 =	vor.u32 v5, v6  }
0x2bf: {  	v6 =	vperm.xlane v5, v2;
	_ =	sdelay $0x1  }
0x2c0: {  	v5 =	vperm.xlane v5, v4;
	v6 =	vadd.s32 v3, v6;
	_ =	sdelay $0x1  }
0x2c1: {  	v5 =	vadd.s32 v3, v5;
	_ =	sdelay $0x2  }
0x2c2: {  	[tilespmem:s2], [sflag:$0x1] =	stream.indirect_vreg.gather [hbm4b:s1+s3], $0x80, v6, vm0, $0xb8;
	[tilespmem:$0x1A000] =	vst v63  }
0x2c3: {  	s0 =	simm.s32 $0x2800  }
0x2c4: {  	[tilespmem:s0], [sflag:$0x1] =	stream.indirect_vreg.gather [hbm4b:s1+s3], $0x80, v5, vm0, $0xb8;
	[tilespmem:$0x1A000] =	vst v63  }
0x2c5: {  	v5 =	vld [tilespmem:$0x1B10];
	_ =	sdelay $0x4  }
0x2c6: {  	v6 =	vshll.u32 v5, $0x1  }
0x2c7: {  	v5 =	vand.u32 $0x7, v5;
	v6 =	vand.u32 $0xFFFFFFF0, v6  }
0x2c8: {  	v5 =	vor.u32 v5, v6  }
0x2c9: {  	v6 =	vperm.xlane v5, v2;
	_ =	sdelay $0x1  }
0x2ca: {  	v5 =	vperm.xlane v5, v4;
	v6 =	vadd.s32 v3, v6;
	_ =	sdelay $0x1  }
0x2cb: {  	v5 =	vadd.s32 v3, v5;
	_ =	sdelay $0x1  }
0x2cc: {  	s15 =	simm.s32 $0x3000  }
0x2cd: {  	[tilespmem:s15], [sflag:$0x1] =	stream.indirect_vreg.gather [hbm4b:s1+s3], $0x80, v6, vm0, $0xb8;
	[tilespmem:$0x1A000] =	vst v63  }
0x2ce: {  	s20 =	simm.s32 $0x3800  }
0x2cf: {  	[tilespmem:s20], [sflag:$0x1] =	stream.indirect_vreg.gather [hbm4b:s1+s3], $0x80, v5, vm0, $0xb8;
	[tilespmem:$0x1A000] =	vst v63  }
0x2d0: {  	v5 =	vld [tilespmem:$0x1B20];
	_ =	sdelay $0x4  }
0x2d1: {  	v6 =	vshll.u32 v5, $0x1  }
0x2d2: {  	v5 =	vand.u32 $0x7, v5;
	v6 =	vand.u32 $0xFFFFFFF0, v6  }
0x2d3: {  	v5 =	vor.u32 v5, v6  }
0x2d4: {  	v6 =	vperm.xlane v5, v2;
	_ =	sdelay $0x1  }
0x2d5: {  	v5 =	vperm.xlane v5, v4;
	v6 =	vadd.s32 v3, v6;
	_ =	sdelay $0x1  }
0x2d6: {  	v5 =	vadd.s32 v3, v5;
	_ =	sdelay $0x1  }
0x2d7: {  	s11 =	simm.s32 $0x4000  }
0x2d8: {  	[tilespmem:s11], [sflag:$0x1] =	stream.indirect_vreg.gather [hbm4b:s1+s3], $0x80, v6, vm0, $0xb8;
	[tilespmem:$0x1A000] =	vst v63  }
0x2d9: {  	s21 =	simm.s32 $0x4800  }
0x2da: {  	[tilespmem:s21], [sflag:$0x1] =	stream.indirect_vreg.gather [hbm4b:s1+s3], $0x80, v5, vm0, $0xb8;
	[tilespmem:$0x1A000] =	vst v63  }
0x2db: {  	v5 =	vld [tilespmem:$0x1B30];
	_ =	sdelay $0x4  }
0x2dc: {  	v6 =	vshll.u32 v5, $0x1  }
0x2dd: {  	v5 =	vand.u32 $0x7, v5;
	v6 =	vand.u32 $0xFFFFFFF0, v6  }
0x2de: {  	v5 =	vor.u32 v5, v6  }
0x2df: {  	v6 =	vperm.xlane v5, v2;
	_ =	sdelay $0x1  }
0x2e0: {  	v5 =	vperm.xlane v5, v4;
	v6 =	vadd.s32 v3, v6;
	_ =	sdelay $0x1  }
0x2e1: {  	v5 =	vadd.s32 v3, v5;
	_ =	sdelay $0x1  }
0x2e2: {  	s12 =	simm.s32 $0x5000  }
0x2e3: {  	[tilespmem:s12], [sflag:$0x1] =	stream.indirect_vreg.gather [hbm4b:s1+s3], $0x80, v6, vm0, $0xb8;
	[tilespmem:$0x1A000] =	vst v63  }
0x2e4: {  	s24 =	simm.s32 $0x5800  }
0x2e5: {  	[tilespmem:s24], [sflag:$0x1] =	stream.indirect_vreg.gather [hbm4b:s1+s3], $0x80, v5, vm0, $0xb8;
	[tilespmem:$0x1A000] =	vst v63  }
0x2e6: {  	v5 =	vld [tilespmem:$0x1B40];
	_ =	sdelay $0x4  }
0x2e7: {  	v6 =	vshll.u32 v5, $0x1  }
0x2e8: {  	v5 =	vand.u32 $0x7, v5;
	v6 =	vand.u32 $0xFFFFFFF0, v6  }
0x2e9: {  	v5 =	vor.u32 v5, v6  }
0x2ea: {  	v6 =	vperm.xlane v5, v2;
	_ =	sdelay $0x1  }
0x2eb: {  	v5 =	vperm.xlane v5, v4;
	v6 =	vadd.s32 v3, v6;
	_ =	sdelay $0x1  }
0x2ec: {  	v5 =	vadd.s32 v3, v5;
	_ =	sdelay $0x1  }
0x2ed: {  	s13 =	simm.s32 $0x6000  }
0x2ee: {  	[tilespmem:s13], [sflag:$0x1] =	stream.indirect_vreg.gather [hbm4b:s1+s3], $0x80, v6, vm0, $0xb8;
	[tilespmem:$0x1A000] =	vst v63  }
0x2ef: {  	s14 =	simm.s32 $0x6800  }
0x2f0: {  	[tilespmem:s14], [sflag:$0x1] =	stream.indirect_vreg.gather [hbm4b:s1+s3], $0x80, v5, vm0, $0xb8;
	[tilespmem:$0x1A000] =	vst v63  }
0x2f1: {  	v5 =	vld [tilespmem:$0x1B50];
	_ =	sdelay $0x4  }
0x2f2: {  	v6 =	vshll.u32 v5, $0x1  }
0x2f3: {  	v5 =	vand.u32 $0x7, v5;
	v6 =	vand.u32 $0xFFFFFFF0, v6  }
0x2f4: {  	v5 =	vor.u32 v5, v6  }
0x2f5: {  	v6 =	vperm.xlane v5, v2;
	_ =	sdelay $0x1  }
0x2f6: {  	v5 =	vperm.xlane v5, v4;
	v6 =	vadd.s32 v3, v6;
	_ =	sdelay $0x1  }
0x2f7: {  	v5 =	vadd.s32 v3, v5;
	_ =	sdelay $0x1  }
0x2f8: {  	s8 =	simm.s32 $0x7000  }
0x2f9: {  	[tilespmem:s8], [sflag:$0x1] =	stream.indirect_vreg.gather [hbm4b:s1+s3], $0x80, v6, vm0, $0xb8;
	[tilespmem:$0x1A000] =	vst v63  }
0x2fa: {  	s25 =	simm.s32 $0x7800  }
0x2fb: {  	[tilespmem:s25], [sflag:$0x1] =	stream.indirect_vreg.gather [hbm4b:s1+s3], $0x80, v5, vm0, $0xb8;
	[tilespmem:$0x1A000] =	vst v63  }
0x2fc: {  	v5 =	vld [tilespmem:$0x1B60];
	_ =	sdelay $0x4  }
0x2fd: {  	v6 =	vshll.u32 v5, $0x1  }
0x2fe: {  	v5 =	vand.u32 $0x7, v5;
	v6 =	vand.u32 $0xFFFFFFF0, v6  }
0x2ff: {  	v5 =	vor.u32 v5, v6  }
0x300: {  	v6 =	vperm.xlane v5, v2;
	_ =	sdelay $0x1  }
0x301: {  	v5 =	vperm.xlane v5, v4;
	v6 =	vadd.s32 v3, v6;
	_ =	sdelay $0x1  }
0x302: {  	v5 =	vadd.s32 v3, v5;
	_ =	sdelay $0x1  }
0x303: {  	s5 =	simm.s32 $0x8000  }
0x304: {  	[tilespmem:s5], [sflag:$0x1] =	stream.indirect_vreg.gather [hbm4b:s1+s3], $0x80, v6, vm0, $0xb8;
	[tilespmem:$0x1A000] =	vst v63  }
0x305: {  	s9 =	simm.s32 $0x8800  }
0x306: {  	[tilespmem:s9], [sflag:$0x1] =	stream.indirect_vreg.gather [hbm4b:s1+s3], $0x80, v5, vm0, $0xb8;
	[tilespmem:$0x1A000] =	vst v63  }
0x307: {  	v5 =	vld [tilespmem:$0x1B70];
	_ =	sdelay $0x4  }
0x308: {  	v6 =	vshll.u32 v5, $0x1  }
0x309: {  	v5 =	vand.u32 $0x7, v5;
	v6 =	vand.u32 $0xFFFFFFF0, v6  }
0x30a: {  	v5 =	vor.u32 v5, v6  }
0x30b: {  	v6 =	vperm.xlane v5, v2;
	_ =	sdelay $0x1  }
0x30c: {  	v5 =	vperm.xlane v5, v4;
	v6 =	vadd.s32 v3, v6;
	_ =	sdelay $0x1  }
0x30d: {  	v5 =	vadd.s32 v3, v5;
	_ =	sdelay $0x1  }
0x30e: {  	s6 =	simm.s32 $0x9000  }
0x30f: {  	[tilespmem:s6], [sflag:$0x1] =	stream.indirect_vreg.gather [hbm4b:s1+s3], $0x80, v6, vm0, $0xb8;
	[tilespmem:$0x1A000] =	vst v63  }
0x310: {  	s7 =	simm.s32 $0x9800  }
0x311: {  	[tilespmem:s7], [sflag:$0x1] =	stream.indirect_vreg.gather [hbm4b:s1+s3], $0x80, v5, vm0, $0xb8;
	[tilespmem:$0x1A000] =	vst v63  }
0x312: {  	_ =	swait.ge [sflag:s16], $0x8000  }
0x313: {  	[sflag:s16] =	ssyncset.done $0x0  }
0x314: {  	s0 =	rddreg [dreg:$0xc];
	[sflag:s16] =	ssyncadd.s32 $0xFFFF8000  }
0x315: {  	[hbm4b:s0+s3] =	stream.linear.scatter [tilespmem:s30], [sflag:$0x4], $0x8000, $0x38;
	[tilespmem:$0x1A000] =	vst v63  }
0x316: {  	_ =	swait.ge [sflag:s17], $0x8000  }
0x317: {  	[sflag:s17] =	ssyncset.done $0x0  }
0x318: {  	[sflag:s17] =	ssyncadd.s32 $0xFFFF8000  }
0x319: {  	v5 =	vld [tilespmem:$0x1B80];
	_ =	sdelay $0x4  }
0x31a: {  	v6 =	vshll.u32 v5, $0x1  }
0x31b: {  	v5 =	vand.u32 $0x7, v5;
	v6 =	vand.u32 $0xFFFFFFF0, v6  }
0x31c: {  	v5 =	vor.u32 v5, v6  }
0x31d: {  	v6 =	vperm.xlane v5, v2;
	_ =	sdelay $0x1  }
0x31e: {  	v5 =	vperm.xlane v5, v4;
	v6 =	vadd.s32 v3, v6;
	_ =	sdelay $0x1  }
0x31f: {  	v5 =	vadd.s32 v3, v5;
	_ =	sdelay $0x2  }
0x320: {  	[tilespmem:s23], [sflag:$0x2] =	stream.indirect_vreg.gather [hbm4b:s1+s3], $0x80, v6, vm0, $0xb8;
	[tilespmem:$0x1A000] =	vst v63  }
0x321: {  	s0 =	simm.s32 $0xA800  }
0x322: {  	[tilespmem:s0], [sflag:$0x2] =	stream.indirect_vreg.gather [hbm4b:s1+s3], $0x80, v5, vm0, $0xb8;
	[tilespmem:$0x1A000] =	vst v63  }
0x323: {  	v5 =	vld [tilespmem:$0x1B90];
	_ =	sdelay $0x4  }
0x324: {  	v6 =	vshll.u32 v5, $0x1  }
0x325: {  	v5 =	vand.u32 $0x7, v5;
	v6 =	vand.u32 $0xFFFFFFF0, v6  }
0x326: {  	v5 =	vor.u32 v5, v6  }
0x327: {  	v6 =	vperm.xlane v5, v2;
	_ =	sdelay $0x1  }
0x328: {  	v5 =	vperm.xlane v5, v4;
	v6 =	vadd.s32 v3, v6;
	_ =	sdelay $0x1  }
0x329: {  	v5 =	vadd.s32 v3, v5;
	_ =	sdelay $0x1  }
0x32a: {  	s0 =	simm.s32 $0xB000  }
0x32b: {  	[tilespmem:s0], [sflag:$0x2] =	stream.indirect_vreg.gather [hbm4b:s1+s3], $0x80, v6, vm0, $0xb8;
	[tilespmem:$0x1A000] =	vst v63  }
0x32c: {  	s0 =	simm.s32 $0xB800  }
0x32d: {  	[tilespmem:s0], [sflag:$0x2] =	stream.indirect_vreg.gather [hbm4b:s1+s3], $0x80, v5, vm0, $0xb8;
	[tilespmem:$0x1A000] =	vst v63  }
0x32e: {  	v5 =	vld [tilespmem:$0x1BA0];
	_ =	sdelay $0x4  }
0x32f: {  	v6 =	vshll.u32 v5, $0x1  }
0x330: {  	v5 =	vand.u32 $0x7, v5;
	v6 =	vand.u32 $0xFFFFFFF0, v6  }
0x331: {  	v5 =	vor.u32 v5, v6  }
0x332: {  	v6 =	vperm.xlane v5, v2;
	_ =	sdelay $0x1  }
0x333: {  	v5 =	vperm.xlane v5, v4;
	v6 =	vadd.s32 v3, v6;
	_ =	sdelay $0x1  }
0x334: {  	v5 =	vadd.s32 v3, v5;
	_ =	sdelay $0x1  }
0x335: {  	s0 =	simm.s32 $0xC000  }
0x336: {  	[tilespmem:s0], [sflag:$0x2] =	stream.indirect_vreg.gather [hbm4b:s1+s3], $0x80, v6, vm0, $0xb8;
	[tilespmem:$0x1A000] =	vst v63  }
0x337: {  	s0 =	simm.s32 $0xC800  }
0x338: {  	[tilespmem:s0], [sflag:$0x2] =	stream.indirect_vreg.gather [hbm4b:s1+s3], $0x80, v5, vm0, $0xb8;
	[tilespmem:$0x1A000] =	vst v63  }
0x339: {  	v5 =	vld [tilespmem:$0x1BB0];
	_ =	sdelay $0x4  }
0x33a: {  	v6 =	vshll.u32 v5, $0x1  }
0x33b: {  	v5 =	vand.u32 $0x7, v5;
	v6 =	vand.u32 $0xFFFFFFF0, v6  }
0x33c: {  	v5 =	vor.u32 v5, v6  }
0x33d: {  	v6 =	vperm.xlane v5, v2;
	_ =	sdelay $0x1  }
0x33e: {  	v5 =	vperm.xlane v5, v4;
	v6 =	vadd.s32 v3, v6;
	_ =	sdelay $0x1  }
0x33f: {  	v5 =	vadd.s32 v3, v5;
	_ =	sdelay $0x1  }
0x340: {  	s0 =	simm.s32 $0xD000  }
0x341: {  	[tilespmem:s0], [sflag:$0x2] =	stream.indirect_vreg.gather [hbm4b:s1+s3], $0x80, v6, vm0, $0xb8;
	[tilespmem:$0x1A000] =	vst v63  }
0x342: {  	s0 =	simm.s32 $0xD800  }
0x343: {  	[tilespmem:s0], [sflag:$0x2] =	stream.indirect_vreg.gather [hbm4b:s1+s3], $0x80, v5, vm0, $0xb8;
	[tilespmem:$0x1A000] =	vst v63  }
0x344: {  	v5 =	vld [tilespmem:$0x1BC0];
	_ =	sdelay $0x4  }
0x345: {  	v6 =	vshll.u32 v5, $0x1  }
0x346: {  	v5 =	vand.u32 $0x7, v5;
	v6 =	vand.u32 $0xFFFFFFF0, v6  }
0x347: {  	v5 =	vor.u32 v5, v6  }
0x348: {  	v6 =	vperm.xlane v5, v2;
	_ =	sdelay $0x1  }
0x349: {  	v5 =	vperm.xlane v5, v4;
	v6 =	vadd.s32 v3, v6;
	_ =	sdelay $0x1  }
0x34a: {  	v5 =	vadd.s32 v3, v5;
	_ =	sdelay $0x1  }
0x34b: {  	s0 =	simm.s32 $0xE000  }
0x34c: {  	[tilespmem:s0], [sflag:$0x2] =	stream.indirect_vreg.gather [hbm4b:s1+s3], $0x80, v6, vm0, $0xb8;
	[tilespmem:$0x1A000] =	vst v63  }
0x34d: {  	s0 =	simm.s32 $0xE800  }
0x34e: {  	[tilespmem:s0], [sflag:$0x2] =	stream.indirect_vreg.gather [hbm4b:s1+s3], $0x80, v5, vm0, $0xb8;
	[tilespmem:$0x1A000] =	vst v63  }
0x34f: {  	v5 =	vld [tilespmem:$0x1BD0];
	_ =	sdelay $0x4  }
0x350: {  	v6 =	vshll.u32 v5, $0x1  }
0x351: {  	v5 =	vand.u32 $0x7, v5;
	v6 =	vand.u32 $0xFFFFFFF0, v6  }
0x352: {  	v5 =	vor.u32 v5, v6  }
0x353: {  	v6 =	vperm.xlane v5, v2;
	_ =	sdelay $0x1  }
0x354: {  	v5 =	vperm.xlane v5, v4;
	v6 =	vadd.s32 v3, v6;
	_ =	sdelay $0x1  }
0x355: {  	v5 =	vadd.s32 v3, v5;
	_ =	sdelay $0x1  }
0x356: {  	s0 =	simm.s32 $0xF000  }
0x357: {  	[tilespmem:s0], [sflag:$0x2] =	stream.indirect_vreg.gather [hbm4b:s1+s3], $0x80, v6, vm0, $0xb8;
	[tilespmem:$0x1A000] =	vst v63  }
0x358: {  	s0 =	simm.s32 $0xF800  }
0x359: {  	[tilespmem:s0], [sflag:$0x2] =	stream.indirect_vreg.gather [hbm4b:s1+s3], $0x80, v5, vm0, $0xb8;
	[tilespmem:$0x1A000] =	vst v63  }
0x35a: {  	v5 =	vld [tilespmem:$0x1BE0];
	_ =	sdelay $0x4  }
0x35b: {  	v6 =	vshll.u32 v5, $0x1  }
0x35c: {  	v5 =	vand.u32 $0x7, v5;
	v6 =	vand.u32 $0xFFFFFFF0, v6  }
0x35d: {  	v5 =	vor.u32 v5, v6  }
0x35e: {  	v6 =	vperm.xlane v5, v2;
	_ =	sdelay $0x1  }
0x35f: {  	v5 =	vperm.xlane v5, v4;
	v6 =	vadd.s32 v3, v6;
	_ =	sdelay $0x1  }
0x360: {  	v5 =	vadd.s32 v3, v5;
	_ =	sdelay $0x1  }
0x361: {  	s0 =	simm.s32 $0x10000  }
0x362: {  	[tilespmem:s0], [sflag:$0x2] =	stream.indirect_vreg.gather [hbm4b:s1+s3], $0x80, v6, vm0, $0xb8;
	[tilespmem:$0x1A000] =	vst v63  }
0x363: {  	s0 =	simm.s32 $0x10800  }
0x364: {  	[tilespmem:s0], [sflag:$0x2] =	stream.indirect_vreg.gather [hbm4b:s1+s3], $0x80, v5, vm0, $0xb8;
	[tilespmem:$0x1A000] =	vst v63  }
0x365: {  	v5 =	vld [tilespmem:$0x1BF0];
	_ =	sdelay $0x4  }
0x366: {  	v6 =	vshll.u32 v5, $0x1  }
0x367: {  	v5 =	vand.u32 $0x7, v5;
	v6 =	vand.u32 $0xFFFFFFF0, v6  }
0x368: {  	v5 =	vor.u32 v5, v6  }
0x369: {  	v6 =	vperm.xlane v5, v2;
	_ =	sdelay $0x1  }
0x36a: {  	v5 =	vperm.xlane v5, v4;
	v6 =	vadd.s32 v3, v6;
	_ =	sdelay $0x1  }
0x36b: {  	v5 =	vadd.s32 v3, v5;
	_ =	sdelay $0x1  }
0x36c: {  	s0 =	simm.s32 $0x11000  }
0x36d: {  	[tilespmem:s0], [sflag:$0x2] =	stream.indirect_vreg.gather [hbm4b:s1+s3], $0x80, v6, vm0, $0xb8;
	[tilespmem:$0x1A000] =	vst v63  }
0x36e: {  	s0 =	simm.s32 $0x11800  }
0x36f: {  	[tilespmem:s0], [sflag:$0x2] =	stream.indirect_vreg.gather [hbm4b:s1+s3], $0x80, v5, vm0, $0xb8;
	[tilespmem:$0x1A000] =	vst v63  }
0x370: {  	_ =	swait.ge [sflag:s22], $0x8000  }
0x371: {  	[sflag:s22] =	ssyncset.done $0x0  }
0x372: {  	s0 =	rddreg [dreg:$0xd];
	[sflag:s22] =	ssyncadd.s32 $0xFFFF8000  }
0x373: {  	[hbm4b:s0+s3] =	stream.linear.scatter [tilespmem:s2], [sflag:$0x3], $0x8000, $0x38;
	[tilespmem:$0x1A000] =	vst v63  }
0x374: {  	_ =	swait.ge [sflag:s18], $0x8000  }
0x375: {  	[sflag:s18] =	ssyncset.done $0x0  }
0x376: {  	[sflag:s18] =	ssyncadd.s32 $0xFFFF8000  }
0x377: {  	v5 =	vld [tilespmem:$0x1C00];
	_ =	sdelay $0x4  }
0x378: {  	v6 =	vshll.u32 v5, $0x1  }
0x379: {  	v5 =	vand.u32 $0x7, v5;
	v6 =	vand.u32 $0xFFFFFFF0, v6  }
0x37a: {  	v5 =	vor.u32 v5, v6  }
0x37b: {  	v6 =	vperm.xlane v5, v2;
	_ =	sdelay $0x1  }
0x37c: {  	v5 =	vperm.xlane v5, v4;
	v6 =	vadd.s32 v3, v6;
	_ =	sdelay $0x1  }
0x37d: {  	v5 =	vadd.s32 v3, v5;
	_ =	sdelay $0x2  }
0x37e: {  	[tilespmem:s30], [sflag:$0x1] =	stream.indirect_vreg.gather [hbm4b:s1+s3], $0x80, v6, vm0, $0xb8;
	[tilespmem:$0x1A000] =	vst v63  }
0x37f: {  	s0 =	simm.s32 $0x12800  }
0x380: {  	[tilespmem:s0], [sflag:$0x1] =	stream.indirect_vreg.gather [hbm4b:s1+s3], $0x80, v5, vm0, $0xb8;
	[tilespmem:$0x1A000] =	vst v63  }
0x381: {  	v5 =	vld [tilespmem:$0x1C10];
	_ =	sdelay $0x4  }
0x382: {  	v6 =	vshll.u32 v5, $0x1  }
0x383: {  	v5 =	vand.u32 $0x7, v5;
	v6 =	vand.u32 $0xFFFFFFF0, v6  }
0x384: {  	v5 =	vor.u32 v5, v6  }
0x385: {  	v6 =	vperm.xlane v5, v2;
	_ =	sdelay $0x1  }
0x386: {  	v5 =	vperm.xlane v5, v4;
	v6 =	vadd.s32 v3, v6;
	_ =	sdelay $0x1  }
0x387: {  	v5 =	vadd.s32 v3, v5;
	_ =	sdelay $0x1  }
0x388: {  	s10 =	simm.s32 $0x13000  }
0x389: {  	[tilespmem:s10], [sflag:$0x1] =	stream.indirect_vreg.gather [hbm4b:s1+s3], $0x80, v6, vm0, $0xb8;
	[tilespmem:$0x1A000] =	vst v63  }
0x38a: {  	s0 =	simm.s32 $0x13800  }
0x38b: {  	[tilespmem:s0], [sflag:$0x1] =	stream.indirect_vreg.gather [hbm4b:s1+s3], $0x80, v5, vm0, $0xb8;
	[tilespmem:$0x1A000] =	vst v63  }
0x38c: {  	v5 =	vld [tilespmem:$0x1C20];
	_ =	sdelay $0x4  }
0x38d: {  	v6 =	vshll.u32 v5, $0x1  }
0x38e: {  	v5 =	vand.u32 $0x7, v5;
	v6 =	vand.u32 $0xFFFFFFF0, v6  }
0x38f: {  	v5 =	vor.u32 v5, v6  }
0x390: {  	v6 =	vperm.xlane v5, v2;
	_ =	sdelay $0x1  }
0x391: {  	v5 =	vperm.xlane v5, v4;
	v6 =	vadd.s32 v3, v6;
	_ =	sdelay $0x1  }
0x392: {  	v5 =	vadd.s32 v3, v5;
	_ =	sdelay $0x1  }
0x393: {  	s26 =	simm.s32 $0x14000  }
0x394: {  	[tilespmem:s26], [sflag:$0x1] =	stream.indirect_vreg.gather [hbm4b:s1+s3], $0x80, v6, vm0, $0xb8;
	[tilespmem:$0x1A000] =	vst v63  }
0x395: {  	s0 =	simm.s32 $0x14800  }
0x396: {  	[tilespmem:s0], [sflag:$0x1] =	stream.indirect_vreg.gather [hbm4b:s1+s3], $0x80, v5, vm0, $0xb8;
	[tilespmem:$0x1A000] =	vst v63  }
0x397: {  	v5 =	vld [tilespmem:$0x1C30];
	_ =	sdelay $0x4  }
0x398: {  	v6 =	vshll.u32 v5, $0x1  }
0x399: {  	v5 =	vand.u32 $0x7, v5;
	v6 =	vand.u32 $0xFFFFFFF0, v6  }
0x39a: {  	v5 =	vor.u32 v5, v6  }
0x39b: {  	v6 =	vperm.xlane v5, v2;
	_ =	sdelay $0x1  }
0x39c: {  	v5 =	vperm.xlane v5, v4;
	v6 =	vadd.s32 v3, v6;
	_ =	sdelay $0x1  }
0x39d: {  	v5 =	vadd.s32 v3, v5;
	_ =	sdelay $0x1  }
0x39e: {  	s28 =	simm.s32 $0x15000  }
0x39f: {  	[tilespmem:s28], [sflag:$0x1] =	stream.indirect_vreg.gather [hbm4b:s1+s3], $0x80, v6, vm0, $0xb8;
	[tilespmem:$0x1A000] =	vst v63  }
0x3a0: {  	s0 =	simm.s32 $0x15800  }
0x3a1: {  	[tilespmem:s0], [sflag:$0x1] =	stream.indirect_vreg.gather [hbm4b:s1+s3], $0x80, v5, vm0, $0xb8;
	[tilespmem:$0x1A000] =	vst v63  }
0x3a2: {  	v5 =	vld [tilespmem:$0x1C40];
	_ =	sdelay $0x4  }
0x3a3: {  	v6 =	vshll.u32 v5, $0x1  }
0x3a4: {  	v5 =	vand.u32 $0x7, v5;
	v6 =	vand.u32 $0xFFFFFFF0, v6  }
0x3a5: {  	v5 =	vor.u32 v5, v6  }
0x3a6: {  	v6 =	vperm.xlane v5, v2;
	_ =	sdelay $0x1  }
0x3a7: {  	v5 =	vperm.xlane v5, v4;
	v6 =	vadd.s32 v3, v6;
	_ =	sdelay $0x1  }
0x3a8: {  	v5 =	vadd.s32 v3, v5;
	_ =	sdelay $0x1  }
0x3a9: {  	s31 =	simm.s32 $0x16000  }
0x3aa: {  	[tilespmem:s31], [sflag:$0x1] =	stream.indirect_vreg.gather [hbm4b:s1+s3], $0x80, v6, vm0, $0xb8;
	[tilespmem:$0x1A000] =	vst v63  }
0x3ab: {  	s0 =	simm.s32 $0x16800  }
0x3ac: {  	[tilespmem:s0], [sflag:$0x1] =	stream.indirect_vreg.gather [hbm4b:s1+s3], $0x80, v5, vm0, $0xb8;
	[tilespmem:$0x1A000] =	vst v63  }
0x3ad: {  	v5 =	vld [tilespmem:$0x1C50];
	_ =	sdelay $0x4  }
0x3ae: {  	v6 =	vshll.u32 v5, $0x1  }
0x3af: {  	v5 =	vand.u32 $0x7, v5;
	v6 =	vand.u32 $0xFFFFFFF0, v6  }
0x3b0: {  	v5 =	vor.u32 v5, v6  }
0x3b1: {  	v6 =	vperm.xlane v5, v2;
	_ =	sdelay $0x1  }
0x3b2: {  	v5 =	vperm.xlane v5, v4;
	v6 =	vadd.s32 v3, v6;
	_ =	sdelay $0x1  }
0x3b3: {  	v5 =	vadd.s32 v3, v5;
	_ =	sdelay $0x1  }
0x3b4: {  	s0 =	simm.s32 $0x17000  }
0x3b5: {  	[tilespmem:s0], [sflag:$0x1] =	stream.indirect_vreg.gather [hbm4b:s1+s3], $0x80, v6, vm0, $0xb8;
	[tilespmem:$0x1A000] =	vst v63  }
0x3b6: {  	s0 =	simm.s32 $0x17800  }
0x3b7: {  	[tilespmem:s0], [sflag:$0x1] =	stream.indirect_vreg.gather [hbm4b:s1+s3], $0x80, v5, vm0, $0xb8;
	[tilespmem:$0x1A000] =	vst v63  }
0x3b8: {  	v5 =	vld [tilespmem:$0x1C60];
	_ =	sdelay $0x4  }
0x3b9: {  	v6 =	vshll.u32 v5, $0x1  }
0x3ba: {  	v5 =	vand.u32 $0x7, v5;
	v6 =	vand.u32 $0xFFFFFFF0, v6  }
0x3bb: {  	v5 =	vor.u32 v5, v6  }
0x3bc: {  	v6 =	vperm.xlane v5, v2;
	_ =	sdelay $0x1  }
0x3bd: {  	v5 =	vperm.xlane v5, v4;
	v6 =	vadd.s32 v3, v6;
	_ =	sdelay $0x1  }
0x3be: {  	v5 =	vadd.s32 v3, v5;
	_ =	sdelay $0x1  }
0x3bf: {  	s0 =	simm.s32 $0x18000  }
0x3c0: {  	[tilespmem:s0], [sflag:$0x1] =	stream.indirect_vreg.gather [hbm4b:s1+s3], $0x80, v6, vm0, $0xb8;
	[tilespmem:$0x1A000] =	vst v63  }
0x3c1: {  	s0 =	simm.s32 $0x18800  }
0x3c2: {  	[tilespmem:s0], [sflag:$0x1] =	stream.indirect_vreg.gather [hbm4b:s1+s3], $0x80, v5, vm0, $0xb8;
	[tilespmem:$0x1A000] =	vst v63  }
0x3c3: {  	v5 =	vld [tilespmem:$0x1C70];
	_ =	sdelay $0x4  }
0x3c4: {  	v6 =	vshll.u32 v5, $0x1  }
0x3c5: {  	v5 =	vand.u32 $0x7, v5;
	v6 =	vand.u32 $0xFFFFFFF0, v6  }
0x3c6: {  	v5 =	vor.u32 v5, v6  }
0x3c7: {  	v6 =	vperm.xlane v5, v2;
	_ =	sdelay $0x1  }
0x3c8: {  	v5 =	vperm.xlane v5, v4;
	v6 =	vadd.s32 v3, v6;
	_ =	sdelay $0x1  }
0x3c9: {  	v5 =	vadd.s32 v3, v5;
	_ =	sdelay $0x1  }
0x3ca: {  	s0 =	simm.s32 $0x19000  }
0x3cb: {  	[tilespmem:s0], [sflag:$0x1] =	stream.indirect_vreg.gather [hbm4b:s1+s3], $0x80, v6, vm0, $0xb8;
	[tilespmem:$0x1A000] =	vst v63  }
0x3cc: {  	s0 =	simm.s32 $0x19800  }
0x3cd: {  	[tilespmem:s0], [sflag:$0x1] =	stream.indirect_vreg.gather [hbm4b:s1+s3], $0x80, v5, vm0, $0xb8;
	[tilespmem:$0x1A000] =	vst v63  }
0x3ce: {  	_ =	swait.ge [sflag:s16], $0x8000  }
0x3cf: {  	[sflag:s16] =	ssyncset.done $0x0  }
0x3d0: {  	s0 =	rddreg [dreg:$0xe];
	[sflag:s16] =	ssyncadd.s32 $0xFFFF8000  }
0x3d1: {  	[hbm4b:s0+s3] =	stream.linear.scatter [tilespmem:s23], [sflag:$0x4], $0x8000, $0x38;
	[tilespmem:$0x1A000] =	vst v63  }
0x3d2: {  	_ =	swait.ge [sflag:s17], $0x8000  }
0x3d3: {  	[sflag:s17] =	ssyncset.done $0x0  }
0x3d4: {  	[sflag:s17] =	ssyncadd.s32 $0xFFFF8000  }
0x3d5: {  	v5 =	vld [tilespmem:$0x1C80];
	_ =	sdelay $0x4  }
0x3d6: {  	v6 =	vshll.u32 v5, $0x1  }
0x3d7: {  	v5 =	vand.u32 $0x7, v5;
	v6 =	vand.u32 $0xFFFFFFF0, v6  }
0x3d8: {  	v5 =	vor.u32 v5, v6  }
0x3d9: {  	v6 =	vperm.xlane v5, v2;
	_ =	sdelay $0x1  }
0x3da: {  	v5 =	vperm.xlane v5, v4;
	v6 =	vadd.s32 v3, v6;
	_ =	sdelay $0x1  }
0x3db: {  	v5 =	vadd.s32 v3, v5;
	_ =	sdelay $0x2  }
0x3dc: {  	[tilespmem:s2], [sflag:$0x2] =	stream.indirect_vreg.gather [hbm4b:s1+s3], $0x80, v6, vm0, $0xb8;
	[tilespmem:$0x1A000] =	vst v63  }
0x3dd: {  	s0 =	simm.s32 $0x2800  }
0x3de: {  	[tilespmem:s0], [sflag:$0x2] =	stream.indirect_vreg.gather [hbm4b:s1+s3], $0x80, v5, vm0, $0xb8;
	[tilespmem:$0x1A000] =	vst v63  }
0x3df: {  	v5 =	vld [tilespmem:$0x1C90];
	_ =	sdelay $0x4  }
0x3e0: {  	v6 =	vshll.u32 v5, $0x1  }
0x3e1: {  	v5 =	vand.u32 $0x7, v5;
	v6 =	vand.u32 $0xFFFFFFF0, v6  }
0x3e2: {  	v5 =	vor.u32 v5, v6  }
0x3e3: {  	v6 =	vperm.xlane v5, v2;
	_ =	sdelay $0x1  }
0x3e4: {  	v5 =	vperm.xlane v5, v4;
	v6 =	vadd.s32 v3, v6;
	_ =	sdelay $0x1  }
0x3e5: {  	v5 =	vadd.s32 v3, v5;
	_ =	sdelay $0x1  }
0x3e6: {  	s15 =	simm.s32 $0x3000  }
0x3e7: {  	[tilespmem:s15], [sflag:$0x2] =	stream.indirect_vreg.gather [hbm4b:s1+s3], $0x80, v6, vm0, $0xb8;
	[tilespmem:$0x1A000] =	vst v63  }
0x3e8: {  	s20 =	simm.s32 $0x3800  }
0x3e9: {  	[tilespmem:s20], [sflag:$0x2] =	stream.indirect_vreg.gather [hbm4b:s1+s3], $0x80, v5, vm0, $0xb8;
	[tilespmem:$0x1A000] =	vst v63  }
0x3ea: {  	v5 =	vld [tilespmem:$0x1CA0];
	_ =	sdelay $0x4  }
0x3eb: {  	v6 =	vshll.u32 v5, $0x1  }
0x3ec: {  	v5 =	vand.u32 $0x7, v5;
	v6 =	vand.u32 $0xFFFFFFF0, v6  }
0x3ed: {  	v5 =	vor.u32 v5, v6  }
0x3ee: {  	v6 =	vperm.xlane v5, v2;
	_ =	sdelay $0x1  }
0x3ef: {  	v5 =	vperm.xlane v5, v4;
	v6 =	vadd.s32 v3, v6;
	_ =	sdelay $0x1  }
0x3f0: {  	v5 =	vadd.s32 v3, v5;
	_ =	sdelay $0x1  }
0x3f1: {  	s11 =	simm.s32 $0x4000  }
0x3f2: {  	[tilespmem:s11], [sflag:$0x2] =	stream.indirect_vreg.gather [hbm4b:s1+s3], $0x80, v6, vm0, $0xb8;
	[tilespmem:$0x1A000] =	vst v63  }
0x3f3: {  	s21 =	simm.s32 $0x4800  }
0x3f4: {  	[tilespmem:s21], [sflag:$0x2] =	stream.indirect_vreg.gather [hbm4b:s1+s3], $0x80, v5, vm0, $0xb8;
	[tilespmem:$0x1A000] =	vst v63  }
0x3f5: {  	v5 =	vld [tilespmem:$0x1CB0];
	_ =	sdelay $0x4  }
0x3f6: {  	v6 =	vshll.u32 v5, $0x1  }
0x3f7: {  	v5 =	vand.u32 $0x7, v5;
	v6 =	vand.u32 $0xFFFFFFF0, v6  }
0x3f8: {  	v5 =	vor.u32 v5, v6  }
0x3f9: {  	v6 =	vperm.xlane v5, v2;
	_ =	sdelay $0x1  }
0x3fa: {  	v5 =	vperm.xlane v5, v4;
	v6 =	vadd.s32 v3, v6;
	_ =	sdelay $0x1  }
0x3fb: {  	v5 =	vadd.s32 v3, v5;
	_ =	sdelay $0x1  }
0x3fc: {  	s12 =	simm.s32 $0x5000  }
0x3fd: {  	[tilespmem:s12], [sflag:$0x2] =	stream.indirect_vreg.gather [hbm4b:s1+s3], $0x80, v6, vm0, $0xb8;
	[tilespmem:$0x1A000] =	vst v63  }
0x3fe: {  	s24 =	simm.s32 $0x5800  }
0x3ff: {  	[tilespmem:s24], [sflag:$0x2] =	stream.indirect_vreg.gather [hbm4b:s1+s3], $0x80, v5, vm0, $0xb8;
	[tilespmem:$0x1A000] =	vst v63  }
0x400: {  	v5 =	vld [tilespmem:$0x1CC0];
	_ =	sdelay $0x4  }
0x401: {  	v6 =	vshll.u32 v5, $0x1  }
0x402: {  	v5 =	vand.u32 $0x7, v5;
	v6 =	vand.u32 $0xFFFFFFF0, v6  }
0x403: {  	v5 =	vor.u32 v5, v6  }
0x404: {  	v6 =	vperm.xlane v5, v2;
	_ =	sdelay $0x1  }
0x405: {  	v5 =	vperm.xlane v5, v4;
	v6 =	vadd.s32 v3, v6;
	_ =	sdelay $0x1  }
0x406: {  	v5 =	vadd.s32 v3, v5;
	_ =	sdelay $0x1  }
0x407: {  	s13 =	simm.s32 $0x6000  }
0x408: {  	[tilespmem:s13], [sflag:$0x2] =	stream.indirect_vreg.gather [hbm4b:s1+s3], $0x80, v6, vm0, $0xb8;
	[tilespmem:$0x1A000] =	vst v63  }
0x409: {  	s14 =	simm.s32 $0x6800  }
0x40a: {  	[tilespmem:s14], [sflag:$0x2] =	stream.indirect_vreg.gather [hbm4b:s1+s3], $0x80, v5, vm0, $0xb8;
	[tilespmem:$0x1A000] =	vst v63  }
0x40b: {  	v5 =	vld [tilespmem:$0x1CD0];
	_ =	sdelay $0x4  }
0x40c: {  	v6 =	vshll.u32 v5, $0x1  }
0x40d: {  	v5 =	vand.u32 $0x7, v5;
	v6 =	vand.u32 $0xFFFFFFF0, v6  }
0x40e: {  	v5 =	vor.u32 v5, v6  }
0x40f: {  	v6 =	vperm.xlane v5, v2;
	_ =	sdelay $0x1  }
0x410: {  	v5 =	vperm.xlane v5, v4;
	v6 =	vadd.s32 v3, v6;
	_ =	sdelay $0x1  }
0x411: {  	v5 =	vadd.s32 v3, v5;
	_ =	sdelay $0x1  }
0x412: {  	s8 =	simm.s32 $0x7000  }
0x413: {  	[tilespmem:s8], [sflag:$0x2] =	stream.indirect_vreg.gather [hbm4b:s1+s3], $0x80, v6, vm0, $0xb8;
	[tilespmem:$0x1A000] =	vst v63  }
0x414: {  	s25 =	simm.s32 $0x7800  }
0x415: {  	[tilespmem:s25], [sflag:$0x2] =	stream.indirect_vreg.gather [hbm4b:s1+s3], $0x80, v5, vm0, $0xb8;
	[tilespmem:$0x1A000] =	vst v63  }
0x416: {  	v5 =	vld [tilespmem:$0x1CE0];
	_ =	sdelay $0x4  }
0x417: {  	v6 =	vshll.u32 v5, $0x1  }
0x418: {  	v5 =	vand.u32 $0x7, v5;
	v6 =	vand.u32 $0xFFFFFFF0, v6  }
0x419: {  	v5 =	vor.u32 v5, v6  }
0x41a: {  	v6 =	vperm.xlane v5, v2;
	_ =	sdelay $0x1  }
0x41b: {  	v5 =	vperm.xlane v5, v4;
	v6 =	vadd.s32 v3, v6;
	_ =	sdelay $0x1  }
0x41c: {  	v5 =	vadd.s32 v3, v5;
	_ =	sdelay $0x1  }
0x41d: {  	s5 =	simm.s32 $0x8000  }
0x41e: {  	[tilespmem:s5], [sflag:$0x2] =	stream.indirect_vreg.gather [hbm4b:s1+s3], $0x80, v6, vm0, $0xb8;
	[tilespmem:$0x1A000] =	vst v63  }
0x41f: {  	s9 =	simm.s32 $0x8800  }
0x420: {  	[tilespmem:s9], [sflag:$0x2] =	stream.indirect_vreg.gather [hbm4b:s1+s3], $0x80, v5, vm0, $0xb8;
	[tilespmem:$0x1A000] =	vst v63  }
0x421: {  	v5 =	vld [tilespmem:$0x1CF0];
	_ =	sdelay $0x4  }
0x422: {  	v6 =	vshll.u32 v5, $0x1  }
0x423: {  	v5 =	vand.u32 $0x7, v5;
	v6 =	vand.u32 $0xFFFFFFF0, v6  }
0x424: {  	v5 =	vor.u32 v5, v6  }
0x425: {  	v6 =	vperm.xlane v5, v2;
	_ =	sdelay $0x1  }
0x426: {  	v5 =	vperm.xlane v5, v4;
	v6 =	vadd.s32 v3, v6;
	_ =	sdelay $0x1  }
0x427: {  	v5 =	vadd.s32 v3, v5;
	_ =	sdelay $0x1  }
0x428: {  	s6 =	simm.s32 $0x9000  }
0x429: {  	[tilespmem:s6], [sflag:$0x2] =	stream.indirect_vreg.gather [hbm4b:s1+s3], $0x80, v6, vm0, $0xb8;
	[tilespmem:$0x1A000] =	vst v63  }
0x42a: {  	s7 =	simm.s32 $0x9800  }
0x42b: {  	[tilespmem:s7], [sflag:$0x2] =	stream.indirect_vreg.gather [hbm4b:s1+s3], $0x80, v5, vm0, $0xb8;
	[tilespmem:$0x1A000] =	vst v63  }
0x42c: {  	_ =	swait.ge [sflag:s22], $0x8000  }
0x42d: {  	[sflag:s22] =	ssyncset.done $0x0  }
0x42e: {  	s7 =	rddreg [dreg:$0xf];
	[sflag:s22] =	ssyncadd.s32 $0xFFFF8000  }
0x42f: {  	[hbm4b:s7+s3] =	stream.linear.scatter [tilespmem:s30], [sflag:$0x3], $0x8000, $0x38;
	[tilespmem:$0x1A000] =	vst v63  }
0x430: {  	_ =	swait.ge [sflag:s18], $0x8000  }
0x431: {  	[sflag:s18] =	ssyncset.done $0x0  }
0x432: {  	[sflag:s18] =	ssyncadd.s32 $0xFFFF8000  }
0x433: {  	v5 =	vld [tilespmem:$0x1D00];
	_ =	sdelay $0x4  }
0x434: {  	v6 =	vshll.u32 v5, $0x1  }
0x435: {  	v5 =	vand.u32 $0x7, v5;
	v6 =	vand.u32 $0xFFFFFFF0, v6  }
0x436: {  	v5 =	vor.u32 v5, v6  }
0x437: {  	v6 =	vperm.xlane v5, v2;
	_ =	sdelay $0x1  }
0x438: {  	v5 =	vperm.xlane v5, v4;
	v6 =	vadd.s32 v3, v6;
	_ =	sdelay $0x1  }
0x439: {  	v5 =	vadd.s32 v3, v5;
	_ =	sdelay $0x2  }
0x43a: {  	[tilespmem:s23], [sflag:$0x1] =	stream.indirect_vreg.gather [hbm4b:s1+s3], $0x80, v6, vm0, $0xb8;
	[tilespmem:$0x1A000] =	vst v63  }
0x43b: {  	s9 =	simm.s32 $0xA800  }
0x43c: {  	[tilespmem:s9], [sflag:$0x1] =	stream.indirect_vreg.gather [hbm4b:s1+s3], $0x80, v5, vm0, $0xb8;
	[tilespmem:$0x1A000] =	vst v63  }
0x43d: {  	v5 =	vld [tilespmem:$0x1D10];
	_ =	sdelay $0x4  }
0x43e: {  	v6 =	vshll.u32 v5, $0x1  }
0x43f: {  	v5 =	vand.u32 $0x7, v5;
	v6 =	vand.u32 $0xFFFFFFF0, v6  }
0x440: {  	v5 =	vor.u32 v5, v6  }
0x441: {  	v6 =	vperm.xlane v5, v2;
	_ =	sdelay $0x1  }
0x442: {  	v5 =	vperm.xlane v5, v4;
	v6 =	vadd.s32 v3, v6;
	_ =	sdelay $0x1  }
0x443: {  	v5 =	vadd.s32 v3, v5;
	_ =	sdelay $0x1  }
0x444: {  	s13 =	simm.s32 $0xB000  }
0x445: {  	[tilespmem:s13], [sflag:$0x1] =	stream.indirect_vreg.gather [hbm4b:s1+s3], $0x80, v6, vm0, $0xb8;
	[tilespmem:$0x1A000] =	vst v63  }
0x446: {  	s14 =	simm.s32 $0xB800  }
0x447: {  	[tilespmem:s14], [sflag:$0x1] =	stream.indirect_vreg.gather [hbm4b:s1+s3], $0x80, v5, vm0, $0xb8;
	[tilespmem:$0x1A000] =	vst v63  }
0x448: {  	v5 =	vld [tilespmem:$0x1D20];
	_ =	sdelay $0x4  }
0x449: {  	v6 =	vshll.u32 v5, $0x1  }
0x44a: {  	v5 =	vand.u32 $0x7, v5;
	v6 =	vand.u32 $0xFFFFFFF0, v6  }
0x44b: {  	v5 =	vor.u32 v5, v6  }
0x44c: {  	v6 =	vperm.xlane v5, v2;
	_ =	sdelay $0x1  }
0x44d: {  	v5 =	vperm.xlane v5, v4;
	v6 =	vadd.s32 v3, v6;
	_ =	sdelay $0x1  }
0x44e: {  	v5 =	vadd.s32 v3, v5;
	_ =	sdelay $0x1  }
0x44f: {  	s25 =	simm.s32 $0xC000  }
0x450: {  	[tilespmem:s25], [sflag:$0x1] =	stream.indirect_vreg.gather [hbm4b:s1+s3], $0x80, v6, vm0, $0xb8;
	[tilespmem:$0x1A000] =	vst v63  }
0x451: {  	s5 =	simm.s32 $0xC800  }
0x452: {  	[tilespmem:s5], [sflag:$0x1] =	stream.indirect_vreg.gather [hbm4b:s1+s3], $0x80, v5, vm0, $0xb8;
	[tilespmem:$0x1A000] =	vst v63  }
0x453: {  	v5 =	vld [tilespmem:$0x1D30];
	_ =	sdelay $0x4  }
0x454: {  	v6 =	vshll.u32 v5, $0x1  }
0x455: {  	v5 =	vand.u32 $0x7, v5;
	v6 =	vand.u32 $0xFFFFFFF0, v6  }
0x456: {  	v5 =	vor.u32 v5, v6  }
0x457: {  	v6 =	vperm.xlane v5, v2;
	_ =	sdelay $0x1  }
0x458: {  	v5 =	vperm.xlane v5, v4;
	v6 =	vadd.s32 v3, v6;
	_ =	sdelay $0x1  }
0x459: {  	v5 =	vadd.s32 v3, v5;
	_ =	sdelay $0x1  }
0x45a: {  	s6 =	simm.s32 $0xD000  }
0x45b: {  	[tilespmem:s6], [sflag:$0x1] =	stream.indirect_vreg.gather [hbm4b:s1+s3], $0x80, v6, vm0, $0xb8;
	[tilespmem:$0x1A000] =	vst v63  }
0x45c: {  	s7 =	simm.s32 $0xD800  }
0x45d: {  	[tilespmem:s7], [sflag:$0x1] =	stream.indirect_vreg.gather [hbm4b:s1+s3], $0x80, v5, vm0, $0xb8;
	[tilespmem:$0x1A000] =	vst v63  }
0x45e: {  	v5 =	vld [tilespmem:$0x1D40];
	_ =	sdelay $0x4  }
0x45f: {  	v6 =	vshll.u32 v5, $0x1  }
0x460: {  	v5 =	vand.u32 $0x7, v5;
	v6 =	vand.u32 $0xFFFFFFF0, v6  }
0x461: {  	v5 =	vor.u32 v5, v6  }
0x462: {  	v6 =	vperm.xlane v5, v2;
	_ =	sdelay $0x1  }
0x463: {  	v5 =	vperm.xlane v5, v4;
	v6 =	vadd.s32 v3, v6;
	_ =	sdelay $0x1  }
0x464: {  	v5 =	vadd.s32 v3, v5;
	_ =	sdelay $0x1  }
0x465: {  	s9 =	simm.s32 $0xE000  }
0x466: {  	[tilespmem:s9], [sflag:$0x1] =	stream.indirect_vreg.gather [hbm4b:s1+s3], $0x80, v6, vm0, $0xb8;
	[tilespmem:$0x1A000] =	vst v63  }
0x467: {  	s13 =	simm.s32 $0xE800  }
0x468: {  	[tilespmem:s13], [sflag:$0x1] =	stream.indirect_vreg.gather [hbm4b:s1+s3], $0x80, v5, vm0, $0xb8;
	[tilespmem:$0x1A000] =	vst v63  }
0x469: {  	v5 =	vld [tilespmem:$0x1D50];
	_ =	sdelay $0x4  }
0x46a: {  	v6 =	vshll.u32 v5, $0x1  }
0x46b: {  	v5 =	vand.u32 $0x7, v5;
	v6 =	vand.u32 $0xFFFFFFF0, v6  }
0x46c: {  	v5 =	vor.u32 v5, v6  }
0x46d: {  	v6 =	vperm.xlane v5, v2;
	_ =	sdelay $0x1  }
0x46e: {  	v5 =	vperm.xlane v5, v4;
	v6 =	vadd.s32 v3, v6;
	_ =	sdelay $0x1  }
0x46f: {  	v5 =	vadd.s32 v3, v5;
	_ =	sdelay $0x1  }
0x470: {  	s14 =	simm.s32 $0xF000  }
0x471: {  	[tilespmem:s14], [sflag:$0x1] =	stream.indirect_vreg.gather [hbm4b:s1+s3], $0x80, v6, vm0, $0xb8;
	[tilespmem:$0x1A000] =	vst v63  }
0x472: {  	s25 =	simm.s32 $0xF800  }
0x473: {  	[tilespmem:s25], [sflag:$0x1] =	stream.indirect_vreg.gather [hbm4b:s1+s3], $0x80, v5, vm0, $0xb8;
	[tilespmem:$0x1A000] =	vst v63  }
0x474: {  	v5 =	vld [tilespmem:$0x1D60];
	_ =	sdelay $0x4  }
0x475: {  	v6 =	vshll.u32 v5, $0x1  }
0x476: {  	v5 =	vand.u32 $0x7, v5;
	v6 =	vand.u32 $0xFFFFFFF0, v6  }
0x477: {  	v5 =	vor.u32 v5, v6  }
0x478: {  	v6 =	vperm.xlane v5, v2;
	_ =	sdelay $0x1  }
0x479: {  	v5 =	vperm.xlane v5, v4;
	v6 =	vadd.s32 v3, v6;
	_ =	sdelay $0x1  }
0x47a: {  	v5 =	vadd.s32 v3, v5;
	_ =	sdelay $0x1  }
0x47b: {  	s5 =	simm.s32 $0x10000  }
0x47c: {  	[tilespmem:s5], [sflag:$0x1] =	stream.indirect_vreg.gather [hbm4b:s1+s3], $0x80, v6, vm0, $0xb8;
	[tilespmem:$0x1A000] =	vst v63  }
0x47d: {  	s6 =	simm.s32 $0x10800  }
0x47e: {  	[tilespmem:s6], [sflag:$0x1] =	stream.indirect_vreg.gather [hbm4b:s1+s3], $0x80, v5, vm0, $0xb8;
	[tilespmem:$0x1A000] =	vst v63  }
0x47f: {  	v5 =	vld [tilespmem:$0x1D70];
	_ =	sdelay $0x4  }
0x480: {  	v6 =	vshll.u32 v5, $0x1  }
0x481: {  	v5 =	vand.u32 $0x7, v5;
	v6 =	vand.u32 $0xFFFFFFF0, v6  }
0x482: {  	v5 =	vor.u32 v5, v6  }
0x483: {  	v6 =	vperm.xlane v5, v2;
	_ =	sdelay $0x1  }
0x484: {  	v5 =	vperm.xlane v5, v4;
	v6 =	vadd.s32 v3, v6;
	_ =	sdelay $0x1  }
0x485: {  	v5 =	vadd.s32 v3, v5;
	_ =	sdelay $0x1  }
0x486: {  	s7 =	simm.s32 $0x11000  }
0x487: {  	[tilespmem:s7], [sflag:$0x1] =	stream.indirect_vreg.gather [hbm4b:s1+s3], $0x80, v6, vm0, $0xb8;
	[tilespmem:$0x1A000] =	vst v63  }
0x488: {  	s9 =	simm.s32 $0x11800  }
0x489: {  	[tilespmem:s9], [sflag:$0x1] =	stream.indirect_vreg.gather [hbm4b:s1+s3], $0x80, v5, vm0, $0xb8;
	[tilespmem:$0x1A000] =	vst v63  }
0x48a: {  	_ =	swait.ge [sflag:s16], $0x8000  }
0x48b: {  	[sflag:s16] =	ssyncset.done $0x0  }
0x48c: {  	s13 =	rddreg [dreg:$0x10];
	[sflag:s16] =	ssyncadd.s32 $0xFFFF8000  }
0x48d: {  	[hbm4b:s13+s3] =	stream.linear.scatter [tilespmem:s2], [sflag:$0x4], $0x8000, $0x38;
	[tilespmem:$0x1A000] =	vst v63  }
0x48e: {  	_ =	swait.ge [sflag:s17], $0x8000  }
0x48f: {  	[sflag:s17] =	ssyncset.done $0x0  }
0x490: {  	[sflag:s17] =	ssyncadd.s32 $0xFFFF8000  }
0x491: {  	v5 =	vld [tilespmem:$0x1D80];
	_ =	sdelay $0x4  }
0x492: {  	v6 =	vshll.u32 v5, $0x1  }
0x493: {  	v5 =	vand.u32 $0x7, v5;
	v6 =	vand.u32 $0xFFFFFFF0, v6  }
0x494: {  	v5 =	vor.u32 v5, v6  }
0x495: {  	v6 =	vperm.xlane v5, v2;
	_ =	sdelay $0x1  }
0x496: {  	v5 =	vperm.xlane v5, v4;
	v6 =	vadd.s32 v3, v6;
	_ =	sdelay $0x1  }
0x497: {  	v5 =	vadd.s32 v3, v5;
	_ =	sdelay $0x2  }
0x498: {  	[tilespmem:s30], [sflag:$0x2] =	stream.indirect_vreg.gather [hbm4b:s1+s3], $0x80, v6, vm0, $0xb8;
	[tilespmem:$0x1A000] =	vst v63  }
0x499: {  	s14 =	simm.s32 $0x12800  }
0x49a: {  	[tilespmem:s14], [sflag:$0x2] =	stream.indirect_vreg.gather [hbm4b:s1+s3], $0x80, v5, vm0, $0xb8;
	[tilespmem:$0x1A000] =	vst v63  }
0x49b: {  	v5 =	vld [tilespmem:$0x1D90];
	_ =	sdelay $0x4  }
0x49c: {  	v6 =	vshll.u32 v5, $0x1  }
0x49d: {  	v5 =	vand.u32 $0x7, v5;
	v6 =	vand.u32 $0xFFFFFFF0, v6  }
0x49e: {  	v5 =	vor.u32 v5, v6  }
0x49f: {  	v6 =	vperm.xlane v5, v2;
	_ =	sdelay $0x1  }
0x4a0: {  	v5 =	vperm.xlane v5, v4;
	v6 =	vadd.s32 v3, v6;
	_ =	sdelay $0x1  }
0x4a1: {  	v5 =	vadd.s32 v3, v5;
	_ =	sdelay $0x1  }
0x4a2: {  	s10 =	simm.s32 $0x13000  }
0x4a3: {  	[tilespmem:s10], [sflag:$0x2] =	stream.indirect_vreg.gather [hbm4b:s1+s3], $0x80, v6, vm0, $0xb8;
	[tilespmem:$0x1A000] =	vst v63  }
0x4a4: {  	s25 =	simm.s32 $0x13800  }
0x4a5: {  	[tilespmem:s25], [sflag:$0x2] =	stream.indirect_vreg.gather [hbm4b:s1+s3], $0x80, v5, vm0, $0xb8;
	[tilespmem:$0x1A000] =	vst v63  }
0x4a6: {  	v5 =	vld [tilespmem:$0x1DA0];
	_ =	sdelay $0x4  }
0x4a7: {  	v6 =	vshll.u32 v5, $0x1  }
0x4a8: {  	v5 =	vand.u32 $0x7, v5;
	v6 =	vand.u32 $0xFFFFFFF0, v6  }
0x4a9: {  	v5 =	vor.u32 v5, v6  }
0x4aa: {  	v6 =	vperm.xlane v5, v2;
	_ =	sdelay $0x1  }
0x4ab: {  	v5 =	vperm.xlane v5, v4;
	v6 =	vadd.s32 v3, v6;
	_ =	sdelay $0x1  }
0x4ac: {  	v5 =	vadd.s32 v3, v5;
	_ =	sdelay $0x1  }
0x4ad: {  	s26 =	simm.s32 $0x14000  }
0x4ae: {  	[tilespmem:s26], [sflag:$0x2] =	stream.indirect_vreg.gather [hbm4b:s1+s3], $0x80, v6, vm0, $0xb8;
	[tilespmem:$0x1A000] =	vst v63  }
0x4af: {  	s26 =	simm.s32 $0x14800  }
0x4b0: {  	[tilespmem:s26], [sflag:$0x2] =	stream.indirect_vreg.gather [hbm4b:s1+s3], $0x80, v5, vm0, $0xb8;
	[tilespmem:$0x1A000] =	vst v63  }
0x4b1: {  	v5 =	vld [tilespmem:$0x1DB0];
	_ =	sdelay $0x4  }
0x4b2: {  	v6 =	vshll.u32 v5, $0x1  }
0x4b3: {  	v5 =	vand.u32 $0x7, v5;
	v6 =	vand.u32 $0xFFFFFFF0, v6  }
0x4b4: {  	v5 =	vor.u32 v5, v6  }
0x4b5: {  	v6 =	vperm.xlane v5, v2;
	_ =	sdelay $0x1  }
0x4b6: {  	v5 =	vperm.xlane v5, v4;
	v6 =	vadd.s32 v3, v6;
	_ =	sdelay $0x1  }
0x4b7: {  	v5 =	vadd.s32 v3, v5;
	_ =	sdelay $0x1  }
0x4b8: {  	s28 =	simm.s32 $0x15000  }
0x4b9: {  	[tilespmem:s28], [sflag:$0x2] =	stream.indirect_vreg.gather [hbm4b:s1+s3], $0x80, v6, vm0, $0xb8;
	[tilespmem:$0x1A000] =	vst v63  }
0x4ba: {  	s5 =	simm.s32 $0x15800  }
0x4bb: {  	[tilespmem:s5], [sflag:$0x2] =	stream.indirect_vreg.gather [hbm4b:s1+s3], $0x80, v5, vm0, $0xb8;
	[tilespmem:$0x1A000] =	vst v63  }
0x4bc: {  	v5 =	vld [tilespmem:$0x1DC0];
	_ =	sdelay $0x4  }
0x4bd: {  	v6 =	vshll.u32 v5, $0x1  }
0x4be: {  	v5 =	vand.u32 $0x7, v5;
	v6 =	vand.u32 $0xFFFFFFF0, v6  }
0x4bf: {  	v5 =	vor.u32 v5, v6  }
0x4c0: {  	v6 =	vperm.xlane v5, v2;
	_ =	sdelay $0x1  }
0x4c1: {  	v5 =	vperm.xlane v5, v4;
	v6 =	vadd.s32 v3, v6;
	_ =	sdelay $0x1  }
0x4c2: {  	v5 =	vadd.s32 v3, v5;
	_ =	sdelay $0x1  }
0x4c3: {  	s31 =	simm.s32 $0x16000  }
0x4c4: {  	[tilespmem:s31], [sflag:$0x2] =	stream.indirect_vreg.gather [hbm4b:s1+s3], $0x80, v6, vm0, $0xb8;
	[tilespmem:$0x1A000] =	vst v63  }
0x4c5: {  	s6 =	simm.s32 $0x16800  }
0x4c6: {  	[tilespmem:s6], [sflag:$0x2] =	stream.indirect_vreg.gather [hbm4b:s1+s3], $0x80, v5, vm0, $0xb8;
	[tilespmem:$0x1A000] =	vst v63  }
0x4c7: {  	v5 =	vld [tilespmem:$0x1DD0];
	_ =	sdelay $0x4  }
0x4c8: {  	v6 =	vshll.u32 v5, $0x1  }
0x4c9: {  	v5 =	vand.u32 $0x7, v5;
	v6 =	vand.u32 $0xFFFFFFF0, v6  }
0x4ca: {  	v5 =	vor.u32 v5, v6  }
0x4cb: {  	v6 =	vperm.xlane v5, v2;
	_ =	sdelay $0x1  }
0x4cc: {  	v5 =	vperm.xlane v5, v4;
	v6 =	vadd.s32 v3, v6;
	_ =	sdelay $0x1  }
0x4cd: {  	v5 =	vadd.s32 v3, v5;
	_ =	sdelay $0x1  }
0x4ce: {  	s13 =	simm.s32 $0x17000  }
0x4cf: {  	[tilespmem:s13], [sflag:$0x2] =	stream.indirect_vreg.gather [hbm4b:s1+s3], $0x80, v6, vm0, $0xb8;
	[tilespmem:$0x1A000] =	vst v63  }
0x4d0: {  	s14 =	simm.s32 $0x17800  }
0x4d1: {  	[tilespmem:s14], [sflag:$0x2] =	stream.indirect_vreg.gather [hbm4b:s1+s3], $0x80, v5, vm0, $0xb8;
	[tilespmem:$0x1A000] =	vst v63  }
0x4d2: {  	v5 =	vld [tilespmem:$0x1DE0];
	_ =	sdelay $0x4  }
0x4d3: {  	v6 =	vshll.u32 v5, $0x1  }
0x4d4: {  	v5 =	vand.u32 $0x7, v5;
	v6 =	vand.u32 $0xFFFFFFF0, v6  }
0x4d5: {  	v5 =	vor.u32 v5, v6  }
0x4d6: {  	v6 =	vperm.xlane v5, v2;
	_ =	sdelay $0x1  }
0x4d7: {  	v5 =	vperm.xlane v5, v4;
	v6 =	vadd.s32 v3, v6;
	_ =	sdelay $0x1  }
0x4d8: {  	v5 =	vadd.s32 v3, v5;
	_ =	sdelay $0x1  }
0x4d9: {  	s28 =	simm.s32 $0x18000  }
0x4da: {  	[tilespmem:s28], [sflag:$0x2] =	stream.indirect_vreg.gather [hbm4b:s1+s3], $0x80, v6, vm0, $0xb8;
	[tilespmem:$0x1A000] =	vst v63  }
0x4db: {  	s31 =	simm.s32 $0x18800  }
0x4dc: {  	[tilespmem:s31], [sflag:$0x2] =	stream.indirect_vreg.gather [hbm4b:s1+s3], $0x80, v5, vm0, $0xb8;
	[tilespmem:$0x1A000] =	vst v63  }
0x4dd: {  	v5 =	vld [tilespmem:$0x1DF0];
	_ =	sdelay $0x4  }
0x4de: {  	v6 =	vshll.u32 v5, $0x1  }
0x4df: {  	v5 =	vand.u32 $0x7, v5;
	v6 =	vand.u32 $0xFFFFFFF0, v6  }
0x4e0: {  	v5 =	vor.u32 v5, v6  }
0x4e1: {  	v6 =	vperm.xlane v5, v2;
	_ =	sdelay $0x1  }
0x4e2: {  	v5 =	vperm.xlane v5, v4;
	v6 =	vadd.s32 v3, v6;
	_ =	sdelay $0x1  }
0x4e3: {  	v5 =	vadd.s32 v3, v5;
	_ =	sdelay $0x1  }
0x4e4: {  	s5 =	simm.s32 $0x19000  }
0x4e5: {  	[tilespmem:s5], [sflag:$0x2] =	stream.indirect_vreg.gather [hbm4b:s1+s3], $0x80, v6, vm0, $0xb8;
	[tilespmem:$0x1A000] =	vst v63  }
0x4e6: {  	s6 =	simm.s32 $0x19800  }
0x4e7: {  	[tilespmem:s6], [sflag:$0x2] =	stream.indirect_vreg.gather [hbm4b:s1+s3], $0x80, v5, vm0, $0xb8;
	[tilespmem:$0x1A000] =	vst v63  }
0x4e8: {  	_ =	swait.ge [sflag:s22], $0x8000  }
0x4e9: {  	[sflag:s22] =	ssyncset.done $0x0  }
0x4ea: {  	s13 =	rddreg [dreg:$0x11];
	[sflag:s22] =	ssyncadd.s32 $0xFFFF8000  }
0x4eb: {  	[hbm4b:s13+s3] =	stream.linear.scatter [tilespmem:s23], [sflag:$0x3], $0x8000, $0x38;
	[tilespmem:$0x1A000] =	vst v63  }
0x4ec: {  	_ =	swait.ge [sflag:s18], $0x8000  }
0x4ed: {  	[sflag:s18] =	ssyncset.done $0x0  }
0x4ee: {  	[sflag:s18] =	ssyncadd.s32 $0xFFFF8000  }
0x4ef: {  	v5 =	vld [tilespmem:$0x1E00];
	_ =	sdelay $0x4  }
0x4f0: {  	v6 =	vshll.u32 v5, $0x1  }
0x4f1: {  	v5 =	vand.u32 $0x7, v5;
	v6 =	vand.u32 $0xFFFFFFF0, v6  }
0x4f2: {  	v5 =	vor.u32 v5, v6  }
0x4f3: {  	v6 =	vperm.xlane v5, v2;
	_ =	sdelay $0x1  }
0x4f4: {  	v5 =	vperm.xlane v5, v4;
	v6 =	vadd.s32 v3, v6;
	_ =	sdelay $0x1  }
0x4f5: {  	v5 =	vadd.s32 v3, v5;
	_ =	sdelay $0x2  }
0x4f6: {  	[tilespmem:s2], [sflag:$0x1] =	stream.indirect_vreg.gather [hbm4b:s1+s3], $0x80, v6, vm0, $0xb8;
	[tilespmem:$0x1A000] =	vst v63  }
0x4f7: {  	s14 =	simm.s32 $0x2800  }
0x4f8: {  	[tilespmem:s14], [sflag:$0x1] =	stream.indirect_vreg.gather [hbm4b:s1+s3], $0x80, v5, vm0, $0xb8;
	[tilespmem:$0x1A000] =	vst v63  }
0x4f9: {  	v5 =	vld [tilespmem:$0x1E10];
	_ =	sdelay $0x4  }
0x4fa: {  	v6 =	vshll.u32 v5, $0x1  }
0x4fb: {  	v5 =	vand.u32 $0x7, v5;
	v6 =	vand.u32 $0xFFFFFFF0, v6  }
0x4fc: {  	v5 =	vor.u32 v5, v6  }
0x4fd: {  	v6 =	vperm.xlane v5, v2;
	_ =	sdelay $0x1  }
0x4fe: {  	v5 =	vperm.xlane v5, v4;
	v6 =	vadd.s32 v3, v6;
	_ =	sdelay $0x1  }
0x4ff: {  	v5 =	vadd.s32 v3, v5;
	_ =	sdelay $0x1  }
0x500: {  	s15 =	simm.s32 $0x3000  }
0x501: {  	[tilespmem:s15], [sflag:$0x1] =	stream.indirect_vreg.gather [hbm4b:s1+s3], $0x80, v6, vm0, $0xb8;
	[tilespmem:$0x1A000] =	vst v63  }
0x502: {  	s20 =	simm.s32 $0x3800  }
0x503: {  	[tilespmem:s20], [sflag:$0x1] =	stream.indirect_vreg.gather [hbm4b:s1+s3], $0x80, v5, vm0, $0xb8;
	[tilespmem:$0x1A000] =	vst v63  }
0x504: {  	v5 =	vld [tilespmem:$0x1E20];
	_ =	sdelay $0x4  }
0x505: {  	v6 =	vshll.u32 v5, $0x1  }
0x506: {  	v5 =	vand.u32 $0x7, v5;
	v6 =	vand.u32 $0xFFFFFFF0, v6  }
0x507: {  	v5 =	vor.u32 v5, v6  }
0x508: {  	v6 =	vperm.xlane v5, v2;
	_ =	sdelay $0x1  }
0x509: {  	v5 =	vperm.xlane v5, v4;
	v6 =	vadd.s32 v3, v6;
	_ =	sdelay $0x1  }
0x50a: {  	v5 =	vadd.s32 v3, v5;
	_ =	sdelay $0x1  }
0x50b: {  	s11 =	simm.s32 $0x4000  }
0x50c: {  	[tilespmem:s11], [sflag:$0x1] =	stream.indirect_vreg.gather [hbm4b:s1+s3], $0x80, v6, vm0, $0xb8;
	[tilespmem:$0x1A000] =	vst v63  }
0x50d: {  	s20 =	simm.s32 $0x4800  }
0x50e: {  	[tilespmem:s20], [sflag:$0x1] =	stream.indirect_vreg.gather [hbm4b:s1+s3], $0x80, v5, vm0, $0xb8;
	[tilespmem:$0x1A000] =	vst v63  }
0x50f: {  	v5 =	vld [tilespmem:$0x1E30];
	_ =	sdelay $0x4  }
0x510: {  	v6 =	vshll.u32 v5, $0x1  }
0x511: {  	v5 =	vand.u32 $0x7, v5;
	v6 =	vand.u32 $0xFFFFFFF0, v6  }
0x512: {  	v5 =	vor.u32 v5, v6  }
0x513: {  	v6 =	vperm.xlane v5, v2;
	_ =	sdelay $0x1  }
0x514: {  	v5 =	vperm.xlane v5, v4;
	v6 =	vadd.s32 v3, v6;
	_ =	sdelay $0x1  }
0x515: {  	v5 =	vadd.s32 v3, v5;
	_ =	sdelay $0x1  }
0x516: {  	s21 =	simm.s32 $0x5000  }
0x517: {  	[tilespmem:s21], [sflag:$0x1] =	stream.indirect_vreg.gather [hbm4b:s1+s3], $0x80, v6, vm0, $0xb8;
	[tilespmem:$0x1A000] =	vst v63  }
0x518: {  	s21 =	simm.s32 $0x5800  }
0x519: {  	[tilespmem:s21], [sflag:$0x1] =	stream.indirect_vreg.gather [hbm4b:s1+s3], $0x80, v5, vm0, $0xb8;
	[tilespmem:$0x1A000] =	vst v63  }
0x51a: {  	v5 =	vld [tilespmem:$0x1E40];
	_ =	sdelay $0x4  }
0x51b: {  	v6 =	vshll.u32 v5, $0x1  }
0x51c: {  	v5 =	vand.u32 $0x7, v5;
	v6 =	vand.u32 $0xFFFFFFF0, v6  }
0x51d: {  	v5 =	vor.u32 v5, v6  }
0x51e: {  	v6 =	vperm.xlane v5, v2;
	_ =	sdelay $0x1  }
0x51f: {  	v5 =	vperm.xlane v5, v4;
	v6 =	vadd.s32 v3, v6;
	_ =	sdelay $0x1  }
0x520: {  	v5 =	vadd.s32 v3, v5;
	_ =	sdelay $0x1  }
0x521: {  	s24 =	simm.s32 $0x6000  }
0x522: {  	[tilespmem:s24], [sflag:$0x1] =	stream.indirect_vreg.gather [hbm4b:s1+s3], $0x80, v6, vm0, $0xb8;
	[tilespmem:$0x1A000] =	vst v63  }
0x523: {  	s11 =	simm.s32 $0x6800  }
0x524: {  	[tilespmem:s11], [sflag:$0x1] =	stream.indirect_vreg.gather [hbm4b:s1+s3], $0x80, v5, vm0, $0xb8;
	[tilespmem:$0x1A000] =	vst v63  }
0x525: {  	v5 =	vld [tilespmem:$0x1E50];
	_ =	sdelay $0x4  }
0x526: {  	v6 =	vshll.u32 v5, $0x1  }
0x527: {  	v5 =	vand.u32 $0x7, v5;
	v6 =	vand.u32 $0xFFFFFFF0, v6  }
0x528: {  	v5 =	vor.u32 v5, v6  }
0x529: {  	v6 =	vperm.xlane v5, v2;
	_ =	sdelay $0x1  }
0x52a: {  	v5 =	vperm.xlane v5, v4;
	v6 =	vadd.s32 v3, v6;
	_ =	sdelay $0x1  }
0x52b: {  	v5 =	vadd.s32 v3, v5;
	_ =	sdelay $0x1  }
0x52c: {  	s24 =	simm.s32 $0x7000  }
0x52d: {  	[tilespmem:s24], [sflag:$0x1] =	stream.indirect_vreg.gather [hbm4b:s1+s3], $0x80, v6, vm0, $0xb8;
	[tilespmem:$0x1A000] =	vst v63  }
0x52e: {  	s11 =	simm.s32 $0x7800  }
0x52f: {  	[tilespmem:s11], [sflag:$0x1] =	stream.indirect_vreg.gather [hbm4b:s1+s3], $0x80, v5, vm0, $0xb8;
	[tilespmem:$0x1A000] =	vst v63  }
0x530: {  	v5 =	vld [tilespmem:$0x1E60];
	_ =	sdelay $0x4  }
0x531: {  	v6 =	vshll.u32 v5, $0x1  }
0x532: {  	v5 =	vand.u32 $0x7, v5;
	v6 =	vand.u32 $0xFFFFFFF0, v6  }
0x533: {  	v5 =	vor.u32 v5, v6  }
0x534: {  	v6 =	vperm.xlane v5, v2;
	_ =	sdelay $0x1  }
0x535: {  	v5 =	vperm.xlane v5, v4;
	v6 =	vadd.s32 v3, v6;
	_ =	sdelay $0x1  }
0x536: {  	v5 =	vadd.s32 v3, v5;
	_ =	sdelay $0x1  }
0x537: {  	s8 =	simm.s32 $0x8000  }
0x538: {  	[tilespmem:s8], [sflag:$0x1] =	stream.indirect_vreg.gather [hbm4b:s1+s3], $0x80, v6, vm0, $0xb8;
	[tilespmem:$0x1A000] =	vst v63  }
0x539: {  	s8 =	simm.s32 $0x8800  }
0x53a: {  	[tilespmem:s8], [sflag:$0x1] =	stream.indirect_vreg.gather [hbm4b:s1+s3], $0x80, v5, vm0, $0xb8;
	[tilespmem:$0x1A000] =	vst v63  }
0x53b: {  	v5 =	vld [tilespmem:$0x1E70];
	_ =	sdelay $0x4  }
0x53c: {  	v6 =	vshll.u32 v5, $0x1  }
0x53d: {  	v5 =	vand.u32 $0x7, v5;
	v6 =	vand.u32 $0xFFFFFFF0, v6  }
0x53e: {  	v5 =	vor.u32 v5, v6  }
0x53f: {  	v6 =	vperm.xlane v5, v2;
	_ =	sdelay $0x1  }
0x540: {  	v5 =	vperm.xlane v5, v4;
	v6 =	vadd.s32 v3, v6;
	_ =	sdelay $0x1  }
0x541: {  	v5 =	vadd.s32 v3, v5;
	_ =	sdelay $0x1  }
0x542: {  	s12 =	simm.s32 $0x9000  }
0x543: {  	[tilespmem:s12], [sflag:$0x1] =	stream.indirect_vreg.gather [hbm4b:s1+s3], $0x80, v6, vm0, $0xb8;
	[tilespmem:$0x1A000] =	vst v63  }
0x544: {  	s12 =	simm.s32 $0x9800  }
0x545: {  	[tilespmem:s12], [sflag:$0x1] =	stream.indirect_vreg.gather [hbm4b:s1+s3], $0x80, v5, vm0, $0xb8;
	[tilespmem:$0x1A000] =	vst v63  }
0x546: {  	_ =	swait.ge [sflag:s16], $0x8000  }
0x547: {  	[sflag:s16] =	ssyncset.done $0x0  }
0x548: {  	s0 =	rddreg [dreg:$0x12];
	[sflag:s16] =	ssyncadd.s32 $0xFFFF8000  }
0x549: {  	[hbm4b:s0+s3] =	stream.linear.scatter [tilespmem:s30], [sflag:$0x4], $0x8000, $0x38;
	[tilespmem:$0x1A000] =	vst v63  }
0x54a: {  	_ =	swait.ge [sflag:s17], $0x8000  }
0x54b: {  	[sflag:s17] =	ssyncset.done $0x0  }
0x54c: {  	[sflag:s17] =	ssyncadd.s32 $0xFFFF8000  }
0x54d: {  	v5 =	vld [tilespmem:$0x1E80];
	_ =	sdelay $0x4  }
0x54e: {  	v6 =	vshll.u32 v5, $0x1  }
0x54f: {  	v5 =	vand.u32 $0x7, v5;
	v6 =	vand.u32 $0xFFFFFFF0, v6  }
0x550: {  	v5 =	vor.u32 v5, v6  }
0x551: {  	v6 =	vperm.xlane v5, v2;
	_ =	sdelay $0x1  }
0x552: {  	v5 =	vperm.xlane v5, v4;
	v6 =	vadd.s32 v3, v6;
	_ =	sdelay $0x1  }
0x553: {  	v5 =	vadd.s32 v3, v5;
	_ =	sdelay $0x2  }
0x554: {  	[tilespmem:s23], [sflag:$0x2] =	stream.indirect_vreg.gather [hbm4b:s1+s3], $0x80, v6, vm0, $0xb8;
	[tilespmem:$0x1A000] =	vst v63  }
0x555: {  	s0 =	simm.s32 $0xA800  }
0x556: {  	[tilespmem:s0], [sflag:$0x2] =	stream.indirect_vreg.gather [hbm4b:s1+s3], $0x80, v5, vm0, $0xb8;
	[tilespmem:$0x1A000] =	vst v63  }
0x557: {  	v5 =	vld [tilespmem:$0x1E90];
	_ =	sdelay $0x4  }
0x558: {  	v6 =	vshll.u32 v5, $0x1  }
0x559: {  	v5 =	vand.u32 $0x7, v5;
	v6 =	vand.u32 $0xFFFFFFF0, v6  }
0x55a: {  	v5 =	vor.u32 v5, v6  }
0x55b: {  	v6 =	vperm.xlane v5, v2;
	_ =	sdelay $0x1  }
0x55c: {  	v5 =	vperm.xlane v5, v4;
	v6 =	vadd.s32 v3, v6;
	_ =	sdelay $0x1  }
0x55d: {  	v5 =	vadd.s32 v3, v5;
	_ =	sdelay $0x1  }
0x55e: {  	s0 =	simm.s32 $0xB000  }
0x55f: {  	[tilespmem:s0], [sflag:$0x2] =	stream.indirect_vreg.gather [hbm4b:s1+s3], $0x80, v6, vm0, $0xb8;
	[tilespmem:$0x1A000] =	vst v63  }
0x560: {  	s0 =	simm.s32 $0xB800  }
0x561: {  	[tilespmem:s0], [sflag:$0x2] =	stream.indirect_vreg.gather [hbm4b:s1+s3], $0x80, v5, vm0, $0xb8;
	[tilespmem:$0x1A000] =	vst v63  }
0x562: {  	v5 =	vld [tilespmem:$0x1EA0];
	_ =	sdelay $0x4  }
0x563: {  	v6 =	vshll.u32 v5, $0x1  }
0x564: {  	v5 =	vand.u32 $0x7, v5;
	v6 =	vand.u32 $0xFFFFFFF0, v6  }
0x565: {  	v5 =	vor.u32 v5, v6  }
0x566: {  	v6 =	vperm.xlane v5, v2;
	_ =	sdelay $0x1  }
0x567: {  	v5 =	vperm.xlane v5, v4;
	v6 =	vadd.s32 v3, v6;
	_ =	sdelay $0x1  }
0x568: {  	v5 =	vadd.s32 v3, v5;
	_ =	sdelay $0x1  }
0x569: {  	s0 =	simm.s32 $0xC000  }
0x56a: {  	[tilespmem:s0], [sflag:$0x2] =	stream.indirect_vreg.gather [hbm4b:s1+s3], $0x80, v6, vm0, $0xb8;
	[tilespmem:$0x1A000] =	vst v63  }
0x56b: {  	s0 =	simm.s32 $0xC800  }
0x56c: {  	[tilespmem:s0], [sflag:$0x2] =	stream.indirect_vreg.gather [hbm4b:s1+s3], $0x80, v5, vm0, $0xb8;
	[tilespmem:$0x1A000] =	vst v63  }
0x56d: {  	v5 =	vld [tilespmem:$0x1EB0];
	_ =	sdelay $0x4  }
0x56e: {  	v6 =	vshll.u32 v5, $0x1  }
0x56f: {  	v5 =	vand.u32 $0x7, v5;
	v6 =	vand.u32 $0xFFFFFFF0, v6  }
0x570: {  	v5 =	vor.u32 v5, v6  }
0x571: {  	v6 =	vperm.xlane v5, v2;
	_ =	sdelay $0x1  }
0x572: {  	v5 =	vperm.xlane v5, v4;
	v6 =	vadd.s32 v3, v6;
	_ =	sdelay $0x1  }
0x573: {  	v5 =	vadd.s32 v3, v5;
	_ =	sdelay $0x1  }
0x574: {  	s0 =	simm.s32 $0xD000  }
0x575: {  	[tilespmem:s0], [sflag:$0x2] =	stream.indirect_vreg.gather [hbm4b:s1+s3], $0x80, v6, vm0, $0xb8;
	[tilespmem:$0x1A000] =	vst v63  }
0x576: {  	s0 =	simm.s32 $0xD800  }
0x577: {  	[tilespmem:s0], [sflag:$0x2] =	stream.indirect_vreg.gather [hbm4b:s1+s3], $0x80, v5, vm0, $0xb8;
	[tilespmem:$0x1A000] =	vst v63  }
0x578: {  	v5 =	vld [tilespmem:$0x1EC0];
	_ =	sdelay $0x4  }
0x579: {  	v6 =	vshll.u32 v5, $0x1  }
0x57a: {  	v5 =	vand.u32 $0x7, v5;
	v6 =	vand.u32 $0xFFFFFFF0, v6  }
0x57b: {  	v5 =	vor.u32 v5, v6  }
0x57c: {  	v6 =	vperm.xlane v5, v2;
	_ =	sdelay $0x1  }
0x57d: {  	v5 =	vperm.xlane v5, v4;
	v6 =	vadd.s32 v3, v6;
	_ =	sdelay $0x1  }
0x57e: {  	v5 =	vadd.s32 v3, v5;
	_ =	sdelay $0x1  }
0x57f: {  	s0 =	simm.s32 $0xE000  }
0x580: {  	[tilespmem:s0], [sflag:$0x2] =	stream.indirect_vreg.gather [hbm4b:s1+s3], $0x80, v6, vm0, $0xb8;
	[tilespmem:$0x1A000] =	vst v63  }
0x581: {  	s0 =	simm.s32 $0xE800  }
0x582: {  	[tilespmem:s0], [sflag:$0x2] =	stream.indirect_vreg.gather [hbm4b:s1+s3], $0x80, v5, vm0, $0xb8;
	[tilespmem:$0x1A000] =	vst v63  }
0x583: {  	v5 =	vld [tilespmem:$0x1ED0];
	_ =	sdelay $0x4  }
0x584: {  	v6 =	vshll.u32 v5, $0x1  }
0x585: {  	v5 =	vand.u32 $0x7, v5;
	v6 =	vand.u32 $0xFFFFFFF0, v6  }
0x586: {  	v5 =	vor.u32 v5, v6  }
0x587: {  	v6 =	vperm.xlane v5, v2;
	_ =	sdelay $0x1  }
0x588: {  	v5 =	vperm.xlane v5, v4;
	v6 =	vadd.s32 v3, v6;
	_ =	sdelay $0x1  }
0x589: {  	v5 =	vadd.s32 v3, v5;
	_ =	sdelay $0x1  }
0x58a: {  	s0 =	simm.s32 $0xF000  }
0x58b: {  	[tilespmem:s0], [sflag:$0x2] =	stream.indirect_vreg.gather [hbm4b:s1+s3], $0x80, v6, vm0, $0xb8;
	[tilespmem:$0x1A000] =	vst v63  }
0x58c: {  	s0 =	simm.s32 $0xF800  }
0x58d: {  	[tilespmem:s0], [sflag:$0x2] =	stream.indirect_vreg.gather [hbm4b:s1+s3], $0x80, v5, vm0, $0xb8;
	[tilespmem:$0x1A000] =	vst v63  }
0x58e: {  	v5 =	vld [tilespmem:$0x1EE0];
	_ =	sdelay $0x4  }
0x58f: {  	v6 =	vshll.u32 v5, $0x1  }
0x590: {  	v5 =	vand.u32 $0x7, v5;
	v6 =	vand.u32 $0xFFFFFFF0, v6  }
0x591: {  	v5 =	vor.u32 v5, v6  }
0x592: {  	v6 =	vperm.xlane v5, v2;
	_ =	sdelay $0x1  }
0x593: {  	v5 =	vperm.xlane v5, v4;
	v6 =	vadd.s32 v3, v6;
	_ =	sdelay $0x1  }
0x594: {  	v5 =	vadd.s32 v3, v5;
	_ =	sdelay $0x1  }
0x595: {  	s0 =	simm.s32 $0x10000  }
0x596: {  	[tilespmem:s0], [sflag:$0x2] =	stream.indirect_vreg.gather [hbm4b:s1+s3], $0x80, v6, vm0, $0xb8;
	[tilespmem:$0x1A000] =	vst v63  }
0x597: {  	s0 =	simm.s32 $0x10800  }
0x598: {  	[tilespmem:s0], [sflag:$0x2] =	stream.indirect_vreg.gather [hbm4b:s1+s3], $0x80, v5, vm0, $0xb8;
	[tilespmem:$0x1A000] =	vst v63  }
0x599: {  	v5 =	vld [tilespmem:$0x1EF0];
	_ =	sdelay $0x4  }
0x59a: {  	v6 =	vshll.u32 v5, $0x1  }
0x59b: {  	v5 =	vand.u32 $0x7, v5;
	v6 =	vand.u32 $0xFFFFFFF0, v6  }
0x59c: {  	v5 =	vor.u32 v5, v6  }
0x59d: {  	v6 =	vperm.xlane v5, v2;
	_ =	sdelay $0x1  }
0x59e: {  	v5 =	vperm.xlane v5, v4;
	v6 =	vadd.s32 v3, v6;
	_ =	sdelay $0x1  }
0x59f: {  	v5 =	vadd.s32 v3, v5;
	_ =	sdelay $0x1  }
0x5a0: {  	s0 =	simm.s32 $0x11000  }
0x5a1: {  	[tilespmem:s0], [sflag:$0x2] =	stream.indirect_vreg.gather [hbm4b:s1+s3], $0x80, v6, vm0, $0xb8;
	[tilespmem:$0x1A000] =	vst v63  }
0x5a2: {  	s0 =	simm.s32 $0x11800  }
0x5a3: {  	[tilespmem:s0], [sflag:$0x2] =	stream.indirect_vreg.gather [hbm4b:s1+s3], $0x80, v5, vm0, $0xb8;
	[tilespmem:$0x1A000] =	vst v63  }
0x5a4: {  	_ =	swait.ge [sflag:s22], $0x8000  }
0x5a5: {  	[sflag:s22] =	ssyncset.done $0x0  }
0x5a6: {  	s0 =	rddreg [dreg:$0x13];
	[sflag:s22] =	ssyncadd.s32 $0xFFFF8000  }
0x5a7: {  	[hbm4b:s0+s3] =	stream.linear.scatter [tilespmem:s2], [sflag:$0x3], $0x8000, $0x38;
	[tilespmem:$0x1A000] =	vst v63  }
0x5a8: {  	_ =	swait.ge [sflag:s18], $0x8000  }
0x5a9: {  	[sflag:s18] =	ssyncset.done $0x0  }
0x5aa: {  	[sflag:s18] =	ssyncadd.s32 $0xFFFF8000  }
0x5ab: {  	v5 =	vld [tilespmem:$0x1F00];
	_ =	sdelay $0x4  }
0x5ac: {  	v6 =	vshll.u32 v5, $0x1  }
0x5ad: {  	v5 =	vand.u32 $0x7, v5;
	v6 =	vand.u32 $0xFFFFFFF0, v6  }
0x5ae: {  	v5 =	vor.u32 v5, v6  }
0x5af: {  	v6 =	vperm.xlane v5, v2;
	_ =	sdelay $0x1  }
0x5b0: {  	v5 =	vperm.xlane v5, v4;
	v6 =	vadd.s32 v3, v6;
	_ =	sdelay $0x1  }
0x5b1: {  	v5 =	vadd.s32 v3, v5;
	_ =	sdelay $0x2  }
0x5b2: {  	[tilespmem:s30], [sflag:$0x1] =	stream.indirect_vreg.gather [hbm4b:s1+s3], $0x80, v6, vm0, $0xb8;
	[tilespmem:$0x1A000] =	vst v63  }
0x5b3: {  	s0 =	simm.s32 $0x12800  }
0x5b4: {  	[tilespmem:s0], [sflag:$0x1] =	stream.indirect_vreg.gather [hbm4b:s1+s3], $0x80, v5, vm0, $0xb8;
	[tilespmem:$0x1A000] =	vst v63  }
0x5b5: {  	v5 =	vld [tilespmem:$0x1F10];
	_ =	sdelay $0x4  }
0x5b6: {  	v6 =	vshll.u32 v5, $0x1  }
0x5b7: {  	v5 =	vand.u32 $0x7, v5;
	v6 =	vand.u32 $0xFFFFFFF0, v6  }
0x5b8: {  	v5 =	vor.u32 v5, v6  }
0x5b9: {  	v6 =	vperm.xlane v5, v2;
	_ =	sdelay $0x1  }
0x5ba: {  	v5 =	vperm.xlane v5, v4;
	v6 =	vadd.s32 v3, v6;
	_ =	sdelay $0x1  }
0x5bb: {  	v5 =	vadd.s32 v3, v5;
	_ =	sdelay $0x1  }
0x5bc: {  	s7 =	simm.s32 $0x13000  }
0x5bd: {  	[tilespmem:s7], [sflag:$0x1] =	stream.indirect_vreg.gather [hbm4b:s1+s3], $0x80, v6, vm0, $0xb8;
	[tilespmem:$0x1A000] =	vst v63  }
0x5be: {  	s7 =	simm.s32 $0x13800  }
0x5bf: {  	[tilespmem:s7], [sflag:$0x1] =	stream.indirect_vreg.gather [hbm4b:s1+s3], $0x80, v5, vm0, $0xb8;
	[tilespmem:$0x1A000] =	vst v63  }
0x5c0: {  	v5 =	vld [tilespmem:$0x1F20];
	_ =	sdelay $0x4  }
0x5c1: {  	v6 =	vshll.u32 v5, $0x1  }
0x5c2: {  	v5 =	vand.u32 $0x7, v5;
	v6 =	vand.u32 $0xFFFFFFF0, v6  }
0x5c3: {  	v5 =	vor.u32 v5, v6  }
0x5c4: {  	v6 =	vperm.xlane v5, v2;
	_ =	sdelay $0x1  }
0x5c5: {  	v5 =	vperm.xlane v5, v4;
	v6 =	vadd.s32 v3, v6;
	_ =	sdelay $0x1  }
0x5c6: {  	v5 =	vadd.s32 v3, v5;
	_ =	sdelay $0x1  }
0x5c7: {  	s9 =	simm.s32 $0x14000  }
0x5c8: {  	[tilespmem:s9], [sflag:$0x1] =	stream.indirect_vreg.gather [hbm4b:s1+s3], $0x80, v6, vm0, $0xb8;
	[tilespmem:$0x1A000] =	vst v63  }
0x5c9: {  	s9 =	simm.s32 $0x14800  }
0x5ca: {  	[tilespmem:s9], [sflag:$0x1] =	stream.indirect_vreg.gather [hbm4b:s1+s3], $0x80, v5, vm0, $0xb8;
	[tilespmem:$0x1A000] =	vst v63  }
0x5cb: {  	v5 =	vld [tilespmem:$0x1F30];
	_ =	sdelay $0x4  }
0x5cc: {  	v6 =	vshll.u32 v5, $0x1  }
0x5cd: {  	v5 =	vand.u32 $0x7, v5;
	v6 =	vand.u32 $0xFFFFFFF0, v6  }
0x5ce: {  	v5 =	vor.u32 v5, v6  }
0x5cf: {  	v6 =	vperm.xlane v5, v2;
	_ =	sdelay $0x1  }
0x5d0: {  	v5 =	vperm.xlane v5, v4;
	v6 =	vadd.s32 v3, v6;
	_ =	sdelay $0x1  }
0x5d1: {  	v5 =	vadd.s32 v3, v5;
	_ =	sdelay $0x1  }
0x5d2: {  	s10 =	simm.s32 $0x15000  }
0x5d3: {  	[tilespmem:s10], [sflag:$0x1] =	stream.indirect_vreg.gather [hbm4b:s1+s3], $0x80, v6, vm0, $0xb8;
	[tilespmem:$0x1A000] =	vst v63  }
0x5d4: {  	s10 =	simm.s32 $0x15800  }
0x5d5: {  	[tilespmem:s10], [sflag:$0x1] =	stream.indirect_vreg.gather [hbm4b:s1+s3], $0x80, v5, vm0, $0xb8;
	[tilespmem:$0x1A000] =	vst v63  }
0x5d6: {  	v5 =	vld [tilespmem:$0x1F40];
	_ =	sdelay $0x4  }
0x5d7: {  	v6 =	vshll.u32 v5, $0x1  }
0x5d8: {  	v5 =	vand.u32 $0x7, v5;
	v6 =	vand.u32 $0xFFFFFFF0, v6  }
0x5d9: {  	v5 =	vor.u32 v5, v6  }
0x5da: {  	v6 =	vperm.xlane v5, v2;
	_ =	sdelay $0x1  }
0x5db: {  	v5 =	vperm.xlane v5, v4;
	v6 =	vadd.s32 v3, v6;
	_ =	sdelay $0x1  }
0x5dc: {  	v5 =	vadd.s32 v3, v5;
	_ =	sdelay $0x1  }
0x5dd: {  	s25 =	simm.s32 $0x16000  }
0x5de: {  	[tilespmem:s25], [sflag:$0x1] =	stream.indirect_vreg.gather [hbm4b:s1+s3], $0x80, v6, vm0, $0xb8;
	[tilespmem:$0x1A000] =	vst v63  }
0x5df: {  	s25 =	simm.s32 $0x16800  }
0x5e0: {  	[tilespmem:s25], [sflag:$0x1] =	stream.indirect_vreg.gather [hbm4b:s1+s3], $0x80, v5, vm0, $0xb8;
	[tilespmem:$0x1A000] =	vst v63  }
0x5e1: {  	v5 =	vld [tilespmem:$0x1F50];
	_ =	sdelay $0x4  }
0x5e2: {  	v6 =	vshll.u32 v5, $0x1  }
0x5e3: {  	v5 =	vand.u32 $0x7, v5;
	v6 =	vand.u32 $0xFFFFFFF0, v6  }
0x5e4: {  	v5 =	vor.u32 v5, v6  }
0x5e5: {  	v6 =	vperm.xlane v5, v2;
	_ =	sdelay $0x1  }
0x5e6: {  	v5 =	vperm.xlane v5, v4;
	v6 =	vadd.s32 v3, v6;
	_ =	sdelay $0x1  }
0x5e7: {  	v5 =	vadd.s32 v3, v5;
	_ =	sdelay $0x1  }
0x5e8: {  	s26 =	simm.s32 $0x17000  }
0x5e9: {  	[tilespmem:s26], [sflag:$0x1] =	stream.indirect_vreg.gather [hbm4b:s1+s3], $0x80, v6, vm0, $0xb8;
	[tilespmem:$0x1A000] =	vst v63  }
0x5ea: {  	s26 =	simm.s32 $0x17800  }
0x5eb: {  	[tilespmem:s26], [sflag:$0x1] =	stream.indirect_vreg.gather [hbm4b:s1+s3], $0x80, v5, vm0, $0xb8;
	[tilespmem:$0x1A000] =	vst v63  }
0x5ec: {  	v5 =	vld [tilespmem:$0x1F60];
	_ =	sdelay $0x4  }
0x5ed: {  	v6 =	vshll.u32 v5, $0x1  }
0x5ee: {  	v5 =	vand.u32 $0x7, v5;
	v6 =	vand.u32 $0xFFFFFFF0, v6  }
0x5ef: {  	v5 =	vor.u32 v5, v6  }
0x5f0: {  	v6 =	vperm.xlane v5, v2;
	_ =	sdelay $0x1  }
0x5f1: {  	v5 =	vperm.xlane v5, v4;
	v6 =	vadd.s32 v3, v6;
	_ =	sdelay $0x1  }
0x5f2: {  	v5 =	vadd.s32 v3, v5;
	_ =	sdelay $0x1  }
0x5f3: {  	s28 =	simm.s32 $0x18000  }
0x5f4: {  	[tilespmem:s28], [sflag:$0x1] =	stream.indirect_vreg.gather [hbm4b:s1+s3], $0x80, v6, vm0, $0xb8;
	[tilespmem:$0x1A000] =	vst v63  }
0x5f5: {  	s7 =	simm.s32 $0x18800  }
0x5f6: {  	[tilespmem:s7], [sflag:$0x1] =	stream.indirect_vreg.gather [hbm4b:s1+s3], $0x80, v5, vm0, $0xb8;
	[tilespmem:$0x1A000] =	vst v63  }
0x5f7: {  	v5 =	vld [tilespmem:$0x1F70];
	_ =	sdelay $0x4  }
0x5f8: {  	v6 =	vshll.u32 v5, $0x1  }
0x5f9: {  	v5 =	vand.u32 $0x7, v5;
	v6 =	vand.u32 $0xFFFFFFF0, v6  }
0x5fa: {  	v5 =	vor.u32 v5, v6  }
0x5fb: {  	v6 =	vperm.xlane v5, v2;
	_ =	sdelay $0x1  }
0x5fc: {  	v5 =	vperm.xlane v5, v4;
	v6 =	vadd.s32 v3, v6;
	_ =	sdelay $0x1  }
0x5fd: {  	v5 =	vadd.s32 v3, v5;
	_ =	sdelay $0x1  }
0x5fe: {  	s31 =	simm.s32 $0x19000  }
0x5ff: {  	[tilespmem:s31], [sflag:$0x1] =	stream.indirect_vreg.gather [hbm4b:s1+s3], $0x80, v6, vm0, $0xb8;
	[tilespmem:$0x1A000] =	vst v63  }
0x600: {  	s9 =	simm.s32 $0x19800  }
0x601: {  	[tilespmem:s9], [sflag:$0x1] =	stream.indirect_vreg.gather [hbm4b:s1+s3], $0x80, v5, vm0, $0xb8;
	[tilespmem:$0x1A000] =	vst v63  }
0x602: {  	_ =	swait.ge [sflag:s16], $0x8000  }
0x603: {  	[sflag:s16] =	ssyncset.done $0x0  }
0x604: {  	s10 =	rddreg [dreg:$0x14];
	[sflag:s16] =	ssyncadd.s32 $0xFFFF8000  }
0x605: {  	[hbm4b:s10+s3] =	stream.linear.scatter [tilespmem:s23], [sflag:$0x4], $0x8000, $0x38;
	[tilespmem:$0x1A000] =	vst v63  }
0x606: {  	_ =	swait.ge [sflag:s17], $0x8000  }
0x607: {  	[sflag:s17] =	ssyncset.done $0x0  }
0x608: {  	[sflag:s17] =	ssyncadd.s32 $0xFFFF8000  }
0x609: {  	v5 =	vld [tilespmem:$0x1F80];
	_ =	sdelay $0x4  }
0x60a: {  	v6 =	vshll.u32 v5, $0x1  }
0x60b: {  	v5 =	vand.u32 $0x7, v5;
	v6 =	vand.u32 $0xFFFFFFF0, v6  }
0x60c: {  	v5 =	vor.u32 v5, v6  }
0x60d: {  	v6 =	vperm.xlane v5, v2;
	_ =	sdelay $0x1  }
0x60e: {  	v5 =	vperm.xlane v5, v4;
	v6 =	vadd.s32 v3, v6;
	_ =	sdelay $0x1  }
0x60f: {  	v5 =	vadd.s32 v3, v5;
	_ =	sdelay $0x2  }
0x610: {  	[tilespmem:s2], [sflag:$0x2] =	stream.indirect_vreg.gather [hbm4b:s1+s3], $0x80, v6, vm0, $0xb8;
	[tilespmem:$0x1A000] =	vst v63  }
0x611: {  	s6 =	simm.s32 $0x2800  }
0x612: {  	[tilespmem:s6], [sflag:$0x2] =	stream.indirect_vreg.gather [hbm4b:s1+s3], $0x80, v5, vm0, $0xb8;
	[tilespmem:$0x1A000] =	vst v63  }
0x613: {  	v5 =	vld [tilespmem:$0x1F90];
	_ =	sdelay $0x4  }
0x614: {  	v6 =	vshll.u32 v5, $0x1  }
0x615: {  	v5 =	vand.u32 $0x7, v5;
	v6 =	vand.u32 $0xFFFFFFF0, v6  }
0x616: {  	v5 =	vor.u32 v5, v6  }
0x617: {  	v6 =	vperm.xlane v5, v2;
	_ =	sdelay $0x1  }
0x618: {  	v5 =	vperm.xlane v5, v4;
	v6 =	vadd.s32 v3, v6;
	_ =	sdelay $0x1  }
0x619: {  	v5 =	vadd.s32 v3, v5;
	_ =	sdelay $0x1  }
0x61a: {  	s5 =	simm.s32 $0x3000  }
0x61b: {  	[tilespmem:s5], [sflag:$0x2] =	stream.indirect_vreg.gather [hbm4b:s1+s3], $0x80, v6, vm0, $0xb8;
	[tilespmem:$0x1A000] =	vst v63  }
0x61c: {  	s13 =	simm.s32 $0x3800  }
0x61d: {  	[tilespmem:s13], [sflag:$0x2] =	stream.indirect_vreg.gather [hbm4b:s1+s3], $0x80, v5, vm0, $0xb8;
	[tilespmem:$0x1A000] =	vst v63  }
0x61e: {  	v5 =	vld [tilespmem:$0x1FA0];
	_ =	sdelay $0x4  }
0x61f: {  	v6 =	vshll.u32 v5, $0x1  }
0x620: {  	v5 =	vand.u32 $0x7, v5;
	v6 =	vand.u32 $0xFFFFFFF0, v6  }
0x621: {  	v5 =	vor.u32 v5, v6  }
0x622: {  	v6 =	vperm.xlane v5, v2;
	_ =	sdelay $0x1  }
0x623: {  	v5 =	vperm.xlane v5, v4;
	v6 =	vadd.s32 v3, v6;
	_ =	sdelay $0x1  }
0x624: {  	v5 =	vadd.s32 v3, v5;
	_ =	sdelay $0x1  }
0x625: {  	s15 =	simm.s32 $0x4000  }
0x626: {  	[tilespmem:s15], [sflag:$0x2] =	stream.indirect_vreg.gather [hbm4b:s1+s3], $0x80, v6, vm0, $0xb8;
	[tilespmem:$0x1A000] =	vst v63  }
0x627: {  	s14 =	simm.s32 $0x4800  }
0x628: {  	[tilespmem:s14], [sflag:$0x2] =	stream.indirect_vreg.gather [hbm4b:s1+s3], $0x80, v5, vm0, $0xb8;
	[tilespmem:$0x1A000] =	vst v63  }
0x629: {  	v5 =	vld [tilespmem:$0x1FB0];
	_ =	sdelay $0x4  }
0x62a: {  	v6 =	vshll.u32 v5, $0x1  }
0x62b: {  	v5 =	vand.u32 $0x7, v5;
	v6 =	vand.u32 $0xFFFFFFF0, v6  }
0x62c: {  	v5 =	vor.u32 v5, v6  }
0x62d: {  	v6 =	vperm.xlane v5, v2;
	_ =	sdelay $0x1  }
0x62e: {  	v5 =	vperm.xlane v5, v4;
	v6 =	vadd.s32 v3, v6;
	_ =	sdelay $0x1  }
0x62f: {  	v5 =	vadd.s32 v3, v5;
	_ =	sdelay $0x1  }
0x630: {  	s20 =	simm.s32 $0x5000  }
0x631: {  	[tilespmem:s20], [sflag:$0x2] =	stream.indirect_vreg.gather [hbm4b:s1+s3], $0x80, v6, vm0, $0xb8;
	[tilespmem:$0x1A000] =	vst v63  }
0x632: {  	s20 =	simm.s32 $0x5800  }
0x633: {  	[tilespmem:s20], [sflag:$0x2] =	stream.indirect_vreg.gather [hbm4b:s1+s3], $0x80, v5, vm0, $0xb8;
	[tilespmem:$0x1A000] =	vst v63  }
0x634: {  	v5 =	vld [tilespmem:$0x1FC0];
	_ =	sdelay $0x4  }
0x635: {  	v6 =	vshll.u32 v5, $0x1  }
0x636: {  	v5 =	vand.u32 $0x7, v5;
	v6 =	vand.u32 $0xFFFFFFF0, v6  }
0x637: {  	v5 =	vor.u32 v5, v6  }
0x638: {  	v6 =	vperm.xlane v5, v2;
	_ =	sdelay $0x1  }
0x639: {  	v5 =	vperm.xlane v5, v4;
	v6 =	vadd.s32 v3, v6;
	_ =	sdelay $0x1  }
0x63a: {  	v5 =	vadd.s32 v3, v5;
	_ =	sdelay $0x1  }
0x63b: {  	s21 =	simm.s32 $0x6000  }
0x63c: {  	[tilespmem:s21], [sflag:$0x2] =	stream.indirect_vreg.gather [hbm4b:s1+s3], $0x80, v6, vm0, $0xb8;
	[tilespmem:$0x1A000] =	vst v63  }
0x63d: {  	s21 =	simm.s32 $0x6800  }
0x63e: {  	[tilespmem:s21], [sflag:$0x2] =	stream.indirect_vreg.gather [hbm4b:s1+s3], $0x80, v5, vm0, $0xb8;
	[tilespmem:$0x1A000] =	vst v63  }
0x63f: {  	v5 =	vld [tilespmem:$0x1FD0];
	_ =	sdelay $0x4  }
0x640: {  	v6 =	vshll.u32 v5, $0x1  }
0x641: {  	v5 =	vand.u32 $0x7, v5;
	v6 =	vand.u32 $0xFFFFFFF0, v6  }
0x642: {  	v5 =	vor.u32 v5, v6  }
0x643: {  	v6 =	vperm.xlane v5, v2;
	_ =	sdelay $0x1  }
0x644: {  	v5 =	vperm.xlane v5, v4;
	v6 =	vadd.s32 v3, v6;
	_ =	sdelay $0x1  }
0x645: {  	v5 =	vadd.s32 v3, v5;
	_ =	sdelay $0x1  }
0x646: {  	s24 =	simm.s32 $0x7000  }
0x647: {  	[tilespmem:s24], [sflag:$0x2] =	stream.indirect_vreg.gather [hbm4b:s1+s3], $0x80, v6, vm0, $0xb8;
	[tilespmem:$0x1A000] =	vst v63  }
0x648: {  	s24 =	simm.s32 $0x7800  }
0x649: {  	[tilespmem:s24], [sflag:$0x2] =	stream.indirect_vreg.gather [hbm4b:s1+s3], $0x80, v5, vm0, $0xb8;
	[tilespmem:$0x1A000] =	vst v63  }
0x64a: {  	v5 =	vld [tilespmem:$0x1FE0];
	_ =	sdelay $0x4  }
0x64b: {  	v6 =	vshll.u32 v5, $0x1  }
0x64c: {  	v5 =	vand.u32 $0x7, v5;
	v6 =	vand.u32 $0xFFFFFFF0, v6  }
0x64d: {  	v5 =	vor.u32 v5, v6  }
0x64e: {  	v6 =	vperm.xlane v5, v2;
	_ =	sdelay $0x1  }
0x64f: {  	v5 =	vperm.xlane v5, v4;
	v6 =	vadd.s32 v3, v6;
	_ =	sdelay $0x1  }
0x650: {  	v5 =	vadd.s32 v3, v5;
	_ =	sdelay $0x1  }
0x651: {  	s11 =	simm.s32 $0x8000  }
0x652: {  	[tilespmem:s11], [sflag:$0x2] =	stream.indirect_vreg.gather [hbm4b:s1+s3], $0x80, v6, vm0, $0xb8;
	[tilespmem:$0x1A000] =	vst v63  }
0x653: {  	s25 =	simm.s32 $0x8800  }
0x654: {  	[tilespmem:s25], [sflag:$0x2] =	stream.indirect_vreg.gather [hbm4b:s1+s3], $0x80, v5, vm0, $0xb8;
	[tilespmem:$0x1A000] =	vst v63  }
0x655: {  	v5 =	vld [tilespmem:$0x1FF0];
	_ =	sdelay $0x4  }
0x656: {  	v6 =	vshll.u32 v5, $0x1  }
0x657: {  	v5 =	vand.u32 $0x7, v5;
	v6 =	vand.u32 $0xFFFFFFF0, v6  }
0x658: {  	v5 =	vor.u32 v5, v6  }
0x659: {  	v6 =	vperm.xlane v5, v2;
	_ =	sdelay $0x1  }
0x65a: {  	v5 =	vperm.xlane v5, v4;
	v6 =	vadd.s32 v3, v6;
	_ =	sdelay $0x1  }
0x65b: {  	v5 =	vadd.s32 v3, v5;
	_ =	sdelay $0x1  }
0x65c: {  	s8 =	simm.s32 $0x9000  }
0x65d: {  	[tilespmem:s8], [sflag:$0x2] =	stream.indirect_vreg.gather [hbm4b:s1+s3], $0x80, v6, vm0, $0xb8;
	[tilespmem:$0x1A000] =	vst v63  }
0x65e: {  	s12 =	simm.s32 $0x9800  }
0x65f: {  	[tilespmem:s12], [sflag:$0x2] =	stream.indirect_vreg.gather [hbm4b:s1+s3], $0x80, v5, vm0, $0xb8;
	[tilespmem:$0x1A000] =	vst v63  }
0x660: {  	_ =	swait.ge [sflag:s22], $0x8000  }
0x661: {  	[sflag:s22] =	ssyncset.done $0x0  }
0x662: {  	s26 =	rddreg [dreg:$0x15];
	[sflag:s22] =	ssyncadd.s32 $0xFFFF8000  }
0x663: {  	[hbm4b:s26+s3] =	stream.linear.scatter [tilespmem:s30], [sflag:$0x3], $0x8000, $0x38;
	[tilespmem:$0x1A000] =	vst v63  }
0x664: {  	_ =	swait.ge [sflag:s16], $0x8000  }
0x665: {  	[sflag:s16] =	ssyncset.done $0x0  }
0x666: {  	s28 =	rddreg [dreg:$0x16];
	[sflag:s16] =	ssyncadd.s32 $0xFFFF8000  }
0x667: {  	[hbm4b:s28+s3] =	stream.linear.scatter [tilespmem:s2], [sflag:$0x4], $0x8000, $0x38;
	[tilespmem:$0x1A000] =	vst v63  }
0x668: {  	_ =	swait.ge [sflag:s17], $0x8000  }
0x669: {  	[sflag:s17] =	ssyncset.done $0x0  }
0x66a: {  	[sflag:s17] =	ssyncadd.s32 $0xFFFF8000  }
0x66b: {  	_ =	swait.ge [sflag:s18], $0x8000  }
0x66c: {  	s19 =	sadd.s32 $0x1, s19;
	s31 =	rddreg [dreg:$0x17]  }
0x66d: {  	p0 =	sne.s32 s19, s31  }
.Ltmp3:
0x66e: {  	_ = 	snop;
	(pc) =	sbr.rel @p0 .LBB2_1-.Ltmp3, $3  }
0x66f: {  	_ =	sdelay $0x1  }
0x670: {  	[sflag:s18] =	ssyncset.done $0x0  }
0x671: {  	[sflag:s18] =	ssyncadd.s32 $0xFFFF8000  }
0x672: {  	_ =	sfence.sel $0x180000  }
0x673: {  	[bflag:$0x0] =	sbarrier.arrive $0xFFFF  }
0x674: {  	_ =	strace $0x90000047  }
0x675: {  	s0 =	stileid.u32;
	[bflag:$0x2] =	sbarrier.arrive $0xFFFF  }
0x676: {  	p0 =	sne.s32 s0, $0x0;
	s0 =	rddreg [dreg:$0x4]  }
0x677: {  	s0 =	sadd.s32 @!p0 $0x100000, s0  }
0x678: {  	[sflag:s0] =	ssyncadd.tile.s32 @!p0 $0x1;
	_ =	shalt  }
.Lfunc_end2:
_tile_overlayer_lowered:
.L_overlay_start_2:
0x679: {  	(tag) =	ssettag $0x2  }
0x67a: {  	s0 =	rddreg [dreg:$0x0];
	s2 =	stileid.u32  }
0x67b: {  	s1 =	rddreg [dreg:$0x1];
	p0 =	sne.s32 s2, $0x0  }
0x67c: {  	s3 =	rddreg [dreg:$0x2];
	[bflag:$0x3] =	sbarrier.arrive $0xFFFF;
	s2 =	simm.s32 @!p0 $0x1C05  }
0x67d: {  	[timem:s3], [sflag:s2] =	dma.local @!p0 [hbm:s0], s1  }
0x67e: {  	s0 =	simm.s32 @!p0 $0x5  }
0x67f: {  	_ =	swait.ge @!p0 [sflag:s0], s1  }
0x680: {  	s1 =	ssub.s32 @!p0 $0x0, s1;
	[sflag:s0] =	ssyncset.done @!p0 $0x0  }
0x681: {  	[sflag:s0] =	ssyncadd.s32 @!p0 s1  }
0x682: {  	[bflag:$0x3] =	sbarrier.arrive $0xFFFF  }
0x683: {  	_ =	shalt  }

</sc_bundles>
